<compile_context>
chip_gen: v7x
topology: tpu7x:2x2x1
jax: 0.10.2.dev20260603
libtpu: 0.0.44.dev20260713+nightly
codegen_flags: <defaults>
</compile_context>

<pallas_src>
import functools

import jax
import jax.numpy as jnp
from jax import lax
from jax.experimental import pallas as pl
from jax.experimental.pallas import tpu as pltpu
from jax.experimental.pallas import tpu_sc as plsc

N = 10000
E = 320000
D = 128
H = 128
C = 40
BN_EPS = 1e-5

NC = 2
NS = 16
NW = NC * NS
NP = 10240
RPT = NP // NS
EPW = E // NW
BLK = 640
GRID = NP // BLK

_mesh = plsc.VectorSubcoreMesh(core_axis_name="c", subcore_axis_name="s")


DCH = 128
DFULL = EPW // DCH
DREM = EPW - DFULL * DCH
DNB = 2


@functools.partial(
    pl.kernel,
    out_type=jax.ShapeDtypeStruct((NC * NP,), jnp.float32),
    mesh=_mesh,
    scratch_types=[
        pltpu.VMEM_SHARED((NP,), jnp.float32),
        pltpu.VMEM((EPW,), jnp.int32),
        pltpu.VMEM((DNB, DCH), jnp.int32),
        pltpu.VMEM((DREM,), jnp.int32),
        pltpu.VMEM((DCH,), jnp.float32),
        pltpu.VMEM((RPT,), jnp.float32),
        pltpu.SemaphoreType.DMA((DNB,)),
    ],
)
def _sc_degree(dst_hbm, out_hbm, deg_sh, dstiA, dsti_v, dsti_r, ones_v,
               zeros_v, ssem):
    c = lax.axis_index("c")
    s = lax.axis_index("s")
    wid = c * NS + s

    def fill_zero(i, _):
        zeros_v[pl.ds(i * 16, 16)] = jnp.zeros((16,), jnp.float32)
        return _
    lax.fori_loop(0, RPT // 16, fill_zero, None)

    def fill_one(i, _):
        ones_v[pl.ds(i * 16, 16)] = jnp.full((16,), 1.0, jnp.float32)
        return _
    lax.fori_loop(0, DCH // 16, fill_one, None)

    pltpu.sync_copy(zeros_v, deg_sh.at[pl.ds(s * RPT, RPT)])
    pltpu.sync_copy(dst_hbm.at[pl.ds(wid * EPW, EPW)], dstiA)
    plsc.subcore_barrier()

    def stage_idx(k, b):
        for j in range(DCH // 16):
            dsti_v[b, pl.ds(j * 16, 16)] = dstiA[pl.ds(k * DCH + j * 16, 16)]

    for b in range(DNB):
        stage_idx(b, b)

    def body(m, _):
        for b in range(DNB):
            k = m * DNB + b
            pltpu.async_copy(ones_v, deg_sh.at[dsti_v.at[b]], ssem.at[b],
                             add=True)
            kn = k + DNB

            @pl.when(kn < DFULL)
            def _():
                pltpu.make_async_copy(ones_v, deg_sh.at[dsti_v.at[b]],
                                      ssem.at[b]).wait()
                stage_idx(kn, b)
        return _
    lax.fori_loop(0, DFULL // DNB, body, None)
    for b in range(DNB):
        pltpu.make_async_copy(ones_v, deg_sh.at[dsti_v.at[b]],
                              ssem.at[b]).wait()
    for j in range(DREM // 16):
        dsti_r[pl.ds(j * 16, 16)] = dstiA[pl.ds(DFULL * DCH + j * 16, 16)]
    pltpu.sync_copy(ones_v.at[pl.ds(0, DREM)], deg_sh.at[dsti_r], add=True)

    plsc.subcore_barrier()
    pltpu.sync_copy(deg_sh.at[pl.ds(s * RPT, RPT)],
                    out_hbm.at[pl.ds(c * NP + s * RPT, RPT)])


ACH = 128
AFULL = EPW // ACH
AREM = EPW - AFULL * ACH
ANB = 2


@functools.partial(
    pl.kernel,
    out_type=jax.ShapeDtypeStruct((NC * NP, H), jnp.float32),
    mesh=_mesh,
    scratch_types=[
        pltpu.VMEM_SHARED((NP, H), jnp.float32),
        pltpu.VMEM((EPW,), jnp.int32),
        pltpu.VMEM((ANB, ACH), jnp.int32),
        pltpu.VMEM((AREM,), jnp.int32),
        pltpu.VMEM((ANB * ACH, H), jnp.float32),
        pltpu.SemaphoreType.DMA((ANB,)),
        pltpu.SemaphoreType.DMA((ANB,)),
        pltpu.SemaphoreType.DMA((ANB,)),
    ],
)
def _sc_aggregate(y_hbm, src_hbm, dst_hbm, out_hbm,
                  acc_sh, srciA, dsti_v, dsti_r, rows_v, gsem, ssem, isem):
    c = lax.axis_index("c")
    s = lax.axis_index("s")
    wid = c * NS + s

    def fill_zero(i, _):
        for j in range(H // 16):
            rows_v[i, pl.ds(j * 16, 16)] = jnp.zeros((16,), jnp.float32)
        return _
    lax.fori_loop(0, 64, fill_zero, None)

    def zero_acc(j, _):
        pltpu.sync_copy(rows_v.at[pl.ds(0, 64)],
                        acc_sh.at[pl.ds(s * RPT + j * 64, 64)])
        return _
    lax.fori_loop(0, RPT // 64, zero_acc, None)

    pltpu.sync_copy(src_hbm.at[pl.ds(wid * EPW, EPW)], srciA)
    plsc.subcore_barrier()

    def d_copy(k, b):
        return pltpu.make_async_copy(
            dst_hbm.at[pl.ds(wid * EPW + k * ACH, ACH)],
            dsti_v.at[b], isem.at[b])

    def g_copy(k, b):
        return pltpu.make_async_copy(
            y_hbm.at[srciA.at[pl.ds(k * ACH, ACH)]],
            rows_v.at[pl.ds(b * ACH, ACH)], gsem.at[b])

    def s_copy(b):
        return pltpu.make_async_copy(
            rows_v.at[pl.ds(b * ACH, ACH)],
            acc_sh.at[dsti_v.at[b]], ssem.at[b])

    for b in range(ANB):
        d_copy(b, b).start()
        g_copy(b, b).start()

    def body(m, _):
        for b in range(ANB):
            k = m * ANB + b
            g_copy(k, b).wait()
            d_copy(k, b).wait()
            pltpu.async_copy(rows_v.at[pl.ds(b * ACH, ACH)],
                             acc_sh.at[dsti_v.at[b]], ssem.at[b], add=True)
            s_copy(b).wait()
            kn = k + ANB

            @pl.when(kn < AFULL)
            def _():
                d_copy(kn, b).start()
                g_copy(kn, b).start()
        return _
    lax.fori_loop(0, AFULL // ANB, body, None)

    rem = AFULL * ACH
    pltpu.sync_copy(dst_hbm.at[pl.ds(wid * EPW + rem, AREM)], dsti_r)
    pltpu.async_copy(y_hbm.at[srciA.at[pl.ds(rem, AREM)]],
                     rows_v.at[pl.ds(0, AREM)], gsem.at[0])
    pltpu.make_async_copy(y_hbm.at[srciA.at[pl.ds(rem, AREM)]],
                          rows_v.at[pl.ds(0, AREM)], gsem.at[0]).wait()
    pltpu.sync_copy(rows_v.at[pl.ds(0, AREM)], acc_sh.at[dsti_r], add=True)

    plsc.subcore_barrier()
    pltpu.sync_copy(acc_sh.at[pl.ds(s * RPT, RPT)],
                    out_hbm.at[pl.ds(c * NP + s * RPT, RPT)])


def _tc1_body(degA, degB, x_ref, w_ref, y_ref):
    deg = degA[...] + degB[...] + 1.0
    dinv = lax.rsqrt(deg)
    h = jnp.dot(x_ref[...], w_ref[...], preferred_element_type=jnp.float32)
    y_ref[...] = h * dinv


def _tc1(deg2, x_pad, W1):
    return pl.pallas_call(
        _tc1_body,
        grid=(GRID,),
        in_specs=[
            pl.BlockSpec((BLK, 1), lambda i: (i, 0)),
            pl.BlockSpec((BLK, 1), lambda i: (i + GRID, 0)),
            pl.BlockSpec((BLK, D), lambda i: (i, 0)),
            pl.BlockSpec((D, H), lambda i: (0, 0)),
        ],
        out_specs=pl.BlockSpec((BLK, H), lambda i: (i, 0)),
        out_shape=jax.ShapeDtypeStruct((NP, H), jnp.float32),
        compiler_params=pltpu.CompilerParams(
            dimension_semantics=("arbitrary",)),
    )(deg2, deg2, x_pad, W1)


def _tc2_body(degA, degB, aggA, aggB, y_ref, b_ref, g_ref, be_ref, rm_ref,
              rv_ref, w_ref, out_ref):
    dinv = lax.rsqrt(degA[...] + degB[...] + 1.0)
    t = dinv * (aggA[...] + aggB[...] + y_ref[...]) + b_ref[...]
    t = jnp.maximum(t, 0.0)
    t = (t - rm_ref[...]) * lax.rsqrt(rv_ref[...] + BN_EPS) * g_ref[...] \
        + be_ref[...]
    t = jnp.maximum(t, 0.0)
    h = jnp.dot(t, w_ref[...], preferred_element_type=jnp.float32)
    out_ref[...] = h * dinv


def _tc2(deg2, aggs, y1, b1, g1, be1, rm1, rv1, W2):
    row = pl.BlockSpec((1, H), lambda i: (0, 0))
    return pl.pallas_call(
        _tc2_body,
        grid=(GRID,),
        in_specs=[
            pl.BlockSpec((BLK, 1), lambda i: (i, 0)),
            pl.BlockSpec((BLK, 1), lambda i: (i + GRID, 0)),
            pl.BlockSpec((BLK, H), lambda i: (i, 0)),
            pl.BlockSpec((BLK, H), lambda i: (i + GRID, 0)),
            pl.BlockSpec((BLK, H), lambda i: (i, 0)),
            row, row, row, row, row,
            pl.BlockSpec((H, H), lambda i: (0, 0)),
        ],
        out_specs=pl.BlockSpec((BLK, H), lambda i: (i, 0)),
        out_shape=jax.ShapeDtypeStruct((NP, H), jnp.float32),
        compiler_params=pltpu.CompilerParams(
            dimension_semantics=("arbitrary",)),
    )(deg2, deg2, aggs, aggs, y1, b1, g1, be1, rm1, rv1, W2)


def _tc3_body(degA, degB, aggA, aggB, y_ref, b_ref, g_ref, be_ref, rm_ref,
              rv_ref, w_ref, b3_ref, logp_ref, var_ref, acc):
    i = pl.program_id(0)

    @pl.when(i == 0)
    def _():
        acc[0] = 0.0
        acc[1] = 0.0

    dinv = lax.rsqrt(degA[...] + degB[...] + 1.0)
    t = dinv * (aggA[...] + aggB[...] + y_ref[...]) + b_ref[...]
    t = jnp.maximum(t, 0.0)
    t = (t - rm_ref[...]) * lax.rsqrt(rv_ref[...] + BN_EPS) * g_ref[...] \
        + be_ref[...]
    t = jnp.maximum(t, 0.0)
    o = jnp.dot(t, w_ref[...], preferred_element_type=jnp.float32) + b3_ref[...]

    col = lax.broadcasted_iota(jnp.int32, (BLK, H), 1)
    colmask = col < C
    om = jnp.where(colmask, o, -1e30)
    m = jnp.max(om, axis=1, keepdims=True)
    ex = jnp.where(colmask, jnp.exp(o - m), 0.0)
    se = jnp.sum(ex, axis=1, keepdims=True)
    logp_ref[...] = o - m - jnp.log(se)

    rowg = lax.broadcasted_iota(jnp.int32, (BLK, H), 0) + i * BLK
    vmask = colmask & (rowg < N)
    ov = jnp.where(vmask, o, 0.0)
    acc[0] += jnp.sum(ov)
    acc[1] += jnp.sum(ov * ov)

    n = float(N * C)
    v = (acc[1] - acc[0] * acc[0] / n) / (n - 1.0)
    var_ref[...] = jnp.full((1, 1), v, jnp.float32)


def _tc3(deg2, aggs, y2, b2, g2, be2, rm2, rv2, W3p, b3p):
    row = pl.BlockSpec((1, H), lambda i: (0, 0))
    return pl.pallas_call(
        _tc3_body,
        grid=(GRID,),
        in_specs=[
            pl.BlockSpec((BLK, 1), lambda i: (i, 0)),
            pl.BlockSpec((BLK, 1), lambda i: (i + GRID, 0)),
            pl.BlockSpec((BLK, H), lambda i: (i, 0)),
            pl.BlockSpec((BLK, H), lambda i: (i + GRID, 0)),
            pl.BlockSpec((BLK, H), lambda i: (i, 0)),
            row, row, row, row, row,
            pl.BlockSpec((H, H), lambda i: (0, 0)),
            row,
        ],
        out_specs=[
            pl.BlockSpec((BLK, H), lambda i: (i, 0)),
            pl.BlockSpec((1, 1), lambda i: (0, 0)),
        ],
        out_shape=[
            jax.ShapeDtypeStruct((NP, H), jnp.float32),
            jax.ShapeDtypeStruct((1, 1), jnp.float32),
        ],
        scratch_shapes=[pltpu.SMEM((2,), jnp.float32)],
        compiler_params=pltpu.CompilerParams(
            dimension_semantics=("arbitrary",)),
    )(deg2, deg2, aggs, aggs, y2, b2, g2, be2, rm2, rv2, W3p, b3p)


def kernel(x, edge_index, W1, b1, g1, be1, rm1, rv1, W2, b2, g2, be2, rm2,
           rv2, W3, b3):
    src = edge_index[0]
    dst = edge_index[1]
    x_pad = jnp.pad(x, ((0, NP - N), (0, 0)))

    row = lambda v: v.reshape(1, H)
    W3p = jnp.pad(W3, ((0, 0), (0, H - C)))
    b3p = jnp.pad(b3, (0, H - C)).reshape(1, H)

    degs = _sc_degree(dst)
    deg2 = degs.reshape(NC * NP, 1)
    y1 = _tc1(deg2, x_pad, W1)
    aggs1 = _sc_aggregate(y1, src, dst)
    y2 = _tc2(deg2, aggs1, y1, row(b1), row(g1), row(be1), row(rm1),
              row(rv1), W2)
    aggs2 = _sc_aggregate(y2, src, dst)
    logp_pad, var2 = _tc3(deg2, aggs2, y2, row(b2), row(g2), row(be2),
                          row(rm2), row(rv2), W3p, b3p)
    return (logp_pad[:N, :C], var2[0, 0])

# --- scband reference (transcript-rebuilt; emitter-appended) ---
"""Pipeline reference for scband-sage-51032801411846 (READ-ONLY COPY).

The authoritative reference and input builder live on the scoring server;
editing this copy changes nothing except your own understanding.
"""

import jax, jax.numpy as jnp
import numpy as np

N = 10000
E = 320000
D = 128
H = 128
C = 40
BN_EPS = 1e-5


def gcn_conv(x, edge_index, W, b):
    # PyG GCNConv: add self loops, symmetric normalization D^-1/2 (A+I) D^-1/2 (x W) + b
    n = x.shape[0]
    loop = jnp.arange(n, dtype=edge_index.dtype)
    src = jnp.concatenate([edge_index[0], loop])
    dst = jnp.concatenate([edge_index[1], loop])
    x = x @ W
    deg = jnp.zeros((n,), dtype=x.dtype).at[dst].add(1.0)
    dinv = jnp.where(deg > 0, jax.lax.rsqrt(deg), 0.0)
    norm = dinv[src] * dinv[dst]
    msg = x[src] * norm[:, None]
    out = jnp.zeros_like(x).at[dst].add(msg)
    return out + b


def bn_eval(x, gamma, beta, rm, rv):
    return (x - rm) * jax.lax.rsqrt(rv + BN_EPS) * gamma + beta


def setup_inputs(seed: int = 0) -> dict:
    key = jax.random.key(seed)
    ks = jax.random.split(key, 16)
    x = jax.random.normal(ks[0], (N, D), dtype=jnp.float32)
    edge_index = jax.random.randint(ks[1], (2, E), 0, N, dtype=jnp.int32)
    W1 = jax.random.normal(ks[2], (D, H), dtype=jnp.float32) * 0.05
    b1 = jnp.zeros((H,), dtype=jnp.float32)
    g1 = jnp.ones((H,), dtype=jnp.float32)
    be1 = jnp.zeros((H,), dtype=jnp.float32)
    rm1 = jnp.zeros((H,), dtype=jnp.float32)
    rv1 = jnp.ones((H,), dtype=jnp.float32)
    W2 = jax.random.normal(ks[3], (H, H), dtype=jnp.float32) * 0.05
    b2 = jnp.zeros((H,), dtype=jnp.float32)
    g2 = jnp.ones((H,), dtype=jnp.float32)
    be2 = jnp.zeros((H,), dtype=jnp.float32)
    rm2 = jnp.zeros((H,), dtype=jnp.float32)
    rv2 = jnp.ones((H,), dtype=jnp.float32)
    W3 = jax.random.normal(ks[4], (H, C), dtype=jnp.float32) * 0.05
    b3 = jnp.zeros((C,), dtype=jnp.float32)
    return {"x": x, "edge_index": edge_index, "W1": W1, "b1": b1, "g1": g1,
            "be1": be1, "rm1": rm1, "rv1": rv1, "W2": W2, "b2": b2, "g2": g2,
            "be2": be2, "rm2": rm2, "rv2": rv2, "W3": W3, "b3": b3}


def reference(x, edge_index, W1, b1, g1, be1, rm1, rv1, W2, b2, g2, be2, rm2, rv2, W3, b3):
    # Effective eval-mode trace of the buggy forward loop:
    # gcn -> relu -> bn -> relu -> gcn -> relu -> bn -> relu -> linear
    # (dropout is identity in eval; repeated relu is idempotent)
    h = gcn_conv(x, edge_index, W1, b1)
    h = jax.nn.relu(h)
    h = bn_eval(h, g1, be1, rm1, rv1)
    h = jax.nn.relu(h)
    h = gcn_conv(h, edge_index, W2, b2)
    h = jax.nn.relu(h)
    h = bn_eval(h, g2, be2, rm2, rv2)
    h = jax.nn.relu(h)
    h = h @ W3 + b3
    logp = jax.nn.log_softmax(h, axis=-1)
    var = jnp.var(h, ddof=1)  # torch.var default is unbiased
    return (logp, var)

if __name__ == "__main__":
    import jax
    _d = setup_inputs()
    print(jax.jit(kernel)(*tuple(_d.values())))

</pallas_src>

<mosaic_0001>
#map = affine_map<(d0, d1) -> (0, 0)>
#map1 = affine_map<(d0, d1) -> (0)>
module attributes {stable_mosaic.version = 14 : i64} {
  func.func @_sc_aggregate(%arg0: i32, %arg1: i32, %arg2: memref<10240x128xf32, #tpu.memory_space<hbm>>, %arg3: memref<320000xi32, #tpu.memory_space<hbm>>, %arg4: memref<320000xi32, #tpu.memory_space<hbm>>, %arg5: memref<20480x128xf32, #tpu.memory_space<hbm>>, %arg6: memref<10240x128xf32, #tpu.memory_space<vmem_shared>>, %arg7: memref<10000xi32, #tpu.memory_space<vmem>>, %arg8: memref<2x128xi32, #tpu.memory_space<vmem>>, %arg9: memref<16xi32, #tpu.memory_space<vmem>>, %arg10: memref<256x128xf32, #tpu.memory_space<vmem>>, %arg11: memref<2x!tpu.dma_semaphore, #tpu.memory_space<semaphore_mem>>, %arg12: memref<2x!tpu.dma_semaphore, #tpu.memory_space<semaphore_mem>>, %arg13: memref<2x!tpu.dma_semaphore, #tpu.memory_space<semaphore_mem>>) attributes {dimension_semantics = [#tpu.dimension_semantics<core_parallel>, #tpu.dimension_semantics<subcore_parallel>], iteration_bounds = array<i64: 2, 16>, scalar_prefetch = 0 : i64, scratch_operands = 8 : i64, tpu.core_type = #tpu.core_type<sc_vector_subcore>, window_params = [{transform_indices = #map}, {transform_indices = #map1}, {transform_indices = #map1}, {transform_indices = #map}]} {
    %mul3A = arith.constant 16 : i32
    %mul3A_0 = arith.muli %arg0, %mul3A : i32
    %add3A = arith.addi %mul3A_0, %arg1 : i32
    %scan3A = arith.constant 0 : i32
    %scan3A_1 = arith.constant 64 : i32
    %scan3A_2 = arith.addi %scan3A, %scan3A_1 : i32
    %scan3A_3 = arith.constant 1 : i32
    scf.for %scan3A_103 = %scan3A to %scan3A_2 step %scan3A_3  : i32 {
      %broadcast_in_dim3A = arith.constant 0.000000e+00 : f32
      %broadcast_in_dim3A_104 = vector.broadcast %broadcast_in_dim3A : f32 to vector<16xf32>
      %swap3A = arith.index_cast %scan3A_103 : i32 to index
      %swap3A_105 = arith.constant 0 : index
      %swap3A_106 = tpu.vector_load %arg10[%swap3A, %swap3A_105] {strides = array<i32>} : memref<256x128xf32, #tpu.memory_space<vmem>>, vector<1x16xf32>,
      %swap3A_107 = vector.shape_cast %swap3A_106 : vector<1x16xf32> to vector<16xf32>
      %swap3A_108 = vector.shape_cast %broadcast_in_dim3A_104 : vector<16xf32> to vector<1x16xf32>
      tpu.vector_store %arg10[%swap3A, %swap3A_105], %swap3A_108 {strides = array<i32>} : memref<256x128xf32, #tpu.memory_space<vmem>>, vector<1x16xf32>,
      %broadcast_in_dim3A_109 = arith.constant 0.000000e+00 : f32
      %broadcast_in_dim3A_110 = vector.broadcast %broadcast_in_dim3A_109 : f32 to vector<16xf32>
      %swap3A_111 = arith.index_cast %scan3A_103 : i32 to index
      %swap3A_112 = arith.constant 16 : index
      %swap3A_113 = tpu.vector_load %arg10[%swap3A_111, %swap3A_112] {strides = array<i32>} : memref<256x128xf32, #tpu.memory_space<vmem>>, vector<1x16xf32>,
      %swap3A_114 = vector.shape_cast %swap3A_113 : vector<1x16xf32> to vector<16xf32>
      %swap3A_115 = vector.shape_cast %broadcast_in_dim3A_110 : vector<16xf32> to vector<1x16xf32>
      tpu.vector_store %arg10[%swap3A_111, %swap3A_112], %swap3A_115 {strides = array<i32>} : memref<256x128xf32, #tpu.memory_space<vmem>>, vector<1x16xf32>,
      %broadcast_in_dim3A_116 = arith.constant 0.000000e+00 : f32
      %broadcast_in_dim3A_117 = vector.broadcast %broadcast_in_dim3A_116 : f32 to vector<16xf32>
      %swap3A_118 = arith.index_cast %scan3A_103 : i32 to index
      %swap3A_119 = arith.constant 32 : index
      %swap3A_120 = tpu.vector_load %arg10[%swap3A_118, %swap3A_119] {strides = array<i32>} : memref<256x128xf32, #tpu.memory_space<vmem>>, vector<1x16xf32>,
      %swap3A_121 = vector.shape_cast %swap3A_120 : vector<1x16xf32> to vector<16xf32>
      %swap3A_122 = vector.shape_cast %broadcast_in_dim3A_117 : vector<16xf32> to vector<1x16xf32>
      tpu.vector_store %arg10[%swap3A_118, %swap3A_119], %swap3A_122 {strides = array<i32>} : memref<256x128xf32, #tpu.memory_space<vmem>>, vector<1x16xf32>,
      %broadcast_in_dim3A_123 = arith.constant 0.000000e+00 : f32
      %broadcast_in_dim3A_124 = vector.broadcast %broadcast_in_dim3A_123 : f32 to vector<16xf32>
      %swap3A_125 = arith.index_cast %scan3A_103 : i32 to index
      %swap3A_126 = arith.constant 48 : index
      %swap3A_127 = tpu.vector_load %arg10[%swap3A_125, %swap3A_126] {strides = array<i32>} : memref<256x128xf32, #tpu.memory_space<vmem>>, vector<1x16xf32>,
      %swap3A_128 = vector.shape_cast %swap3A_127 : vector<1x16xf32> to vector<16xf32>
      %swap3A_129 = vector.shape_cast %broadcast_in_dim3A_124 : vector<16xf32> to vector<1x16xf32>
      tpu.vector_store %arg10[%swap3A_125, %swap3A_126], %swap3A_129 {strides = array<i32>} : memref<256x128xf32, #tpu.memory_space<vmem>>, vector<1x16xf32>,
      %broadcast_in_dim3A_130 = arith.constant 0.000000e+00 : f32
      %broadcast_in_dim3A_131 = vector.broadcast %broadcast_in_dim3A_130 : f32 to vector<16xf32>
      %swap3A_132 = arith.index_cast %scan3A_103 : i32 to index
      %swap3A_133 = arith.constant 64 : index
      %swap3A_134 = tpu.vector_load %arg10[%swap3A_132, %swap3A_133] {strides = array<i32>} : memref<256x128xf32, #tpu.memory_space<vmem>>, vector<1x16xf32>,
      %swap3A_135 = vector.shape_cast %swap3A_134 : vector<1x16xf32> to vector<16xf32>
      %swap3A_136 = vector.shape_cast %broadcast_in_dim3A_131 : vector<16xf32> to vector<1x16xf32>
      tpu.vector_store %arg10[%swap3A_132, %swap3A_133], %swap3A_136 {strides = array<i32>} : memref<256x128xf32, #tpu.memory_space<vmem>>, vector<1x16xf32>,
      %broadcast_in_dim3A_137 = arith.constant 0.000000e+00 : f32
      %broadcast_in_dim3A_138 = vector.broadcast %broadcast_in_dim3A_137 : f32 to vector<16xf32>
      %swap3A_139 = arith.index_cast %scan3A_103 : i32 to index
      %swap3A_140 = arith.constant 80 : index
      %swap3A_141 = tpu.vector_load %arg10[%swap3A_139, %swap3A_140] {strides = array<i32>} : memref<256x128xf32, #tpu.memory_space<vmem>>, vector<1x16xf32>,
      %swap3A_142 = vector.shape_cast %swap3A_141 : vector<1x16xf32> to vector<16xf32>
      %swap3A_143 = vector.shape_cast %broadcast_in_dim3A_138 : vector<16xf32> to vector<1x16xf32>
      tpu.vector_store %arg10[%swap3A_139, %swap3A_140], %swap3A_143 {strides = array<i32>} : memref<256x128xf32, #tpu.memory_space<vmem>>, vector<1x16xf32>,
      %broadcast_in_dim3A_144 = arith.constant 0.000000e+00 : f32
      %broadcast_in_dim3A_145 = vector.broadcast %broadcast_in_dim3A_144 : f32 to vector<16xf32>
      %swap3A_146 = arith.index_cast %scan3A_103 : i32 to index
      %swap3A_147 = arith.constant 96 : index
      %swap3A_148 = tpu.vector_load %arg10[%swap3A_146, %swap3A_147] {strides = array<i32>} : memref<256x128xf32, #tpu.memory_space<vmem>>, vector<1x16xf32>,
      %swap3A_149 = vector.shape_cast %swap3A_148 : vector<1x16xf32> to vector<16xf32>
      %swap3A_150 = vector.shape_cast %broadcast_in_dim3A_145 : vector<16xf32> to vector<1x16xf32>
      tpu.vector_store %arg10[%swap3A_146, %swap3A_147], %swap3A_150 {strides = array<i32>} : memref<256x128xf32, #tpu.memory_space<vmem>>, vector<1x16xf32>,
      %broadcast_in_dim3A_151 = arith.constant 0.000000e+00 : f32
      %broadcast_in_dim3A_152 = vector.broadcast %broadcast_in_dim3A_151 : f32 to vector<16xf32>
      %swap3A_153 = arith.index_cast %scan3A_103 : i32 to index
      %swap3A_154 = arith.constant 112 : index
      %swap3A_155 = tpu.vector_load %arg10[%swap3A_153, %swap3A_154] {strides = array<i32>} : memref<256x128xf32, #tpu.memory_space<vmem>>, vector<1x16xf32>,
      %swap3A_156 = vector.shape_cast %swap3A_155 : vector<1x16xf32> to vector<16xf32>
      %swap3A_157 = vector.shape_cast %broadcast_in_dim3A_152 : vector<16xf32> to vector<1x16xf32>
      tpu.vector_store %arg10[%swap3A_153, %swap3A_154], %swap3A_157 {strides = array<i32>} : memref<256x128xf32, #tpu.memory_space<vmem>>, vector<1x16xf32>,
    }
    %scan3A_4 = arith.constant 64 : i32
    %scan3A_5 = arith.constant 0 : i32
    %scan3A_6 = arith.constant 10 : i32
    %scan3A_7 = arith.addi %scan3A_5, %scan3A_6 : i32
    %scan3A_8 = arith.constant 1 : i32
    scf.for %scan3A_103 = %scan3A_5 to %scan3A_7 step %scan3A_8  : i32 {
      %mul3A_104 = arith.constant 640 : i32
      %mul3A_105 = arith.muli %arg1, %mul3A_104 : i32
      %mul3A_106 = arith.constant 64 : i32
      %mul3A_107 = arith.muli %scan3A_103, %mul3A_106 : i32
      %add3A_108 = arith.addi %mul3A_105, %mul3A_107 : i32
      "tpu.region"() ({
        %run_scoped3A = tpu.sem_alloc : memref<!tpu.dma_semaphore, #tpu.memory_space<semaphore_mem>>
        %dma_start3A_109 = arith.constant 0 : i32
        %dma_start3A_110 = arith.constant 0 : i32
        %dma_start3A_111 = tpu.memref_slice %arg10[%dma_start3A_109, %dma_start3A_110] : memref<256x128xf32, #tpu.memory_space<vmem>> -> memref<64x128xf32, #tpu.memory_space<vmem>>
        %dma_start3A_112 = arith.constant 0 : i32
        %dma_start3A_113 = tpu.memref_slice %arg6[%add3A_108, %dma_start3A_112] : memref<10240x128xf32, #tpu.memory_space<vmem_shared>> -> memref<64x128xf32, #tpu.memory_space<vmem_shared>>
        %dma_start3A_114 = arith.constant 0 : i32
        %dma_start3A_115 = tpu.memref_slice %arg6[%add3A_108, %dma_start3A_114] : memref<10240x128xf32, #tpu.memory_space<vmem_shared>> -> memref<64x128xf32, #tpu.memory_space<vmem_shared>>
        %dma_start3A_116 = arith.constant 0 : i32
        %dma_start3A_117 = arith.constant 0 : i32
        %dma_start3A_118 = tpu.memref_slice %arg10[%dma_start3A_116, %dma_start3A_117] : memref<256x128xf32, #tpu.memory_space<vmem>> -> memref<64x128xf32, #tpu.memory_space<vmem>>
        tpu.enqueue_dma source(%dma_start3A_118 : memref<64x128xf32, #tpu.memory_space<vmem>>) target(%dma_start3A_115 : memref<64x128xf32, #tpu.memory_space<vmem_shared>>) target_semaphore(%run_scoped3A : memref<!tpu.dma_semaphore, #tpu.memory_space<semaphore_mem>>)
        %dma_wait3A_119 = arith.constant 0 : i32
        %dma_wait3A_120 = arith.constant 0 : i32
        %dma_wait3A_121 = tpu.memref_slice %arg10[%dma_wait3A_119, %dma_wait3A_120] : memref<256x128xf32, #tpu.memory_space<vmem>> -> memref<64x128xf32, #tpu.memory_space<vmem>>
        %dma_wait3A_122 = arith.constant 0 : i32
        %dma_wait3A_123 = tpu.memref_slice %arg6[%add3A_108, %dma_wait3A_122] : memref<10240x128xf32, #tpu.memory_space<vmem_shared>> -> memref<64x128xf32, #tpu.memory_space<vmem_shared>>
        %dma_wait3A_124 = arith.constant 0 : i32
        %dma_wait3A_125 = tpu.memref_slice %arg6[%add3A_108, %dma_wait3A_124] : memref<10240x128xf32, #tpu.memory_space<vmem_shared>> -> memref<64x128xf32, #tpu.memory_space<vmem_shared>>
        %dma_wait3A_126 = arith.constant 0 : i32
        %dma_wait3A_127 = arith.constant 0 : i32
        %dma_wait3A_128 = tpu.memref_slice %arg10[%dma_wait3A_126, %dma_wait3A_127] : memref<256x128xf32, #tpu.memory_space<vmem>> -> memref<64x128xf32, #tpu.memory_space<vmem>>
        tpu.wait_dma2 semaphore(%run_scoped3A : memref<!tpu.dma_semaphore, #tpu.memory_space<semaphore_mem>>) src(%dma_wait3A_128 : memref<64x128xf32, #tpu.memory_space<vmem>>) dst(%dma_wait3A_125 : memref<64x128xf32, #tpu.memory_space<vmem_shared>>)
        tpu.yield
      }) : () -> ()
    }
    %scan3A_9 = arith.constant 10 : i32
    %mul3A_10 = arith.constant 10000 : i32
    %mul3A_11 = arith.muli %add3A, %mul3A_10 : i32
    "tpu.region"() ({
      %run_scoped3A = tpu.sem_alloc : memref<!tpu.dma_semaphore, #tpu.memory_space<semaphore_mem>>
      %dma_start3A_103 = tpu.memref_slice %arg3[%mul3A_11] : memref<320000xi32, #tpu.memory_space<hbm>> -> memref<10000xi32, #tpu.memory_space<hbm>>
      %dma_start3A_104 = tpu.memref_slice %arg3[%mul3A_11] : memref<320000xi32, #tpu.memory_space<hbm>> -> memref<10000xi32, #tpu.memory_space<hbm>>
      tpu.enqueue_dma source(%dma_start3A_104 : memref<10000xi32, #tpu.memory_space<hbm>>) target(%arg7 : memref<10000xi32, #tpu.memory_space<vmem>>) target_semaphore(%run_scoped3A : memref<!tpu.dma_semaphore, #tpu.memory_space<semaphore_mem>>)
      %dma_wait3A_105 = tpu.memref_slice %arg3[%mul3A_11] : memref<320000xi32, #tpu.memory_space<hbm>> -> memref<10000xi32, #tpu.memory_space<hbm>>
      %dma_wait3A_106 = tpu.memref_slice %arg3[%mul3A_11] : memref<320000xi32, #tpu.memory_space<hbm>> -> memref<10000xi32, #tpu.memory_space<hbm>>
      tpu.wait_dma2 semaphore(%run_scoped3A : memref<!tpu.dma_semaphore, #tpu.memory_space<semaphore_mem>>) src(%dma_wait3A_106 : memref<10000xi32, #tpu.memory_space<hbm>>) dst(%arg7 : memref<10000xi32, #tpu.memory_space<vmem>>)
      tpu.yield
    }) : () -> ()
    %barrier3A = arith.constant 0 : index
    tpu.barrier barrier_id(%barrier3A)
    %mul3A_12 = arith.constant 10000 : i32
    %mul3A_13 = arith.muli %add3A, %mul3A_12 : i32
    %add3A_14 = arith.constant 0 : i32
    %add3A_15 = arith.addi %mul3A_13, %add3A_14 : i32
    %dma_start3A = arith.constant 0 : i32
    %dma_start3A_16 = arith.constant 0 : i32
    %dma_start3A_17 = arith.constant 0 : i32
    %dma_start3A_18 = tpu.memref_slice %arg8[%dma_start3A, %dma_start3A_17] : memref<2x128xi32, #tpu.memory_space<vmem>> -> memref<1x128xi32, #tpu.memory_space<vmem>>
    %dma_start3A_19 = tpu.memref_squeeze %dma_start3A_18 : memref<1x128xi32, #tpu.memory_space<vmem>> -> memref<128xi32, #tpu.memory_space<vmem>>
    %dma_start3A_20 = tpu.memref_slice %arg4[%add3A_15] : memref<320000xi32, #tpu.memory_space<hbm>> -> memref<128xi32, #tpu.memory_space<hbm>>
    %dma_start3A_21 = tpu.memref_slice %arg13[%dma_start3A_16] : memref<2x!tpu.dma_semaphore, #tpu.memory_space<semaphore_mem>> -> memref<1x!tpu.dma_semaphore, #tpu.memory_space<semaphore_mem>>
    %dma_start3A_22 = tpu.memref_squeeze %dma_start3A_21 : memref<1x!tpu.dma_semaphore, #tpu.memory_space<semaphore_mem>> -> memref<!tpu.dma_semaphore, #tpu.memory_space<semaphore_mem>>
    %dma_start3A_23 = arith.constant 0 : i32
    %dma_start3A_24 = tpu.memref_slice %arg8[%dma_start3A, %dma_start3A_23] : memref<2x128xi32, #tpu.memory_space<vmem>> -> memref<1x128xi32, #tpu.memory_space<vmem>>
    %dma_start3A_25 = tpu.memref_squeeze %dma_start3A_24 : memref<1x128xi32, #tpu.memory_space<vmem>> -> memref<128xi32, #tpu.memory_space<vmem>>
    %dma_start3A_26 = tpu.memref_slice %arg4[%add3A_15] : memref<320000xi32, #tpu.memory_space<hbm>> -> memref<128xi32, #tpu.memory_space<hbm>>
    tpu.enqueue_dma source(%dma_start3A_26 : memref<128xi32, #tpu.memory_space<hbm>>) target(%dma_start3A_25 : memref<128xi32, #tpu.memory_space<vmem>>) target_semaphore(%dma_start3A_22 : memref<!tpu.dma_semaphore, #tpu.memory_space<semaphore_mem>>)
    %dma_start3A_27 = arith.constant 0 : i32
    %dma_start3A_28 = arith.constant 0 : i32
    %dma_start3A_29 = arith.constant 0 : i32
    %dma_start3A_30 = tpu.memref_slice %arg10[%dma_start3A_28, %dma_start3A_29] : memref<256x128xf32, #tpu.memory_space<vmem>> -> memref<128x128xf32, #tpu.memory_space<vmem>>
    %dma_start3A_31 = arith.constant 0 : i32
    %dma_start3A_32 = tpu.memref_slice %arg7[%dma_start3A_31] : memref<10000xi32, #tpu.memory_space<vmem>> -> memref<128xi32, #tpu.memory_space<vmem>>
    %dma_start3A_33 = arith.constant 0 : i32
    %dma_start3A_34 = arith.constant 0 : i32
    %dma_start3A_35 = tpu.memref_slice %arg2[%dma_start3A_33, %dma_start3A_34] : memref<10240x128xf32, #tpu.memory_space<hbm>> -> memref<10240x128xf32, #tpu.memory_space<hbm>>
    %dma_start3A_36 = tpu.memref_slice %arg11[%dma_start3A_27] : memref<2x!tpu.dma_semaphore, #tpu.memory_space<semaphore_mem>> -> memref<1x!tpu.dma_semaphore, #tpu.memory_space<semaphore_mem>>
    %dma_start3A_37 = tpu.memref_squeeze %dma_start3A_36 : memref<1x!tpu.dma_semaphore, #tpu.memory_space<semaphore_mem>> -> memref<!tpu.dma_semaphore, #tpu.memory_space<semaphore_mem>>
    tpu.enqueue_indirect_dma source(%dma_start3A_35 : memref<10240x128xf32, #tpu.memory_space<hbm>>) target(%dma_start3A_30 : memref<128x128xf32, #tpu.memory_space<vmem>>) offsets(%dma_start3A_32 : memref<128xi32, #tpu.memory_space<vmem>>) semaphore(%dma_start3A_37 : memref<!tpu.dma_semaphore, #tpu.memory_space<semaphore_mem>>)
    %mul3A_38 = arith.constant 10000 : i32
    %mul3A_39 = arith.muli %add3A, %mul3A_38 : i32
    %add3A_40 = arith.constant 128 : i32
    %add3A_41 = arith.addi %mul3A_39, %add3A_40 : i32
    %dma_start3A_42 = arith.constant 1 : i32
    %dma_start3A_43 = arith.constant 1 : i32
    %dma_start3A_44 = arith.constant 0 : i32
    %dma_start3A_45 = tpu.memref_slice %arg8[%dma_start3A_42, %dma_start3A_44] : memref<2x128xi32, #tpu.memory_space<vmem>> -> memref<1x128xi32, #tpu.memory_space<vmem>>
    %dma_start3A_46 = tpu.memref_squeeze %dma_start3A_45 : memref<1x128xi32, #tpu.memory_space<vmem>> -> memref<128xi32, #tpu.memory_space<vmem>>
    %dma_start3A_47 = tpu.memref_slice %arg4[%add3A_41] : memref<320000xi32, #tpu.memory_space<hbm>> -> memref<128xi32, #tpu.memory_space<hbm>>
    %dma_start3A_48 = tpu.memref_slice %arg13[%dma_start3A_43] : memref<2x!tpu.dma_semaphore, #tpu.memory_space<semaphore_mem>> -> memref<1x!tpu.dma_semaphore, #tpu.memory_space<semaphore_mem>>
    %dma_start3A_49 = tpu.memref_squeeze %dma_start3A_48 : memref<1x!tpu.dma_semaphore, #tpu.memory_space<semaphore_mem>> -> memref<!tpu.dma_semaphore, #tpu.memory_space<semaphore_mem>>
    %dma_start3A_50 = arith.constant 0 : i32
    %dma_start3A_51 = tpu.memref_slice %arg8[%dma_start3A_42, %dma_start3A_50] : memref<2x128xi32, #tpu.memory_space<vmem>> -> memref<1x128xi32, #tpu.memory_space<vmem>>
    %dma_start3A_52 = tpu.memref_squeeze %dma_start3A_51 : memref<1x128xi32, #tpu.memory_space<vmem>> -> memref<128xi32, #tpu.memory_space<vmem>>
    %dma_start3A_53 = tpu.memref_slice %arg4[%add3A_41] : memref<320000xi32, #tpu.memory_space<hbm>> -> memref<128xi32, #tpu.memory_space<hbm>>
    tpu.enqueue_dma source(%dma_start3A_53 : memref<128xi32, #tpu.memory_space<hbm>>) target(%dma_start3A_52 : memref<128xi32, #tpu.memory_space<vmem>>) target_semaphore(%dma_start3A_49 : memref<!tpu.dma_semaphore, #tpu.memory_space<semaphore_mem>>)
    %dma_start3A_54 = arith.constant 1 : i32
    %dma_start3A_55 = arith.constant 128 : i32
    %dma_start3A_56 = arith.constant 0 : i32
    %dma_start3A_57 = tpu.memref_slice %arg10[%dma_start3A_55, %dma_start3A_56] : memref<256x128xf32, #tpu.memory_space<vmem>> -> memref<128x128xf32, #tpu.memory_space<vmem>>
    %dma_start3A_58 = arith.constant 128 : i32
    %dma_start3A_59 = tpu.memref_slice %arg7[%dma_start3A_58] : memref<10000xi32, #tpu.memory_space<vmem>> -> memref<128xi32, #tpu.memory_space<vmem>>
    %dma_start3A_60 = arith.constant 0 : i32
    %dma_start3A_61 = arith.constant 0 : i32
    %dma_start3A_62 = tpu.memref_slice %arg2[%dma_start3A_60, %dma_start3A_61] : memref<10240x128xf32, #tpu.memory_space<hbm>> -> memref<10240x128xf32, #tpu.memory_space<hbm>>
    %dma_start3A_63 = tpu.memref_slice %arg11[%dma_start3A_54] : memref<2x!tpu.dma_semaphore, #tpu.memory_space<semaphore_mem>> -> memref<1x!tpu.dma_semaphore, #tpu.memory_space<semaphore_mem>>
    %dma_start3A_64 = tpu.memref_squeeze %dma_start3A_63 : memref<1x!tpu.dma_semaphore, #tpu.memory_space<semaphore_mem>> -> memref<!tpu.dma_semaphore, #tpu.memory_space<semaphore_mem>>
    tpu.enqueue_indirect_dma source(%dma_start3A_62 : memref<10240x128xf32, #tpu.memory_space<hbm>>) target(%dma_start3A_57 : memref<128x128xf32, #tpu.memory_space<vmem>>) offsets(%dma_start3A_59 : memref<128xi32, #tpu.memory_space<vmem>>) semaphore(%dma_start3A_64 : memref<!tpu.dma_semaphore, #tpu.memory_space<semaphore_mem>>)
    %scan3A_65 = arith.constant 0 : i32
    %scan3A_66 = arith.constant 39 : i32
    %scan3A_67 = arith.addi %scan3A_65, %scan3A_66 : i32
    %scan3A_68 = arith.constant 1 : i32
    scf.for %scan3A_103 = %scan3A_65 to %scan3A_67 step %scan3A_68  : i32 {
      %mul3A_104 = arith.constant 2 : i32
      %mul3A_105 = arith.muli %scan3A_103, %mul3A_104 : i32
      %add3A_106 = arith.constant 0 : i32
      %add3A_107 = arith.addi %mul3A_105, %add3A_106 : i32
      %mul3A_108 = arith.constant 128 : i32
      %mul3A_109 = arith.muli %add3A_107, %mul3A_108 : i32
      %dma_wait3A_110 = arith.constant 0 : i32
      %dma_wait3A_111 = arith.constant 0 : i32
      %dma_wait3A_112 = arith.constant 0 : i32
      %dma_wait3A_113 = tpu.memref_slice %arg10[%dma_wait3A_111, %dma_wait3A_112] : memref<256x128xf32, #tpu.memory_space<vmem>> -> memref<128x128xf32, #tpu.memory_space<vmem>>
      %dma_wait3A_114 = tpu.memref_slice %arg7[%mul3A_109] : memref<10000xi32, #tpu.memory_space<vmem>> -> memref<128xi32, #tpu.memory_space<vmem>>
      %dma_wait3A_115 = arith.constant 0 : i32
      %dma_wait3A_116 = arith.constant 0 : i32
      %dma_wait3A_117 = tpu.memref_slice %arg2[%dma_wait3A_115, %dma_wait3A_116] : memref<10240x128xf32, #tpu.memory_space<hbm>> -> memref<10240x128xf32, #tpu.memory_space<hbm>>
      %dma_wait3A_118 = tpu.memref_slice %arg11[%dma_wait3A_110] : memref<2x!tpu.dma_semaphore, #tpu.memory_space<semaphore_mem>> -> memref<1x!tpu.dma_semaphore, #tpu.memory_space<semaphore_mem>>
      %dma_wait3A_119 = tpu.memref_squeeze %dma_wait3A_118 : memref<1x!tpu.dma_semaphore, #tpu.memory_space<semaphore_mem>> -> memref<!tpu.dma_semaphore, #tpu.memory_space<semaphore_mem>>
      tpu.wait_indirect_dma semaphore(%dma_wait3A_119 : memref<!tpu.dma_semaphore, #tpu.memory_space<semaphore_mem>>) src(%dma_wait3A_117 : memref<10240x128xf32, #tpu.memory_space<hbm>>) dst(%dma_wait3A_113 : memref<128x128xf32, #tpu.memory_space<vmem>>)
      %mul3A_120 = arith.constant 10000 : i32
      %mul3A_121 = arith.muli %add3A, %mul3A_120 : i32
      %mul3A_122 = arith.constant 128 : i32
      %mul3A_123 = arith.muli %add3A_107, %mul3A_122 : i32
      %add3A_124 = arith.addi %mul3A_121, %mul3A_123 : i32
      %dma_wait3A_125 = arith.constant 0 : i32
      %dma_wait3A_126 = arith.constant 0 : i32
      %dma_wait3A_127 = arith.constant 0 : i32
      %dma_wait3A_128 = tpu.memref_slice %arg8[%dma_wait3A_125, %dma_wait3A_127] : memref<2x128xi32, #tpu.memory_space<vmem>> -> memref<1x128xi32, #tpu.memory_space<vmem>>
      %dma_wait3A_129 = tpu.memref_squeeze %dma_wait3A_128 : memref<1x128xi32, #tpu.memory_space<vmem>> -> memref<128xi32, #tpu.memory_space<vmem>>
      %dma_wait3A_130 = tpu.memref_slice %arg4[%add3A_124] : memref<320000xi32, #tpu.memory_space<hbm>> -> memref<128xi32, #tpu.memory_space<hbm>>
      %dma_wait3A_131 = tpu.memref_slice %arg13[%dma_wait3A_126] : memref<2x!tpu.dma_semaphore, #tpu.memory_space<semaphore_mem>> -> memref<1x!tpu.dma_semaphore, #tpu.memory_space<semaphore_mem>>
      %dma_wait3A_132 = tpu.memref_squeeze %dma_wait3A_131 : memref<1x!tpu.dma_semaphore, #tpu.memory_space<semaphore_mem>> -> memref<!tpu.dma_semaphore, #tpu.memory_space<semaphore_mem>>
      %dma_wait3A_133 = arith.constant 0 : i32
      %dma_wait3A_134 = tpu.memref_slice %arg8[%dma_wait3A_125, %dma_wait3A_133] : memref<2x128xi32, #tpu.memory_space<vmem>> -> memref<1x128xi32, #tpu.memory_space<vmem>>
      %dma_wait3A_135 = tpu.memref_squeeze %dma_wait3A_134 : memref<1x128xi32, #tpu.memory_space<vmem>> -> memref<128xi32, #tpu.memory_space<vmem>>
      %dma_wait3A_136 = tpu.memref_slice %arg4[%add3A_124] : memref<320000xi32, #tpu.memory_space<hbm>> -> memref<128xi32, #tpu.memory_space<hbm>>
      tpu.wait_dma2 semaphore(%dma_wait3A_132 : memref<!tpu.dma_semaphore, #tpu.memory_space<semaphore_mem>>) src(%dma_wait3A_136 : memref<128xi32, #tpu.memory_space<hbm>>) dst(%dma_wait3A_135 : memref<128xi32, #tpu.memory_space<vmem>>)
      %dma_start3A_137 = arith.constant 0 : i32
      %dma_start3A_138 = arith.constant 0 : i32
      %dma_start3A_139 = arith.constant 0 : i32
      %dma_start3A_140 = arith.constant 0 : i32
      %dma_start3A_141 = tpu.memref_slice %arg10[%dma_start3A_139, %dma_start3A_140] : memref<256x128xf32, #tpu.memory_space<vmem>> -> memref<128x128xf32, #tpu.memory_space<vmem>>
      %dma_start3A_142 = arith.constant 0 : i32
      %dma_start3A_143 = tpu.memref_slice %arg8[%dma_start3A_137, %dma_start3A_142] : memref<2x128xi32, #tpu.memory_space<vmem>> -> memref<1x128xi32, #tpu.memory_space<vmem>>
      %dma_start3A_144 = tpu.memref_squeeze %dma_start3A_143 : memref<1x128xi32, #tpu.memory_space<vmem>> -> memref<128xi32, #tpu.memory_space<vmem>>
      %dma_start3A_145 = arith.constant 0 : i32
      %dma_start3A_146 = arith.constant 0 : i32
      %dma_start3A_147 = tpu.memref_slice %arg6[%dma_start3A_145, %dma_start3A_146] : memref<10240x128xf32, #tpu.memory_space<vmem_shared>> -> memref<10240x128xf32, #tpu.memory_space<vmem_shared>>
      %dma_start3A_148 = tpu.memref_slice %arg12[%dma_start3A_138] : memref<2x!tpu.dma_semaphore, #tpu.memory_space<semaphore_mem>> -> memref<1x!tpu.dma_semaphore, #tpu.memory_space<semaphore_mem>>
      %dma_start3A_149 = tpu.memref_squeeze %dma_start3A_148 : memref<1x!tpu.dma_semaphore, #tpu.memory_space<semaphore_mem>> -> memref<!tpu.dma_semaphore, #tpu.memory_space<semaphore_mem>>
      tpu.enqueue_indirect_dma source(%dma_start3A_141 : memref<128x128xf32, #tpu.memory_space<vmem>>) target(%dma_start3A_147 : memref<10240x128xf32, #tpu.memory_space<vmem_shared>>) offsets(%dma_start3A_144 : memref<128xi32, #tpu.memory_space<vmem>>) semaphore(%dma_start3A_149 : memref<!tpu.dma_semaphore, #tpu.memory_space<semaphore_mem>>) {add = true}
      %dma_wait3A_150 = arith.constant 0 : i32
      %dma_wait3A_151 = arith.constant 0 : i32
      %dma_wait3A_152 = arith.constant 0 : i32
      %dma_wait3A_153 = arith.constant 0 : i32
      %dma_wait3A_154 = tpu.memref_slice %arg10[%dma_wait3A_152, %dma_wait3A_153] : memref<256x128xf32, #tpu.memory_space<vmem>> -> memref<128x128xf32, #tpu.memory_space<vmem>>
      %dma_wait3A_155 = arith.constant 0 : i32
      %dma_wait3A_156 = tpu.memref_slice %arg8[%dma_wait3A_150, %dma_wait3A_155] : memref<2x128xi32, #tpu.memory_space<vmem>> -> memref<1x128xi32, #tpu.memory_space<vmem>>
      %dma_wait3A_157 = tpu.memref_squeeze %dma_wait3A_156 : memref<1x128xi32, #tpu.memory_space<vmem>> -> memref<128xi32, #tpu.memory_space<vmem>>
      %dma_wait3A_158 = arith.constant 0 : i32
      %dma_wait3A_159 = arith.constant 0 : i32
      %dma_wait3A_160 = tpu.memref_slice %arg6[%dma_wait3A_158, %dma_wait3A_159] : memref<10240x128xf32, #tpu.memory_space<vmem_shared>> -> memref<10240x128xf32, #tpu.memory_space<vmem_shared>>
      %dma_wait3A_161 = tpu.memref_slice %arg12[%dma_wait3A_151] : memref<2x!tpu.dma_semaphore, #tpu.memory_space<semaphore_mem>> -> memref<1x!tpu.dma_semaphore, #tpu.memory_space<semaphore_mem>>
      %dma_wait3A_162 = tpu.memref_squeeze %dma_wait3A_161 : memref<1x!tpu.dma_semaphore, #tpu.memory_space<semaphore_mem>> -> memref<!tpu.dma_semaphore, #tpu.memory_space<semaphore_mem>>
      tpu.wait_indirect_dma semaphore(%dma_wait3A_162 : memref<!tpu.dma_semaphore, #tpu.memory_space<semaphore_mem>>) src(%dma_wait3A_154 : memref<128x128xf32, #tpu.memory_space<vmem>>) dst(%dma_wait3A_160 : memref<10240x128xf32, #tpu.memory_space<vmem_shared>>)
      %add3A_163 = arith.constant 2 : i32
      %add3A_164 = arith.addi %add3A_107, %add3A_163 : i32
      %lt3A = arith.constant 78 : i32
      %lt3A_165 = arith.cmpi slt, %add3A_164, %lt3A : i32
      %convert_element_type3A = arith.extui %lt3A_165 : i1 to i32
      %cond3A = arith.constant 0 : i32
      %cond3A_166 = arith.cmpi ne, %convert_element_type3A, %cond3A : i32
      scf.if %cond3A_166 {
        %mul3A_233 = arith.constant 10000 : i32
        %mul3A_234 = arith.muli %add3A, %mul3A_233 : i32
        %mul3A_235 = arith.constant 128 : i32
        %mul3A_236 = arith.muli %add3A_164, %mul3A_235 : i32
        %add3A_237 = arith.addi %mul3A_234, %mul3A_236 : i32
        %dma_start3A_238 = arith.constant 0 : i32
        %dma_start3A_239 = arith.constant 0 : i32
        %dma_start3A_240 = arith.constant 0 : i32
        %dma_start3A_241 = tpu.memref_slice %arg8[%dma_start3A_238, %dma_start3A_240] : memref<2x128xi32, #tpu.memory_space<vmem>> -> memref<1x128xi32, #tpu.memory_space<vmem>>
        %dma_start3A_242 = tpu.memref_squeeze %dma_start3A_241 : memref<1x128xi32, #tpu.memory_space<vmem>> -> memref<128xi32, #tpu.memory_space<vmem>>
        %dma_start3A_243 = tpu.memref_slice %arg4[%add3A_237] : memref<320000xi32, #tpu.memory_space<hbm>> -> memref<128xi32, #tpu.memory_space<hbm>>
        %dma_start3A_244 = tpu.memref_slice %arg13[%dma_start3A_239] : memref<2x!tpu.dma_semaphore, #tpu.memory_space<semaphore_mem>> -> memref<1x!tpu.dma_semaphore, #tpu.memory_space<semaphore_mem>>
        %dma_start3A_245 = tpu.memref_squeeze %dma_start3A_244 : memref<1x!tpu.dma_semaphore, #tpu.memory_space<semaphore_mem>> -> memref<!tpu.dma_semaphore, #tpu.memory_space<semaphore_mem>>
        %dma_start3A_246 = arith.constant 0 : i32
        %dma_start3A_247 = tpu.memref_slice %arg8[%dma_start3A_238, %dma_start3A_246] : memref<2x128xi32, #tpu.memory_space<vmem>> -> memref<1x128xi32, #tpu.memory_space<vmem>>
        %dma_start3A_248 = tpu.memref_squeeze %dma_start3A_247 : memref<1x128xi32, #tpu.memory_space<vmem>> -> memref<128xi32, #tpu.memory_space<vmem>>
        %dma_start3A_249 = tpu.memref_slice %arg4[%add3A_237] : memref<320000xi32, #tpu.memory_space<hbm>> -> memref<128xi32, #tpu.memory_space<hbm>>
        tpu.enqueue_dma source(%dma_start3A_249 : memref<128xi32, #tpu.memory_space<hbm>>) target(%dma_start3A_248 : memref<128xi32, #tpu.memory_space<vmem>>) target_semaphore(%dma_start3A_245 : memref<!tpu.dma_semaphore, #tpu.memory_space<semaphore_mem>>)
        %mul3A_250 = arith.constant 128 : i32
        %mul3A_251 = arith.muli %add3A_164, %mul3A_250 : i32
        %dma_start3A_252 = arith.constant 0 : i32
        %dma_start3A_253 = arith.constant 0 : i32
        %dma_start3A_254 = arith.constant 0 : i32
        %dma_start3A_255 = tpu.memref_slice %arg10[%dma_start3A_253, %dma_start3A_254] : memref<256x128xf32, #tpu.memory_space<vmem>> -> memref<128x128xf32, #tpu.memory_space<vmem>>
        %dma_start3A_256 = tpu.memref_slice %arg7[%mul3A_251] : memref<10000xi32, #tpu.memory_space<vmem>> -> memref<128xi32, #tpu.memory_space<vmem>>
        %dma_start3A_257 = arith.constant 0 : i32
        %dma_start3A_258 = arith.constant 0 : i32
        %dma_start3A_259 = tpu.memref_slice %arg2[%dma_start3A_257, %dma_start3A_258] : memref<10240x128xf32, #tpu.memory_space<hbm>> -> memref<10240x128xf32, #tpu.memory_space<hbm>>
        %dma_start3A_260 = tpu.memref_slice %arg11[%dma_start3A_252] : memref<2x!tpu.dma_semaphore, #tpu.memory_space<semaphore_mem>> -> memref<1x!tpu.dma_semaphore, #tpu.memory_space<semaphore_mem>>
        %dma_start3A_261 = tpu.memref_squeeze %dma_start3A_260 : memref<1x!tpu.dma_semaphore, #tpu.memory_space<semaphore_mem>> -> memref<!tpu.dma_semaphore, #tpu.memory_space<semaphore_mem>>
        tpu.enqueue_indirect_dma source(%dma_start3A_259 : memref<10240x128xf32, #tpu.memory_space<hbm>>) target(%dma_start3A_255 : memref<128x128xf32, #tpu.memory_space<vmem>>) offsets(%dma_start3A_256 : memref<128xi32, #tpu.memory_space<vmem>>) semaphore(%dma_start3A_261 : memref<!tpu.dma_semaphore, #tpu.memory_space<semaphore_mem>>)
      } else {
      }
      %mul3A_167 = arith.constant 2 : i32
      %mul3A_168 = arith.muli %scan3A_103, %mul3A_167 : i32
      %add3A_169 = arith.constant 1 : i32
      %add3A_170 = arith.addi %mul3A_168, %add3A_169 : i32
      %mul3A_171 = arith.constant 128 : i32
      %mul3A_172 = arith.muli %add3A_170, %mul3A_171 : i32
      %dma_wait3A_173 = arith.constant 1 : i32
      %dma_wait3A_174 = arith.constant 128 : i32
      %dma_wait3A_175 = arith.constant 0 : i32
      %dma_wait3A_176 = tpu.memref_slice %arg10[%dma_wait3A_174, %dma_wait3A_175] : memref<256x128xf32, #tpu.memory_space<vmem>> -> memref<128x128xf32, #tpu.memory_space<vmem>>
      %dma_wait3A_177 = tpu.memref_slice %arg7[%mul3A_172] : memref<10000xi32, #tpu.memory_space<vmem>> -> memref<128xi32, #tpu.memory_space<vmem>>
      %dma_wait3A_178 = arith.constant 0 : i32
      %dma_wait3A_179 = arith.constant 0 : i32
      %dma_wait3A_180 = tpu.memref_slice %arg2[%dma_wait3A_178, %dma_wait3A_179] : memref<10240x128xf32, #tpu.memory_space<hbm>> -> memref<10240x128xf32, #tpu.memory_space<hbm>>
      %dma_wait3A_181 = tpu.memref_slice %arg11[%dma_wait3A_173] : memref<2x!tpu.dma_semaphore, #tpu.memory_space<semaphore_mem>> -> memref<1x!tpu.dma_semaphore, #tpu.memory_space<semaphore_mem>>
      %dma_wait3A_182 = tpu.memref_squeeze %dma_wait3A_181 : memref<1x!tpu.dma_semaphore, #tpu.memory_space<semaphore_mem>> -> memref<!tpu.dma_semaphore, #tpu.memory_space<semaphore_mem>>
      tpu.wait_indirect_dma semaphore(%dma_wait3A_182 : memref<!tpu.dma_semaphore, #tpu.memory_space<semaphore_mem>>) src(%dma_wait3A_180 : memref<10240x128xf32, #tpu.memory_space<hbm>>) dst(%dma_wait3A_176 : memref<128x128xf32, #tpu.memory_space<vmem>>)
      %mul3A_183 = arith.constant 10000 : i32
      %mul3A_184 = arith.muli %add3A, %mul3A_183 : i32
      %mul3A_185 = arith.constant 128 : i32
      %mul3A_186 = arith.muli %add3A_170, %mul3A_185 : i32
      %add3A_187 = arith.addi %mul3A_184, %mul3A_186 : i32
      %dma_wait3A_188 = arith.constant 1 : i32
      %dma_wait3A_189 = arith.constant 1 : i32
      %dma_wait3A_190 = arith.constant 0 : i32
      %dma_wait3A_191 = tpu.memref_slice %arg8[%dma_wait3A_188, %dma_wait3A_190] : memref<2x128xi32, #tpu.memory_space<vmem>> -> memref<1x128xi32, #tpu.memory_space<vmem>>
      %dma_wait3A_192 = tpu.memref_squeeze %dma_wait3A_191 : memref<1x128xi32, #tpu.memory_space<vmem>> -> memref<128xi32, #tpu.memory_space<vmem>>
      %dma_wait3A_193 = tpu.memref_slice %arg4[%add3A_187] : memref<320000xi32, #tpu.memory_space<hbm>> -> memref<128xi32, #tpu.memory_space<hbm>>
      %dma_wait3A_194 = tpu.memref_slice %arg13[%dma_wait3A_189] : memref<2x!tpu.dma_semaphore, #tpu.memory_space<semaphore_mem>> -> memref<1x!tpu.dma_semaphore, #tpu.memory_space<semaphore_mem>>
      %dma_wait3A_195 = tpu.memref_squeeze %dma_wait3A_194 : memref<1x!tpu.dma_semaphore, #tpu.memory_space<semaphore_mem>> -> memref<!tpu.dma_semaphore, #tpu.memory_space<semaphore_mem>>
      %dma_wait3A_196 = arith.constant 0 : i32
      %dma_wait3A_197 = tpu.memref_slice %arg8[%dma_wait3A_188, %dma_wait3A_196] : memref<2x128xi32, #tpu.memory_space<vmem>> -> memref<1x128xi32, #tpu.memory_space<vmem>>
      %dma_wait3A_198 = tpu.memref_squeeze %dma_wait3A_197 : memref<1x128xi32, #tpu.memory_space<vmem>> -> memref<128xi32, #tpu.memory_space<vmem>>
      %dma_wait3A_199 = tpu.memref_slice %arg4[%add3A_187] : memref<320000xi32, #tpu.memory_space<hbm>> -> memref<128xi32, #tpu.memory_space<hbm>>
      tpu.wait_dma2 semaphore(%dma_wait3A_195 : memref<!tpu.dma_semaphore, #tpu.memory_space<semaphore_mem>>) src(%dma_wait3A_199 : memref<128xi32, #tpu.memory_space<hbm>>) dst(%dma_wait3A_198 : memref<128xi32, #tpu.memory_space<vmem>>)
      %dma_start3A_200 = arith.constant 1 : i32
      %dma_start3A_201 = arith.constant 1 : i32
      %dma_start3A_202 = arith.constant 128 : i32
      %dma_start3A_203 = arith.constant 0 : i32
      %dma_start3A_204 = tpu.memref_slice %arg10[%dma_start3A_202, %dma_start3A_203] : memref<256x128xf32, #tpu.memory_space<vmem>> -> memref<128x128xf32, #tpu.memory_space<vmem>>
      %dma_start3A_205 = arith.constant 0 : i32
      %dma_start3A_206 = tpu.memref_slice %arg8[%dma_start3A_200, %dma_start3A_205] : memref<2x128xi32, #tpu.memory_space<vmem>> -> memref<1x128xi32, #tpu.memory_space<vmem>>
      %dma_start3A_207 = tpu.memref_squeeze %dma_start3A_206 : memref<1x128xi32, #tpu.memory_space<vmem>> -> memref<128xi32, #tpu.memory_space<vmem>>
      %dma_start3A_208 = arith.constant 0 : i32
      %dma_start3A_209 = arith.constant 0 : i32
      %dma_start3A_210 = tpu.memref_slice %arg6[%dma_start3A_208, %dma_start3A_209] : memref<10240x128xf32, #tpu.memory_space<vmem_shared>> -> memref<10240x128xf32, #tpu.memory_space<vmem_shared>>
      %dma_start3A_211 = tpu.memref_slice %arg12[%dma_start3A_201] : memref<2x!tpu.dma_semaphore, #tpu.memory_space<semaphore_mem>> -> memref<1x!tpu.dma_semaphore, #tpu.memory_space<semaphore_mem>>
      %dma_start3A_212 = tpu.memref_squeeze %dma_start3A_211 : memref<1x!tpu.dma_semaphore, #tpu.memory_space<semaphore_mem>> -> memref<!tpu.dma_semaphore, #tpu.memory_space<semaphore_mem>>
      tpu.enqueue_indirect_dma source(%dma_start3A_204 : memref<128x128xf32, #tpu.memory_space<vmem>>) target(%dma_start3A_210 : memref<10240x128xf32, #tpu.memory_space<vmem_shared>>) offsets(%dma_start3A_207 : memref<128xi32, #tpu.memory_space<vmem>>) semaphore(%dma_start3A_212 : memref<!tpu.dma_semaphore, #tpu.memory_space<semaphore_mem>>) {add = true}
      %dma_wait3A_213 = arith.constant 1 : i32
      %dma_wait3A_214 = arith.constant 1 : i32
      %dma_wait3A_215 = arith.constant 128 : i32
      %dma_wait3A_216 = arith.constant 0 : i32
      %dma_wait3A_217 = tpu.memref_slice %arg10[%dma_wait3A_215, %dma_wait3A_216] : memref<256x128xf32, #tpu.memory_space<vmem>> -> memref<128x128xf32, #tpu.memory_space<vmem>>
      %dma_wait3A_218 = arith.constant 0 : i32
      %dma_wait3A_219 = tpu.memref_slice %arg8[%dma_wait3A_213, %dma_wait3A_218] : memref<2x128xi32, #tpu.memory_space<vmem>> -> memref<1x128xi32, #tpu.memory_space<vmem>>
      %dma_wait3A_220 = tpu.memref_squeeze %dma_wait3A_219 : memref<1x128xi32, #tpu.memory_space<vmem>> -> memref<128xi32, #tpu.memory_space<vmem>>
      %dma_wait3A_221 = arith.constant 0 : i32
      %dma_wait3A_222 = arith.constant 0 : i32
      %dma_wait3A_223 = tpu.memref_slice %arg6[%dma_wait3A_221, %dma_wait3A_222] : memref<10240x128xf32, #tpu.memory_space<vmem_shared>> -> memref<10240x128xf32, #tpu.memory_space<vmem_shared>>
      %dma_wait3A_224 = tpu.memref_slice %arg12[%dma_wait3A_214] : memref<2x!tpu.dma_semaphore, #tpu.memory_space<semaphore_mem>> -> memref<1x!tpu.dma_semaphore, #tpu.memory_space<semaphore_mem>>
      %dma_wait3A_225 = tpu.memref_squeeze %dma_wait3A_224 : memref<1x!tpu.dma_semaphore, #tpu.memory_space<semaphore_mem>> -> memref<!tpu.dma_semaphore, #tpu.memory_space<semaphore_mem>>
      tpu.wait_indirect_dma semaphore(%dma_wait3A_225 : memref<!tpu.dma_semaphore, #tpu.memory_space<semaphore_mem>>) src(%dma_wait3A_217 : memref<128x128xf32, #tpu.memory_space<vmem>>) dst(%dma_wait3A_223 : memref<10240x128xf32, #tpu.memory_space<vmem_shared>>)
      %add3A_226 = arith.constant 2 : i32
      %add3A_227 = arith.addi %add3A_170, %add3A_226 : i32
      %lt3A_228 = arith.constant 78 : i32
      %lt3A_229 = arith.cmpi slt, %add3A_227, %lt3A_228 : i32
      %convert_element_type3A_230 = arith.extui %lt3A_229 : i1 to i32
      %cond3A_231 = arith.constant 0 : i32
      %cond3A_232 = arith.cmpi ne, %convert_element_type3A_230, %cond3A_231 : i32
      scf.if %cond3A_232 {
        %mul3A_233 = arith.constant 10000 : i32
        %mul3A_234 = arith.muli %add3A, %mul3A_233 : i32
        %mul3A_235 = arith.constant 128 : i32
        %mul3A_236 = arith.muli %add3A_227, %mul3A_235 : i32
        %add3A_237 = arith.addi %mul3A_234, %mul3A_236 : i32
        %dma_start3A_238 = arith.constant 1 : i32
        %dma_start3A_239 = arith.constant 1 : i32
        %dma_start3A_240 = arith.constant 0 : i32
        %dma_start3A_241 = tpu.memref_slice %arg8[%dma_start3A_238, %dma_start3A_240] : memref<2x128xi32, #tpu.memory_space<vmem>> -> memref<1x128xi32, #tpu.memory_space<vmem>>
        %dma_start3A_242 = tpu.memref_squeeze %dma_start3A_241 : memref<1x128xi32, #tpu.memory_space<vmem>> -> memref<128xi32, #tpu.memory_space<vmem>>
        %dma_start3A_243 = tpu.memref_slice %arg4[%add3A_237] : memref<320000xi32, #tpu.memory_space<hbm>> -> memref<128xi32, #tpu.memory_space<hbm>>
        %dma_start3A_244 = tpu.memref_slice %arg13[%dma_start3A_239] : memref<2x!tpu.dma_semaphore, #tpu.memory_space<semaphore_mem>> -> memref<1x!tpu.dma_semaphore, #tpu.memory_space<semaphore_mem>>
        %dma_start3A_245 = tpu.memref_squeeze %dma_start3A_244 : memref<1x!tpu.dma_semaphore, #tpu.memory_space<semaphore_mem>> -> memref<!tpu.dma_semaphore, #tpu.memory_space<semaphore_mem>>
        %dma_start3A_246 = arith.constant 0 : i32
        %dma_start3A_247 = tpu.memref_slice %arg8[%dma_start3A_238, %dma_start3A_246] : memref<2x128xi32, #tpu.memory_space<vmem>> -> memref<1x128xi32, #tpu.memory_space<vmem>>
        %dma_start3A_248 = tpu.memref_squeeze %dma_start3A_247 : memref<1x128xi32, #tpu.memory_space<vmem>> -> memref<128xi32, #tpu.memory_space<vmem>>
        %dma_start3A_249 = tpu.memref_slice %arg4[%add3A_237] : memref<320000xi32, #tpu.memory_space<hbm>> -> memref<128xi32, #tpu.memory_space<hbm>>
        tpu.enqueue_dma source(%dma_start3A_249 : memref<128xi32, #tpu.memory_space<hbm>>) target(%dma_start3A_248 : memref<128xi32, #tpu.memory_space<vmem>>) target_semaphore(%dma_start3A_245 : memref<!tpu.dma_semaphore, #tpu.memory_space<semaphore_mem>>)
        %mul3A_250 = arith.constant 128 : i32
        %mul3A_251 = arith.muli %add3A_227, %mul3A_250 : i32
        %dma_start3A_252 = arith.constant 1 : i32
        %dma_start3A_253 = arith.constant 128 : i32
        %dma_start3A_254 = arith.constant 0 : i32
        %dma_start3A_255 = tpu.memref_slice %arg10[%dma_start3A_253, %dma_start3A_254] : memref<256x128xf32, #tpu.memory_space<vmem>> -> memref<128x128xf32, #tpu.memory_space<vmem>>
        %dma_start3A_256 = tpu.memref_slice %arg7[%mul3A_251] : memref<10000xi32, #tpu.memory_space<vmem>> -> memref<128xi32, #tpu.memory_space<vmem>>
        %dma_start3A_257 = arith.constant 0 : i32
        %dma_start3A_258 = arith.constant 0 : i32
        %dma_start3A_259 = tpu.memref_slice %arg2[%dma_start3A_257, %dma_start3A_258] : memref<10240x128xf32, #tpu.memory_space<hbm>> -> memref<10240x128xf32, #tpu.memory_space<hbm>>
        %dma_start3A_260 = tpu.memref_slice %arg11[%dma_start3A_252] : memref<2x!tpu.dma_semaphore, #tpu.memory_space<semaphore_mem>> -> memref<1x!tpu.dma_semaphore, #tpu.memory_space<semaphore_mem>>
        %dma_start3A_261 = tpu.memref_squeeze %dma_start3A_260 : memref<1x!tpu.dma_semaphore, #tpu.memory_space<semaphore_mem>> -> memref<!tpu.dma_semaphore, #tpu.memory_space<semaphore_mem>>
        tpu.enqueue_indirect_dma source(%dma_start3A_259 : memref<10240x128xf32, #tpu.memory_space<hbm>>) target(%dma_start3A_255 : memref<128x128xf32, #tpu.memory_space<vmem>>) offsets(%dma_start3A_256 : memref<128xi32, #tpu.memory_space<vmem>>) semaphore(%dma_start3A_261 : memref<!tpu.dma_semaphore, #tpu.memory_space<semaphore_mem>>)
      } else {
      }
    }
    %scan3A_69 = arith.constant 39 : i32
    %mul3A_70 = arith.constant 10000 : i32
    %mul3A_71 = arith.muli %add3A, %mul3A_70 : i32
    %add3A_72 = arith.constant 9984 : i32
    %add3A_73 = arith.addi %mul3A_71, %add3A_72 : i32
    "tpu.region"() ({
      %run_scoped3A = tpu.sem_alloc : memref<!tpu.dma_semaphore, #tpu.memory_space<semaphore_mem>>
      %dma_start3A_103 = tpu.memref_slice %arg4[%add3A_73] : memref<320000xi32, #tpu.memory_space<hbm>> -> memref<16xi32, #tpu.memory_space<hbm>>
      %dma_start3A_104 = tpu.memref_slice %arg4[%add3A_73] : memref<320000xi32, #tpu.memory_space<hbm>> -> memref<16xi32, #tpu.memory_space<hbm>>
      tpu.enqueue_dma source(%dma_start3A_104 : memref<16xi32, #tpu.memory_space<hbm>>) target(%arg9 : memref<16xi32, #tpu.memory_space<vmem>>) target_semaphore(%run_scoped3A : memref<!tpu.dma_semaphore, #tpu.memory_space<semaphore_mem>>)
      %dma_wait3A_105 = tpu.memref_slice %arg4[%add3A_73] : memref<320000xi32, #tpu.memory_space<hbm>> -> memref<16xi32, #tpu.memory_space<hbm>>
      %dma_wait3A_106 = tpu.memref_slice %arg4[%add3A_73] : memref<320000xi32, #tpu.memory_space<hbm>> -> memref<16xi32, #tpu.memory_space<hbm>>
      tpu.wait_dma2 semaphore(%run_scoped3A : memref<!tpu.dma_semaphore, #tpu.memory_space<semaphore_mem>>) src(%dma_wait3A_106 : memref<16xi32, #tpu.memory_space<hbm>>) dst(%arg9 : memref<16xi32, #tpu.memory_space<vmem>>)
      tpu.yield
    }) : () -> ()
    %dma_start3A_74 = arith.constant 0 : i32
    %dma_start3A_75 = arith.constant 0 : i32
    %dma_start3A_76 = arith.constant 0 : i32
    %dma_start3A_77 = tpu.memref_slice %arg10[%dma_start3A_75, %dma_start3A_76] : memref<256x128xf32, #tpu.memory_space<vmem>> -> memref<16x128xf32, #tpu.memory_space<vmem>>
    %dma_start3A_78 = arith.constant 9984 : i32
    %dma_start3A_79 = tpu.memref_slice %arg7[%dma_start3A_78] : memref<10000xi32, #tpu.memory_space<vmem>> -> memref<16xi32, #tpu.memory_space<vmem>>
    %dma_start3A_80 = arith.constant 0 : i32
    %dma_start3A_81 = arith.constant 0 : i32
    %dma_start3A_82 = tpu.memref_slice %arg2[%dma_start3A_80, %dma_start3A_81] : memref<10240x128xf32, #tpu.memory_space<hbm>> -> memref<10240x128xf32, #tpu.memory_space<hbm>>
    %dma_start3A_83 = tpu.memref_slice %arg11[%dma_start3A_74] : memref<2x!tpu.dma_semaphore, #tpu.memory_space<semaphore_mem>> -> memref<1x!tpu.dma_semaphore, #tpu.memory_space<semaphore_mem>>
    %dma_start3A_84 = tpu.memref_squeeze %dma_start3A_83 : memref<1x!tpu.dma_semaphore, #tpu.memory_space<semaphore_mem>> -> memref<!tpu.dma_semaphore, #tpu.memory_space<semaphore_mem>>
    tpu.enqueue_indirect_dma source(%dma_start3A_82 : memref<10240x128xf32, #tpu.memory_space<hbm>>) target(%dma_start3A_77 : memref<16x128xf32, #tpu.memory_space<vmem>>) offsets(%dma_start3A_79 : memref<16xi32, #tpu.memory_space<vmem>>) semaphore(%dma_start3A_84 : memref<!tpu.dma_semaphore, #tpu.memory_space<semaphore_mem>>)
    %dma_wait3A = arith.constant 0 : i32
    %dma_wait3A_85 = arith.constant 0 : i32
    %dma_wait3A_86 = arith.constant 0 : i32
    %dma_wait3A_87 = tpu.memref_slice %arg10[%dma_wait3A_85, %dma_wait3A_86] : memref<256x128xf32, #tpu.memory_space<vmem>> -> memref<16x128xf32, #tpu.memory_space<vmem>>
    %dma_wait3A_88 = arith.constant 9984 : i32
    %dma_wait3A_89 = tpu.memref_slice %arg7[%dma_wait3A_88] : memref<10000xi32, #tpu.memory_space<vmem>> -> memref<16xi32, #tpu.memory_space<vmem>>
    %dma_wait3A_90 = arith.constant 0 : i32
    %dma_wait3A_91 = arith.constant 0 : i32
    %dma_wait3A_92 = tpu.memref_slice %arg2[%dma_wait3A_90, %dma_wait3A_91] : memref<10240x128xf32, #tpu.memory_space<hbm>> -> memref<10240x128xf32, #tpu.memory_space<hbm>>
    %dma_wait3A_93 = tpu.memref_slice %arg11[%dma_wait3A] : memref<2x!tpu.dma_semaphore, #tpu.memory_space<semaphore_mem>> -> memref<1x!tpu.dma_semaphore, #tpu.memory_space<semaphore_mem>>
    %dma_wait3A_94 = tpu.memref_squeeze %dma_wait3A_93 : memref<1x!tpu.dma_semaphore, #tpu.memory_space<semaphore_mem>> -> memref<!tpu.dma_semaphore, #tpu.memory_space<semaphore_mem>>
    tpu.wait_indirect_dma semaphore(%dma_wait3A_94 : memref<!tpu.dma_semaphore, #tpu.memory_space<semaphore_mem>>) src(%dma_wait3A_92 : memref<10240x128xf32, #tpu.memory_space<hbm>>) dst(%dma_wait3A_87 : memref<16x128xf32, #tpu.memory_space<vmem>>)
    "tpu.region"() ({
      %run_scoped3A = tpu.sem_alloc : memref<!tpu.dma_semaphore, #tpu.memory_space<semaphore_mem>>
      %dma_start3A_103 = arith.constant 0 : i32
      %dma_start3A_104 = arith.constant 0 : i32
      %dma_start3A_105 = tpu.memref_slice %arg10[%dma_start3A_103, %dma_start3A_104] : memref<256x128xf32, #tpu.memory_space<vmem>> -> memref<16x128xf32, #tpu.memory_space<vmem>>
      %dma_start3A_106 = arith.constant 0 : i32
      %dma_start3A_107 = arith.constant 0 : i32
      %dma_start3A_108 = tpu.memref_slice %arg6[%dma_start3A_106, %dma_start3A_107] : memref<10240x128xf32, #tpu.memory_space<vmem_shared>> -> memref<10240x128xf32, #tpu.memory_space<vmem_shared>>
      tpu.enqueue_indirect_dma source(%dma_start3A_105 : memref<16x128xf32, #tpu.memory_space<vmem>>) target(%dma_start3A_108 : memref<10240x128xf32, #tpu.memory_space<vmem_shared>>) offsets(%arg9 : memref<16xi32, #tpu.memory_space<vmem>>) semaphore(%run_scoped3A : memref<!tpu.dma_semaphore, #tpu.memory_space<semaphore_mem>>) {add = true}
      %dma_wait3A_109 = arith.constant 0 : i32
      %dma_wait3A_110 = arith.constant 0 : i32
      %dma_wait3A_111 = tpu.memref_slice %arg10[%dma_wait3A_109, %dma_wait3A_110] : memref<256x128xf32, #tpu.memory_space<vmem>> -> memref<16x128xf32, #tpu.memory_space<vmem>>
      %dma_wait3A_112 = arith.constant 0 : i32
      %dma_wait3A_113 = arith.constant 0 : i32
      %dma_wait3A_114 = tpu.memref_slice %arg6[%dma_wait3A_112, %dma_wait3A_113] : memref<10240x128xf32, #tpu.memory_space<vmem_shared>> -> memref<10240x128xf32, #tpu.memory_space<vmem_shared>>
      tpu.wait_indirect_dma semaphore(%run_scoped3A : memref<!tpu.dma_semaphore, #tpu.memory_space<semaphore_mem>>) src(%dma_wait3A_111 : memref<16x128xf32, #tpu.memory_space<vmem>>) dst(%dma_wait3A_114 : memref<10240x128xf32, #tpu.memory_space<vmem_shared>>)
      tpu.yield
    }) : () -> ()
    %barrier3A_95 = arith.constant 0 : index
    tpu.barrier barrier_id(%barrier3A_95)
    %mul3A_96 = arith.constant 640 : i32
    %mul3A_97 = arith.muli %arg1, %mul3A_96 : i32
    %mul3A_98 = arith.constant 10240 : i32
    %mul3A_99 = arith.muli %arg0, %mul3A_98 : i32
    %mul3A_100 = arith.constant 640 : i32
    %mul3A_101 = arith.muli %arg1, %mul3A_100 : i32
    %add3A_102 = arith.addi %mul3A_99, %mul3A_101 : i32
    "tpu.region"() ({
      %run_scoped3A = tpu.sem_alloc : memref<!tpu.dma_semaphore, #tpu.memory_space<semaphore_mem>>
      %dma_start3A_103 = arith.constant 0 : i32
      %dma_start3A_104 = tpu.memref_slice %arg5[%add3A_102, %dma_start3A_103] : memref<20480x128xf32, #tpu.memory_space<hbm>> -> memref<640x128xf32, #tpu.memory_space<hbm>>
      %dma_start3A_105 = arith.constant 0 : i32
      %dma_start3A_106 = tpu.memref_slice %arg6[%mul3A_97, %dma_start3A_105] : memref<10240x128xf32, #tpu.memory_space<vmem_shared>> -> memref<640x128xf32, #tpu.memory_space<vmem_shared>>
      tpu.enqueue_dma source(%dma_start3A_106 : memref<640x128xf32, #tpu.memory_space<vmem_shared>>) target(%dma_start3A_104 : memref<640x128xf32, #tpu.memory_space<hbm>>) target_semaphore(%run_scoped3A : memref<!tpu.dma_semaphore, #tpu.memory_space<semaphore_mem>>)
      %dma_wait3A_107 = arith.constant 0 : i32
      %dma_wait3A_108 = tpu.memref_slice %arg5[%add3A_102, %dma_wait3A_107] : memref<20480x128xf32, #tpu.memory_space<hbm>> -> memref<640x128xf32, #tpu.memory_space<hbm>>
      %dma_wait3A_109 = arith.constant 0 : i32
      %dma_wait3A_110 = tpu.memref_slice %arg6[%mul3A_97, %dma_wait3A_109] : memref<10240x128xf32, #tpu.memory_space<vmem_shared>> -> memref<640x128xf32, #tpu.memory_space<vmem_shared>>
      tpu.wait_dma2 semaphore(%run_scoped3A : memref<!tpu.dma_semaphore, #tpu.memory_space<semaphore_mem>>) src(%dma_wait3A_110 : memref<640x128xf32, #tpu.memory_space<vmem_shared>>) dst(%dma_wait3A_108 : memref<640x128xf32, #tpu.memory_space<hbm>>)
      tpu.yield
    }) : () -> ()
    return
  }
}

#map = affine_map<(d0, d1) -> (0, 0)>
#map1 = affine_map<(d0, d1) -> (0)>
module attributes {stable_mosaic.version = 14 : i64} {
  func.func @_sc_aggregate(%arg0: i32, %arg1: i32, %arg2: memref<10240x128xf32, #tpu.memory_space<hbm>>, %arg3: memref<320000xi32, #tpu.memory_space<hbm>>, %arg4: memref<320000xi32, #tpu.memory_space<hbm>>, %arg5: memref<20480x128xf32, #tpu.memory_space<hbm>>, %arg6: memref<10240x128xf32, #tpu.memory_space<vmem_shared>>, %arg7: memref<10000xi32, #tpu.memory_space<vmem>>, %arg8: memref<2x128xi32, #tpu.memory_space<vmem>>, %arg9: memref<16xi32, #tpu.memory_space<vmem>>, %arg10: memref<256x128xf32, #tpu.memory_space<vmem>>, %arg11: memref<2x!tpu.dma_semaphore, #tpu.memory_space<semaphore_mem>>, %arg12: memref<2x!tpu.dma_semaphore, #tpu.memory_space<semaphore_mem>>, %arg13: memref<2x!tpu.dma_semaphore, #tpu.memory_space<semaphore_mem>>) attributes {dimension_semantics = [#tpu.dimension_semantics<core_parallel>, #tpu.dimension_semantics<subcore_parallel>], iteration_bounds = array<i64: 2, 16>, scalar_prefetch = 0 : i64, scratch_operands = 8 : i64, tpu.core_type = #tpu.core_type<sc_vector_subcore>, window_params = [{transform_indices = #map}, {transform_indices = #map1}, {transform_indices = #map1}, {transform_indices = #map}]} {
    %mul3A = arith.constant 16 : i32
    %mul3A_0 = arith.muli %arg0, %mul3A : i32
    %add3A = arith.addi %mul3A_0, %arg1 : i32
    %scan3A = arith.constant 0 : i32
    %scan3A_1 = arith.constant 64 : i32
    %scan3A_2 = arith.addi %scan3A, %scan3A_1 : i32
    %scan3A_3 = arith.constant 1 : i32
    scf.for %scan3A_103 = %scan3A to %scan3A_2 step %scan3A_3  : i32 {
      %broadcast_in_dim3A = arith.constant 0.000000e+00 : f32
      %broadcast_in_dim3A_104 = vector.broadcast %broadcast_in_dim3A : f32 to vector<16xf32>
      %swap3A = arith.index_cast %scan3A_103 : i32 to index
      %swap3A_105 = arith.constant 0 : index
      %swap3A_106 = tpu.vector_load %arg10[%swap3A, %swap3A_105] {strides = array<i32>} : memref<256x128xf32, #tpu.memory_space<vmem>>, vector<1x16xf32>,
      %swap3A_107 = vector.shape_cast %swap3A_106 : vector<1x16xf32> to vector<16xf32>
      %swap3A_108 = vector.shape_cast %broadcast_in_dim3A_104 : vector<16xf32> to vector<1x16xf32>
      tpu.vector_store %arg10[%swap3A, %swap3A_105], %swap3A_108 {strides = array<i32>} : memref<256x128xf32, #tpu.memory_space<vmem>>, vector<1x16xf32>,
      %broadcast_in_dim3A_109 = arith.constant 0.000000e+00 : f32
      %broadcast_in_dim3A_110 = vector.broadcast %broadcast_in_dim3A_109 : f32 to vector<16xf32>
      %swap3A_111 = arith.index_cast %scan3A_103 : i32 to index
      %swap3A_112 = arith.constant 16 : index
      %swap3A_113 = tpu.vector_load %arg10[%swap3A_111, %swap3A_112] {strides = array<i32>} : memref<256x128xf32, #tpu.memory_space<vmem>>, vector<1x16xf32>,
      %swap3A_114 = vector.shape_cast %swap3A_113 : vector<1x16xf32> to vector<16xf32>
      %swap3A_115 = vector.shape_cast %broadcast_in_dim3A_110 : vector<16xf32> to vector<1x16xf32>
      tpu.vector_store %arg10[%swap3A_111, %swap3A_112], %swap3A_115 {strides = array<i32>} : memref<256x128xf32, #tpu.memory_space<vmem>>, vector<1x16xf32>,
      %broadcast_in_dim3A_116 = arith.constant 0.000000e+00 : f32
      %broadcast_in_dim3A_117 = vector.broadcast %broadcast_in_dim3A_116 : f32 to vector<16xf32>
      %swap3A_118 = arith.index_cast %scan3A_103 : i32 to index
      %swap3A_119 = arith.constant 32 : index
      %swap3A_120 = tpu.vector_load %arg10[%swap3A_118, %swap3A_119] {strides = array<i32>} : memref<256x128xf32, #tpu.memory_space<vmem>>, vector<1x16xf32>,
      %swap3A_121 = vector.shape_cast %swap3A_120 : vector<1x16xf32> to vector<16xf32>
      %swap3A_122 = vector.shape_cast %broadcast_in_dim3A_117 : vector<16xf32> to vector<1x16xf32>
      tpu.vector_store %arg10[%swap3A_118, %swap3A_119], %swap3A_122 {strides = array<i32>} : memref<256x128xf32, #tpu.memory_space<vmem>>, vector<1x16xf32>,
      %broadcast_in_dim3A_123 = arith.constant 0.000000e+00 : f32
      %broadcast_in_dim3A_124 = vector.broadcast %broadcast_in_dim3A_123 : f32 to vector<16xf32>
      %swap3A_125 = arith.index_cast %scan3A_103 : i32 to index
      %swap3A_126 = arith.constant 48 : index
      %swap3A_127 = tpu.vector_load %arg10[%swap3A_125, %swap3A_126] {strides = array<i32>} : memref<256x128xf32, #tpu.memory_space<vmem>>, vector<1x16xf32>,
      %swap3A_128 = vector.shape_cast %swap3A_127 : vector<1x16xf32> to vector<16xf32>
      %swap3A_129 = vector.shape_cast %broadcast_in_dim3A_124 : vector<16xf32> to vector<1x16xf32>
      tpu.vector_store %arg10[%swap3A_125, %swap3A_126], %swap3A_129 {strides = array<i32>} : memref<256x128xf32, #tpu.memory_space<vmem>>, vector<1x16xf32>,
      %broadcast_in_dim3A_130 = arith.constant 0.000000e+00 : f32
      %broadcast_in_dim3A_131 = vector.broadcast %broadcast_in_dim3A_130 : f32 to vector<16xf32>
      %swap3A_132 = arith.index_cast %scan3A_103 : i32 to index
      %swap3A_133 = arith.constant 64 : index
      %swap3A_134 = tpu.vector_load %arg10[%swap3A_132, %swap3A_133] {strides = array<i32>} : memref<256x128xf32, #tpu.memory_space<vmem>>, vector<1x16xf32>,
      %swap3A_135 = vector.shape_cast %swap3A_134 : vector<1x16xf32> to vector<16xf32>
      %swap3A_136 = vector.shape_cast %broadcast_in_dim3A_131 : vector<16xf32> to vector<1x16xf32>
      tpu.vector_store %arg10[%swap3A_132, %swap3A_133], %swap3A_136 {strides = array<i32>} : memref<256x128xf32, #tpu.memory_space<vmem>>, vector<1x16xf32>,
      %broadcast_in_dim3A_137 = arith.constant 0.000000e+00 : f32
      %broadcast_in_dim3A_138 = vector.broadcast %broadcast_in_dim3A_137 : f32 to vector<16xf32>
      %swap3A_139 = arith.index_cast %scan3A_103 : i32 to index
      %swap3A_140 = arith.constant 80 : index
      %swap3A_141 = tpu.vector_load %arg10[%swap3A_139, %swap3A_140] {strides = array<i32>} : memref<256x128xf32, #tpu.memory_space<vmem>>, vector<1x16xf32>,
      %swap3A_142 = vector.shape_cast %swap3A_141 : vector<1x16xf32> to vector<16xf32>
      %swap3A_143 = vector.shape_cast %broadcast_in_dim3A_138 : vector<16xf32> to vector<1x16xf32>
      tpu.vector_store %arg10[%swap3A_139, %swap3A_140], %swap3A_143 {strides = array<i32>} : memref<256x128xf32, #tpu.memory_space<vmem>>, vector<1x16xf32>,
      %broadcast_in_dim3A_144 = arith.constant 0.000000e+00 : f32
      %broadcast_in_dim3A_145 = vector.broadcast %broadcast_in_dim3A_144 : f32 to vector<16xf32>
      %swap3A_146 = arith.index_cast %scan3A_103 : i32 to index
      %swap3A_147 = arith.constant 96 : index
      %swap3A_148 = tpu.vector_load %arg10[%swap3A_146, %swap3A_147] {strides = array<i32>} : memref<256x128xf32, #tpu.memory_space<vmem>>, vector<1x16xf32>,
      %swap3A_149 = vector.shape_cast %swap3A_148 : vector<1x16xf32> to vector<16xf32>
      %swap3A_150 = vector.shape_cast %broadcast_in_dim3A_145 : vector<16xf32> to vector<1x16xf32>
      tpu.vector_store %arg10[%swap3A_146, %swap3A_147], %swap3A_150 {strides = array<i32>} : memref<256x128xf32, #tpu.memory_space<vmem>>, vector<1x16xf32>,
      %broadcast_in_dim3A_151 = arith.constant 0.000000e+00 : f32
      %broadcast_in_dim3A_152 = vector.broadcast %broadcast_in_dim3A_151 : f32 to vector<16xf32>
      %swap3A_153 = arith.index_cast %scan3A_103 : i32 to index
      %swap3A_154 = arith.constant 112 : index
      %swap3A_155 = tpu.vector_load %arg10[%swap3A_153, %swap3A_154] {strides = array<i32>} : memref<256x128xf32, #tpu.memory_space<vmem>>, vector<1x16xf32>,
      %swap3A_156 = vector.shape_cast %swap3A_155 : vector<1x16xf32> to vector<16xf32>
      %swap3A_157 = vector.shape_cast %broadcast_in_dim3A_152 : vector<16xf32> to vector<1x16xf32>
      tpu.vector_store %arg10[%swap3A_153, %swap3A_154], %swap3A_157 {strides = array<i32>} : memref<256x128xf32, #tpu.memory_space<vmem>>, vector<1x16xf32>,
    }
    %scan3A_4 = arith.constant 64 : i32
    %scan3A_5 = arith.constant 0 : i32
    %scan3A_6 = arith.constant 10 : i32
    %scan3A_7 = arith.addi %scan3A_5, %scan3A_6 : i32
    %scan3A_8 = arith.constant 1 : i32
    scf.for %scan3A_103 = %scan3A_5 to %scan3A_7 step %scan3A_8  : i32 {
      %mul3A_104 = arith.constant 640 : i32
      %mul3A_105 = arith.muli %arg1, %mul3A_104 : i32
      %mul3A_106 = arith.constant 64 : i32
      %mul3A_107 = arith.muli %scan3A_103, %mul3A_106 : i32
      %add3A_108 = arith.addi %mul3A_105, %mul3A_107 : i32
      "tpu.region"() ({
        %run_scoped3A = tpu.sem_alloc : memref<!tpu.dma_semaphore, #tpu.memory_space<semaphore_mem>>
        %dma_start3A_109 = arith.constant 0 : i32
        %dma_start3A_110 = arith.constant 0 : i32
        %dma_start3A_111 = tpu.memref_slice %arg10[%dma_start3A_109, %dma_start3A_110] : memref<256x128xf32, #tpu.memory_space<vmem>> -> memref<64x128xf32, #tpu.memory_space<vmem>>
        %dma_start3A_112 = arith.constant 0 : i32
        %dma_start3A_113 = tpu.memref_slice %arg6[%add3A_108, %dma_start3A_112] : memref<10240x128xf32, #tpu.memory_space<vmem_shared>> -> memref<64x128xf32, #tpu.memory_space<vmem_shared>>
        %dma_start3A_114 = arith.constant 0 : i32
        %dma_start3A_115 = tpu.memref_slice %arg6[%add3A_108, %dma_start3A_114] : memref<10240x128xf32, #tpu.memory_space<vmem_shared>> -> memref<64x128xf32, #tpu.memory_space<vmem_shared>>
        %dma_start3A_116 = arith.constant 0 : i32
        %dma_start3A_117 = arith.constant 0 : i32
        %dma_start3A_118 = tpu.memref_slice %arg10[%dma_start3A_116, %dma_start3A_117] : memref<256x128xf32, #tpu.memory_space<vmem>> -> memref<64x128xf32, #tpu.memory_space<vmem>>
        tpu.enqueue_dma source(%dma_start3A_118 : memref<64x128xf32, #tpu.memory_space<vmem>>) target(%dma_start3A_115 : memref<64x128xf32, #tpu.memory_space<vmem_shared>>) target_semaphore(%run_scoped3A : memref<!tpu.dma_semaphore, #tpu.memory_space<semaphore_mem>>)
        %dma_wait3A_119 = arith.constant 0 : i32
        %dma_wait3A_120 = arith.constant 0 : i32
        %dma_wait3A_121 = tpu.memref_slice %arg10[%dma_wait3A_119, %dma_wait3A_120] : memref<256x128xf32, #tpu.memory_space<vmem>> -> memref<64x128xf32, #tpu.memory_space<vmem>>
        %dma_wait3A_122 = arith.constant 0 : i32
        %dma_wait3A_123 = tpu.memref_slice %arg6[%add3A_108, %dma_wait3A_122] : memref<10240x128xf32, #tpu.memory_space<vmem_shared>> -> memref<64x128xf32, #tpu.memory_space<vmem_shared>>
        %dma_wait3A_124 = arith.constant 0 : i32
        %dma_wait3A_125 = tpu.memref_slice %arg6[%add3A_108, %dma_wait3A_124] : memref<10240x128xf32, #tpu.memory_space<vmem_shared>> -> memref<64x128xf32, #tpu.memory_space<vmem_shared>>
        %dma_wait3A_126 = arith.constant 0 : i32
        %dma_wait3A_127 = arith.constant 0 : i32
        %dma_wait3A_128 = tpu.memref_slice %arg10[%dma_wait3A_126, %dma_wait3A_127] : memref<256x128xf32, #tpu.memory_space<vmem>> -> memref<64x128xf32, #tpu.memory_space<vmem>>
        tpu.wait_dma2 semaphore(%run_scoped3A : memref<!tpu.dma_semaphore, #tpu.memory_space<semaphore_mem>>) src(%dma_wait3A_128 : memref<64x128xf32, #tpu.memory_space<vmem>>) dst(%dma_wait3A_125 : memref<64x128xf32, #tpu.memory_space<vmem_shared>>)
        tpu.yield
      }) : () -> ()
    }
    %scan3A_9 = arith.constant 10 : i32
    %mul3A_10 = arith.constant 10000 : i32
    %mul3A_11 = arith.muli %add3A, %mul3A_10 : i32
    "tpu.region"() ({
      %run_scoped3A = tpu.sem_alloc : memref<!tpu.dma_semaphore, #tpu.memory_space<semaphore_mem>>
      %dma_start3A_103 = tpu.memref_slice %arg3[%mul3A_11] : memref<320000xi32, #tpu.memory_space<hbm>> -> memref<10000xi32, #tpu.memory_space<hbm>>
      %dma_start3A_104 = tpu.memref_slice %arg3[%mul3A_11] : memref<320000xi32, #tpu.memory_space<hbm>> -> memref<10000xi32, #tpu.memory_space<hbm>>
      tpu.enqueue_dma source(%dma_start3A_104 : memref<10000xi32, #tpu.memory_space<hbm>>) target(%arg7 : memref<10000xi32, #tpu.memory_space<vmem>>) target_semaphore(%run_scoped3A : memref<!tpu.dma_semaphore, #tpu.memory_space<semaphore_mem>>)
      %dma_wait3A_105 = tpu.memref_slice %arg3[%mul3A_11] : memref<320000xi32, #tpu.memory_space<hbm>> -> memref<10000xi32, #tpu.memory_space<hbm>>
      %dma_wait3A_106 = tpu.memref_slice %arg3[%mul3A_11] : memref<320000xi32, #tpu.memory_space<hbm>> -> memref<10000xi32, #tpu.memory_space<hbm>>
      tpu.wait_dma2 semaphore(%run_scoped3A : memref<!tpu.dma_semaphore, #tpu.memory_space<semaphore_mem>>) src(%dma_wait3A_106 : memref<10000xi32, #tpu.memory_space<hbm>>) dst(%arg7 : memref<10000xi32, #tpu.memory_space<vmem>>)
      tpu.yield
    }) : () -> ()
    %barrier3A = arith.constant 0 : index
    tpu.barrier barrier_id(%barrier3A)
    %mul3A_12 = arith.constant 10000 : i32
    %mul3A_13 = arith.muli %add3A, %mul3A_12 : i32
    %add3A_14 = arith.constant 0 : i32
    %add3A_15 = arith.addi %mul3A_13, %add3A_14 : i32
    %dma_start3A = arith.constant 0 : i32
    %dma_start3A_16 = arith.constant 0 : i32
    %dma_start3A_17 = arith.constant 0 : i32
    %dma_start3A_18 = tpu.memref_slice %arg8[%dma_start3A, %dma_start3A_17] : memref<2x128xi32, #tpu.memory_space<vmem>> -> memref<1x128xi32, #tpu.memory_space<vmem>>
    %dma_start3A_19 = tpu.memref_squeeze %dma_start3A_18 : memref<1x128xi32, #tpu.memory_space<vmem>> -> memref<128xi32, #tpu.memory_space<vmem>>
    %dma_start3A_20 = tpu.memref_slice %arg4[%add3A_15] : memref<320000xi32, #tpu.memory_space<hbm>> -> memref<128xi32, #tpu.memory_space<hbm>>
    %dma_start3A_21 = tpu.memref_slice %arg13[%dma_start3A_16] : memref<2x!tpu.dma_semaphore, #tpu.memory_space<semaphore_mem>> -> memref<1x!tpu.dma_semaphore, #tpu.memory_space<semaphore_mem>>
    %dma_start3A_22 = tpu.memref_squeeze %dma_start3A_21 : memref<1x!tpu.dma_semaphore, #tpu.memory_space<semaphore_mem>> -> memref<!tpu.dma_semaphore, #tpu.memory_space<semaphore_mem>>
    %dma_start3A_23 = arith.constant 0 : i32
    %dma_start3A_24 = tpu.memref_slice %arg8[%dma_start3A, %dma_start3A_23] : memref<2x128xi32, #tpu.memory_space<vmem>> -> memref<1x128xi32, #tpu.memory_space<vmem>>
    %dma_start3A_25 = tpu.memref_squeeze %dma_start3A_24 : memref<1x128xi32, #tpu.memory_space<vmem>> -> memref<128xi32, #tpu.memory_space<vmem>>
    %dma_start3A_26 = tpu.memref_slice %arg4[%add3A_15] : memref<320000xi32, #tpu.memory_space<hbm>> -> memref<128xi32, #tpu.memory_space<hbm>>
    tpu.enqueue_dma source(%dma_start3A_26 : memref<128xi32, #tpu.memory_space<hbm>>) target(%dma_start3A_25 : memref<128xi32, #tpu.memory_space<vmem>>) target_semaphore(%dma_start3A_22 : memref<!tpu.dma_semaphore, #tpu.memory_space<semaphore_mem>>)
    %dma_start3A_27 = arith.constant 0 : i32
    %dma_start3A_28 = arith.constant 0 : i32
    %dma_start3A_29 = arith.constant 0 : i32
    %dma_start3A_30 = tpu.memref_slice %arg10[%dma_start3A_28, %dma_start3A_29] : memref<256x128xf32, #tpu.memory_space<vmem>> -> memref<128x128xf32, #tpu.memory_space<vmem>>
    %dma_start3A_31 = arith.constant 0 : i32
    %dma_start3A_32 = tpu.memref_slice %arg7[%dma_start3A_31] : memref<10000xi32, #tpu.memory_space<vmem>> -> memref<128xi32, #tpu.memory_space<vmem>>
    %dma_start3A_33 = arith.constant 0 : i32
    %dma_start3A_34 = arith.constant 0 : i32
    %dma_start3A_35 = tpu.memref_slice %arg2[%dma_start3A_33, %dma_start3A_34] : memref<10240x128xf32, #tpu.memory_space<hbm>> -> memref<10240x128xf32, #tpu.memory_space<hbm>>
    %dma_start3A_36 = tpu.memref_slice %arg11[%dma_start3A_27] : memref<2x!tpu.dma_semaphore, #tpu.memory_space<semaphore_mem>> -> memref<1x!tpu.dma_semaphore, #tpu.memory_space<semaphore_mem>>
    %dma_start3A_37 = tpu.memref_squeeze %dma_start3A_36 : memref<1x!tpu.dma_semaphore, #tpu.memory_space<semaphore_mem>> -> memref<!tpu.dma_semaphore, #tpu.memory_space<semaphore_mem>>
    tpu.enqueue_indirect_dma source(%dma_start3A_35 : memref<10240x128xf32, #tpu.memory_space<hbm>>) target(%dma_start3A_30 : memref<128x128xf32, #tpu.memory_space<vmem>>) offsets(%dma_start3A_32 : memref<128xi32, #tpu.memory_space<vmem>>) semaphore(%dma_start3A_37 : memref<!tpu.dma_semaphore, #tpu.memory_space<semaphore_mem>>)
    %mul3A_38 = arith.constant 10000 : i32
    %mul3A_39 = arith.muli %add3A, %mul3A_38 : i32
    %add3A_40 = arith.constant 128 : i32
    %add3A_41 = arith.addi %mul3A_39, %add3A_40 : i32
    %dma_start3A_42 = arith.constant 1 : i32
    %dma_start3A_43 = arith.constant 1 : i32
    %dma_start3A_44 = arith.constant 0 : i32
    %dma_start3A_45 = tpu.memref_slice %arg8[%dma_start3A_42, %dma_start3A_44] : memref<2x128xi32, #tpu.memory_space<vmem>> -> memref<1x128xi32, #tpu.memory_space<vmem>>
    %dma_start3A_46 = tpu.memref_squeeze %dma_start3A_45 : memref<1x128xi32, #tpu.memory_space<vmem>> -> memref<128xi32, #tpu.memory_space<vmem>>
    %dma_start3A_47 = tpu.memref_slice %arg4[%add3A_41] : memref<320000xi32, #tpu.memory_space<hbm>> -> memref<128xi32, #tpu.memory_space<hbm>>
    %dma_start3A_48 = tpu.memref_slice %arg13[%dma_start3A_43] : memref<2x!tpu.dma_semaphore, #tpu.memory_space<semaphore_mem>> -> memref<1x!tpu.dma_semaphore, #tpu.memory_space<semaphore_mem>>
    %dma_start3A_49 = tpu.memref_squeeze %dma_start3A_48 : memref<1x!tpu.dma_semaphore, #tpu.memory_space<semaphore_mem>> -> memref<!tpu.dma_semaphore, #tpu.memory_space<semaphore_mem>>
    %dma_start3A_50 = arith.constant 0 : i32
    %dma_start3A_51 = tpu.memref_slice %arg8[%dma_start3A_42, %dma_start3A_50] : memref<2x128xi32, #tpu.memory_space<vmem>> -> memref<1x128xi32, #tpu.memory_space<vmem>>
    %dma_start3A_52 = tpu.memref_squeeze %dma_start3A_51 : memref<1x128xi32, #tpu.memory_space<vmem>> -> memref<128xi32, #tpu.memory_space<vmem>>
    %dma_start3A_53 = tpu.memref_slice %arg4[%add3A_41] : memref<320000xi32, #tpu.memory_space<hbm>> -> memref<128xi32, #tpu.memory_space<hbm>>
    tpu.enqueue_dma source(%dma_start3A_53 : memref<128xi32, #tpu.memory_space<hbm>>) target(%dma_start3A_52 : memref<128xi32, #tpu.memory_space<vmem>>) target_semaphore(%dma_start3A_49 : memref<!tpu.dma_semaphore, #tpu.memory_space<semaphore_mem>>)
    %dma_start3A_54 = arith.constant 1 : i32
    %dma_start3A_55 = arith.constant 128 : i32
    %dma_start3A_56 = arith.constant 0 : i32
    %dma_start3A_57 = tpu.memref_slice %arg10[%dma_start3A_55, %dma_start3A_56] : memref<256x128xf32, #tpu.memory_space<vmem>> -> memref<128x128xf32, #tpu.memory_space<vmem>>
    %dma_start3A_58 = arith.constant 128 : i32
    %dma_start3A_59 = tpu.memref_slice %arg7[%dma_start3A_58] : memref<10000xi32, #tpu.memory_space<vmem>> -> memref<128xi32, #tpu.memory_space<vmem>>
    %dma_start3A_60 = arith.constant 0 : i32
    %dma_start3A_61 = arith.constant 0 : i32
    %dma_start3A_62 = tpu.memref_slice %arg2[%dma_start3A_60, %dma_start3A_61] : memref<10240x128xf32, #tpu.memory_space<hbm>> -> memref<10240x128xf32, #tpu.memory_space<hbm>>
    %dma_start3A_63 = tpu.memref_slice %arg11[%dma_start3A_54] : memref<2x!tpu.dma_semaphore, #tpu.memory_space<semaphore_mem>> -> memref<1x!tpu.dma_semaphore, #tpu.memory_space<semaphore_mem>>
    %dma_start3A_64 = tpu.memref_squeeze %dma_start3A_63 : memref<1x!tpu.dma_semaphore, #tpu.memory_space<semaphore_mem>> -> memref<!tpu.dma_semaphore, #tpu.memory_space<semaphore_mem>>
    tpu.enqueue_indirect_dma source(%dma_start3A_62 : memref<10240x128xf32, #tpu.memory_space<hbm>>) target(%dma_start3A_57 : memref<128x128xf32, #tpu.memory_space<vmem>>) offsets(%dma_start3A_59 : memref<128xi32, #tpu.memory_space<vmem>>) semaphore(%dma_start3A_64 : memref<!tpu.dma_semaphore, #tpu.memory_space<semaphore_mem>>)
    %scan3A_65 = arith.constant 0 : i32
    %scan3A_66 = arith.constant 39 : i32
    %scan3A_67 = arith.addi %scan3A_65, %scan3A_66 : i32
    %scan3A_68 = arith.constant 1 : i32
    scf.for %scan3A_103 = %scan3A_65 to %scan3A_67 step %scan3A_68  : i32 {
      %mul3A_104 = arith.constant 2 : i32
      %mul3A_105 = arith.muli %scan3A_103, %mul3A_104 : i32
      %add3A_106 = arith.constant 0 : i32
      %add3A_107 = arith.addi %mul3A_105, %add3A_106 : i32
      %mul3A_108 = arith.constant 128 : i32
      %mul3A_109 = arith.muli %add3A_107, %mul3A_108 : i32
      %dma_wait3A_110 = arith.constant 0 : i32
      %dma_wait3A_111 = arith.constant 0 : i32
      %dma_wait3A_112 = arith.constant 0 : i32
      %dma_wait3A_113 = tpu.memref_slice %arg10[%dma_wait3A_111, %dma_wait3A_112] : memref<256x128xf32, #tpu.memory_space<vmem>> -> memref<128x128xf32, #tpu.memory_space<vmem>>
      %dma_wait3A_114 = tpu.memref_slice %arg7[%mul3A_109] : memref<10000xi32, #tpu.memory_space<vmem>> -> memref<128xi32, #tpu.memory_space<vmem>>
      %dma_wait3A_115 = arith.constant 0 : i32
      %dma_wait3A_116 = arith.constant 0 : i32
      %dma_wait3A_117 = tpu.memref_slice %arg2[%dma_wait3A_115, %dma_wait3A_116] : memref<10240x128xf32, #tpu.memory_space<hbm>> -> memref<10240x128xf32, #tpu.memory_space<hbm>>
      %dma_wait3A_118 = tpu.memref_slice %arg11[%dma_wait3A_110] : memref<2x!tpu.dma_semaphore, #tpu.memory_space<semaphore_mem>> -> memref<1x!tpu.dma_semaphore, #tpu.memory_space<semaphore_mem>>
      %dma_wait3A_119 = tpu.memref_squeeze %dma_wait3A_118 : memref<1x!tpu.dma_semaphore, #tpu.memory_space<semaphore_mem>> -> memref<!tpu.dma_semaphore, #tpu.memory_space<semaphore_mem>>
      tpu.wait_indirect_dma semaphore(%dma_wait3A_119 : memref<!tpu.dma_semaphore, #tpu.memory_space<semaphore_mem>>) src(%dma_wait3A_117 : memref<10240x128xf32, #tpu.memory_space<hbm>>) dst(%dma_wait3A_113 : memref<128x128xf32, #tpu.memory_space<vmem>>)
      %mul3A_120 = arith.constant 10000 : i32
      %mul3A_121 = arith.muli %add3A, %mul3A_120 : i32
      %mul3A_122 = arith.constant 128 : i32
      %mul3A_123 = arith.muli %add3A_107, %mul3A_122 : i32
      %add3A_124 = arith.addi %mul3A_121, %mul3A_123 : i32
      %dma_wait3A_125 = arith.constant 0 : i32
      %dma_wait3A_126 = arith.constant 0 : i32
      %dma_wait3A_127 = arith.constant 0 : i32
      %dma_wait3A_128 = tpu.memref_slice %arg8[%dma_wait3A_125, %dma_wait3A_127] : memref<2x128xi32, #tpu.memory_space<vmem>> -> memref<1x128xi32, #tpu.memory_space<vmem>>
      %dma_wait3A_129 = tpu.memref_squeeze %dma_wait3A_128 : memref<1x128xi32, #tpu.memory_space<vmem>> -> memref<128xi32, #tpu.memory_space<vmem>>
      %dma_wait3A_130 = tpu.memref_slice %arg4[%add3A_124] : memref<320000xi32, #tpu.memory_space<hbm>> -> memref<128xi32, #tpu.memory_space<hbm>>
      %dma_wait3A_131 = tpu.memref_slice %arg13[%dma_wait3A_126] : memref<2x!tpu.dma_semaphore, #tpu.memory_space<semaphore_mem>> -> memref<1x!tpu.dma_semaphore, #tpu.memory_space<semaphore_mem>>
      %dma_wait3A_132 = tpu.memref_squeeze %dma_wait3A_131 : memref<1x!tpu.dma_semaphore, #tpu.memory_space<semaphore_mem>> -> memref<!tpu.dma_semaphore, #tpu.memory_space<semaphore_mem>>
      %dma_wait3A_133 = arith.constant 0 : i32
      %dma_wait3A_134 = tpu.memref_slice %arg8[%dma_wait3A_125, %dma_wait3A_133] : memref<2x128xi32, #tpu.memory_space<vmem>> -> memref<1x128xi32, #tpu.memory_space<vmem>>
      %dma_wait3A_135 = tpu.memref_squeeze %dma_wait3A_134 : memref<1x128xi32, #tpu.memory_space<vmem>> -> memref<128xi32, #tpu.memory_space<vmem>>
      %dma_wait3A_136 = tpu.memref_slice %arg4[%add3A_124] : memref<320000xi32, #tpu.memory_space<hbm>> -> memref<128xi32, #tpu.memory_space<hbm>>
      tpu.wait_dma2 semaphore(%dma_wait3A_132 : memref<!tpu.dma_semaphore, #tpu.memory_space<semaphore_mem>>) src(%dma_wait3A_136 : memref<128xi32, #tpu.memory_space<hbm>>) dst(%dma_wait3A_135 : memref<128xi32, #tpu.memory_space<vmem>>)
      %dma_start3A_137 = arith.constant 0 : i32
      %dma_start3A_138 = arith.constant 0 : i32
      %dma_start3A_139 = arith.constant 0 : i32
      %dma_start3A_140 = arith.constant 0 : i32
      %dma_start3A_141 = tpu.memref_slice %arg10[%dma_start3A_139, %dma_start3A_140] : memref<256x128xf32, #tpu.memory_space<vmem>> -> memref<128x128xf32, #tpu.memory_space<vmem>>
      %dma_start3A_142 = arith.constant 0 : i32
      %dma_start3A_143 = tpu.memref_slice %arg8[%dma_start3A_137, %dma_start3A_142] : memref<2x128xi32, #tpu.memory_space<vmem>> -> memref<1x128xi32, #tpu.memory_space<vmem>>
      %dma_start3A_144 = tpu.memref_squeeze %dma_start3A_143 : memref<1x128xi32, #tpu.memory_space<vmem>> -> memref<128xi32, #tpu.memory_space<vmem>>
      %dma_start3A_145 = arith.constant 0 : i32
      %dma_start3A_146 = arith.constant 0 : i32
      %dma_start3A_147 = tpu.memref_slice %arg6[%dma_start3A_145, %dma_start3A_146] : memref<10240x128xf32, #tpu.memory_space<vmem_shared>> -> memref<10240x128xf32, #tpu.memory_space<vmem_shared>>
      %dma_start3A_148 = tpu.memref_slice %arg12[%dma_start3A_138] : memref<2x!tpu.dma_semaphore, #tpu.memory_space<semaphore_mem>> -> memref<1x!tpu.dma_semaphore, #tpu.memory_space<semaphore_mem>>
      %dma_start3A_149 = tpu.memref_squeeze %dma_start3A_148 : memref<1x!tpu.dma_semaphore, #tpu.memory_space<semaphore_mem>> -> memref<!tpu.dma_semaphore, #tpu.memory_space<semaphore_mem>>
      tpu.enqueue_indirect_dma source(%dma_start3A_141 : memref<128x128xf32, #tpu.memory_space<vmem>>) target(%dma_start3A_147 : memref<10240x128xf32, #tpu.memory_space<vmem_shared>>) offsets(%dma_start3A_144 : memref<128xi32, #tpu.memory_space<vmem>>) semaphore(%dma_start3A_149 : memref<!tpu.dma_semaphore, #tpu.memory_space<semaphore_mem>>) {add = true}
      %dma_wait3A_150 = arith.constant 0 : i32
      %dma_wait3A_151 = arith.constant 0 : i32
      %dma_wait3A_152 = arith.constant 0 : i32
      %dma_wait3A_153 = arith.constant 0 : i32
      %dma_wait3A_154 = tpu.memref_slice %arg10[%dma_wait3A_152, %dma_wait3A_153] : memref<256x128xf32, #tpu.memory_space<vmem>> -> memref<128x128xf32, #tpu.memory_space<vmem>>
      %dma_wait3A_155 = arith.constant 0 : i32
      %dma_wait3A_156 = tpu.memref_slice %arg8[%dma_wait3A_150, %dma_wait3A_155] : memref<2x128xi32, #tpu.memory_space<vmem>> -> memref<1x128xi32, #tpu.memory_space<vmem>>
      %dma_wait3A_157 = tpu.memref_squeeze %dma_wait3A_156 : memref<1x128xi32, #tpu.memory_space<vmem>> -> memref<128xi32, #tpu.memory_space<vmem>>
      %dma_wait3A_158 = arith.constant 0 : i32
      %dma_wait3A_159 = arith.constant 0 : i32
      %dma_wait3A_160 = tpu.memref_slice %arg6[%dma_wait3A_158, %dma_wait3A_159] : memref<10240x128xf32, #tpu.memory_space<vmem_shared>> -> memref<10240x128xf32, #tpu.memory_space<vmem_shared>>
      %dma_wait3A_161 = tpu.memref_slice %arg12[%dma_wait3A_151] : memref<2x!tpu.dma_semaphore, #tpu.memory_space<semaphore_mem>> -> memref<1x!tpu.dma_semaphore, #tpu.memory_space<semaphore_mem>>
      %dma_wait3A_162 = tpu.memref_squeeze %dma_wait3A_161 : memref<1x!tpu.dma_semaphore, #tpu.memory_space<semaphore_mem>> -> memref<!tpu.dma_semaphore, #tpu.memory_space<semaphore_mem>>
      tpu.wait_indirect_dma semaphore(%dma_wait3A_162 : memref<!tpu.dma_semaphore, #tpu.memory_space<semaphore_mem>>) src(%dma_wait3A_154 : memref<128x128xf32, #tpu.memory_space<vmem>>) dst(%dma_wait3A_160 : memref<10240x128xf32, #tpu.memory_space<vmem_shared>>)
      %add3A_163 = arith.constant 2 : i32
      %add3A_164 = arith.addi %add3A_107, %add3A_163 : i32
      %lt3A = arith.constant 78 : i32
      %lt3A_165 = arith.cmpi slt, %add3A_164, %lt3A : i32
      %convert_element_type3A = arith.extui %lt3A_165 : i1 to i32
      %cond3A = arith.constant 0 : i32
      %cond3A_166 = arith.cmpi ne, %convert_element_type3A, %cond3A : i32
      scf.if %cond3A_166 {
        %mul3A_233 = arith.constant 10000 : i32
        %mul3A_234 = arith.muli %add3A, %mul3A_233 : i32
        %mul3A_235 = arith.constant 128 : i32
        %mul3A_236 = arith.muli %add3A_164, %mul3A_235 : i32
        %add3A_237 = arith.addi %mul3A_234, %mul3A_236 : i32
        %dma_start3A_238 = arith.constant 0 : i32
        %dma_start3A_239 = arith.constant 0 : i32
        %dma_start3A_240 = arith.constant 0 : i32
        %dma_start3A_241 = tpu.memref_slice %arg8[%dma_start3A_238, %dma_start3A_240] : memref<2x128xi32, #tpu.memory_space<vmem>> -> memref<1x128xi32, #tpu.memory_space<vmem>>
        %dma_start3A_242 = tpu.memref_squeeze %dma_start3A_241 : memref<1x128xi32, #tpu.memory_space<vmem>> -> memref<128xi32, #tpu.memory_space<vmem>>
        %dma_start3A_243 = tpu.memref_slice %arg4[%add3A_237] : memref<320000xi32, #tpu.memory_space<hbm>> -> memref<128xi32, #tpu.memory_space<hbm>>
        %dma_start3A_244 = tpu.memref_slice %arg13[%dma_start3A_239] : memref<2x!tpu.dma_semaphore, #tpu.memory_space<semaphore_mem>> -> memref<1x!tpu.dma_semaphore, #tpu.memory_space<semaphore_mem>>
        %dma_start3A_245 = tpu.memref_squeeze %dma_start3A_244 : memref<1x!tpu.dma_semaphore, #tpu.memory_space<semaphore_mem>> -> memref<!tpu.dma_semaphore, #tpu.memory_space<semaphore_mem>>
        %dma_start3A_246 = arith.constant 0 : i32
        %dma_start3A_247 = tpu.memref_slice %arg8[%dma_start3A_238, %dma_start3A_246] : memref<2x128xi32, #tpu.memory_space<vmem>> -> memref<1x128xi32, #tpu.memory_space<vmem>>
        %dma_start3A_248 = tpu.memref_squeeze %dma_start3A_247 : memref<1x128xi32, #tpu.memory_space<vmem>> -> memref<128xi32, #tpu.memory_space<vmem>>
        %dma_start3A_249 = tpu.memref_slice %arg4[%add3A_237] : memref<320000xi32, #tpu.memory_space<hbm>> -> memref<128xi32, #tpu.memory_space<hbm>>
        tpu.enqueue_dma source(%dma_start3A_249 : memref<128xi32, #tpu.memory_space<hbm>>) target(%dma_start3A_248 : memref<128xi32, #tpu.memory_space<vmem>>) target_semaphore(%dma_start3A_245 : memref<!tpu.dma_semaphore, #tpu.memory_space<semaphore_mem>>)
        %mul3A_250 = arith.constant 128 : i32
        %mul3A_251 = arith.muli %add3A_164, %mul3A_250 : i32
        %dma_start3A_252 = arith.constant 0 : i32
        %dma_start3A_253 = arith.constant 0 : i32
        %dma_start3A_254 = arith.constant 0 : i32
        %dma_start3A_255 = tpu.memref_slice %arg10[%dma_start3A_253, %dma_start3A_254] : memref<256x128xf32, #tpu.memory_space<vmem>> -> memref<128x128xf32, #tpu.memory_space<vmem>>
        %dma_start3A_256 = tpu.memref_slice %arg7[%mul3A_251] : memref<10000xi32, #tpu.memory_space<vmem>> -> memref<128xi32, #tpu.memory_space<vmem>>
        %dma_start3A_257 = arith.constant 0 : i32
        %dma_start3A_258 = arith.constant 0 : i32
        %dma_start3A_259 = tpu.memref_slice %arg2[%dma_start3A_257, %dma_start3A_258] : memref<10240x128xf32, #tpu.memory_space<hbm>> -> memref<10240x128xf32, #tpu.memory_space<hbm>>
        %dma_start3A_260 = tpu.memref_slice %arg11[%dma_start3A_252] : memref<2x!tpu.dma_semaphore, #tpu.memory_space<semaphore_mem>> -> memref<1x!tpu.dma_semaphore, #tpu.memory_space<semaphore_mem>>
        %dma_start3A_261 = tpu.memref_squeeze %dma_start3A_260 : memref<1x!tpu.dma_semaphore, #tpu.memory_space<semaphore_mem>> -> memref<!tpu.dma_semaphore, #tpu.memory_space<semaphore_mem>>
        tpu.enqueue_indirect_dma source(%dma_start3A_259 : memref<10240x128xf32, #tpu.memory_space<hbm>>) target(%dma_start3A_255 : memref<128x128xf32, #tpu.memory_space<vmem>>) offsets(%dma_start3A_256 : memref<128xi32, #tpu.memory_space<vmem>>) semaphore(%dma_start3A_261 : memref<!tpu.dma_semaphore, #tpu.memory_space<semaphore_mem>>)
      } else {
      }
      %mul3A_167 = arith.constant 2 : i32
      %mul3A_168 = arith.muli %scan3A_103, %mul3A_167 : i32
      %add3A_169 = arith.constant 1 : i32
      %add3A_170 = arith.addi %mul3A_168, %add3A_169 : i32
      %mul3A_171 = arith.constant 128 : i32
      %mul3A_172 = arith.muli %add3A_170, %mul3A_171 : i32
      %dma_wait3A_173 = arith.constant 1 : i32
      %dma_wait3A_174 = arith.constant 128 : i32
      %dma_wait3A_175 = arith.constant 0 : i32
      %dma_wait3A_176 = tpu.memref_slice %arg10[%dma_wait3A_174, %dma_wait3A_175] : memref<256x128xf32, #tpu.memory_space<vmem>> -> memref<128x128xf32, #tpu.memory_space<vmem>>
      %dma_wait3A_177 = tpu.memref_slice %arg7[%mul3A_172] : memref<10000xi32, #tpu.memory_space<vmem>> -> memref<128xi32, #tpu.memory_space<vmem>>
      %dma_wait3A_178 = arith.constant 0 : i32
      %dma_wait3A_179 = arith.constant 0 : i32
      %dma_wait3A_180 = tpu.memref_slice %arg2[%dma_wait3A_178, %dma_wait3A_179] : memref<10240x128xf32, #tpu.memory_space<hbm>> -> memref<10240x128xf32, #tpu.memory_space<hbm>>
      %dma_wait3A_181 = tpu.memref_slice %arg11[%dma_wait3A_173] : memref<2x!tpu.dma_semaphore, #tpu.memory_space<semaphore_mem>> -> memref<1x!tpu.dma_semaphore, #tpu.memory_space<semaphore_mem>>
      %dma_wait3A_182 = tpu.memref_squeeze %dma_wait3A_181 : memref<1x!tpu.dma_semaphore, #tpu.memory_space<semaphore_mem>> -> memref<!tpu.dma_semaphore, #tpu.memory_space<semaphore_mem>>
      tpu.wait_indirect_dma semaphore(%dma_wait3A_182 : memref<!tpu.dma_semaphore, #tpu.memory_space<semaphore_mem>>) src(%dma_wait3A_180 : memref<10240x128xf32, #tpu.memory_space<hbm>>) dst(%dma_wait3A_176 : memref<128x128xf32, #tpu.memory_space<vmem>>)
      %mul3A_183 = arith.constant 10000 : i32
      %mul3A_184 = arith.muli %add3A, %mul3A_183 : i32
      %mul3A_185 = arith.constant 128 : i32
      %mul3A_186 = arith.muli %add3A_170, %mul3A_185 : i32
      %add3A_187 = arith.addi %mul3A_184, %mul3A_186 : i32
      %dma_wait3A_188 = arith.constant 1 : i32
      %dma_wait3A_189 = arith.constant 1 : i32
      %dma_wait3A_190 = arith.constant 0 : i32
      %dma_wait3A_191 = tpu.memref_slice %arg8[%dma_wait3A_188, %dma_wait3A_190] : memref<2x128xi32, #tpu.memory_space<vmem>> -> memref<1x128xi32, #tpu.memory_space<vmem>>
      %dma_wait3A_192 = tpu.memref_squeeze %dma_wait3A_191 : memref<1x128xi32, #tpu.memory_space<vmem>> -> memref<128xi32, #tpu.memory_space<vmem>>
      %dma_wait3A_193 = tpu.memref_slice %arg4[%add3A_187] : memref<320000xi32, #tpu.memory_space<hbm>> -> memref<128xi32, #tpu.memory_space<hbm>>
      %dma_wait3A_194 = tpu.memref_slice %arg13[%dma_wait3A_189] : memref<2x!tpu.dma_semaphore, #tpu.memory_space<semaphore_mem>> -> memref<1x!tpu.dma_semaphore, #tpu.memory_space<semaphore_mem>>
      %dma_wait3A_195 = tpu.memref_squeeze %dma_wait3A_194 : memref<1x!tpu.dma_semaphore, #tpu.memory_space<semaphore_mem>> -> memref<!tpu.dma_semaphore, #tpu.memory_space<semaphore_mem>>
      %dma_wait3A_196 = arith.constant 0 : i32
      %dma_wait3A_197 = tpu.memref_slice %arg8[%dma_wait3A_188, %dma_wait3A_196] : memref<2x128xi32, #tpu.memory_space<vmem>> -> memref<1x128xi32, #tpu.memory_space<vmem>>
      %dma_wait3A_198 = tpu.memref_squeeze %dma_wait3A_197 : memref<1x128xi32, #tpu.memory_space<vmem>> -> memref<128xi32, #tpu.memory_space<vmem>>
      %dma_wait3A_199 = tpu.memref_slice %arg4[%add3A_187] : memref<320000xi32, #tpu.memory_space<hbm>> -> memref<128xi32, #tpu.memory_space<hbm>>
      tpu.wait_dma2 semaphore(%dma_wait3A_195 : memref<!tpu.dma_semaphore, #tpu.memory_space<semaphore_mem>>) src(%dma_wait3A_199 : memref<128xi32, #tpu.memory_space<hbm>>) dst(%dma_wait3A_198 : memref<128xi32, #tpu.memory_space<vmem>>)
      %dma_start3A_200 = arith.constant 1 : i32
      %dma_start3A_201 = arith.constant 1 : i32
      %dma_start3A_202 = arith.constant 128 : i32
      %dma_start3A_203 = arith.constant 0 : i32
      %dma_start3A_204 = tpu.memref_slice %arg10[%dma_start3A_202, %dma_start3A_203] : memref<256x128xf32, #tpu.memory_space<vmem>> -> memref<128x128xf32, #tpu.memory_space<vmem>>
      %dma_start3A_205 = arith.constant 0 : i32
      %dma_start3A_206 = tpu.memref_slice %arg8[%dma_start3A_200, %dma_start3A_205] : memref<2x128xi32, #tpu.memory_space<vmem>> -> memref<1x128xi32, #tpu.memory_space<vmem>>
      %dma_start3A_207 = tpu.memref_squeeze %dma_start3A_206 : memref<1x128xi32, #tpu.memory_space<vmem>> -> memref<128xi32, #tpu.memory_space<vmem>>
      %dma_start3A_208 = arith.constant 0 : i32
      %dma_start3A_209 = arith.constant 0 : i32
      %dma_start3A_210 = tpu.memref_slice %arg6[%dma_start3A_208, %dma_start3A_209] : memref<10240x128xf32, #tpu.memory_space<vmem_shared>> -> memref<10240x128xf32, #tpu.memory_space<vmem_shared>>
      %dma_start3A_211 = tpu.memref_slice %arg12[%dma_start3A_201] : memref<2x!tpu.dma_semaphore, #tpu.memory_space<semaphore_mem>> -> memref<1x!tpu.dma_semaphore, #tpu.memory_space<semaphore_mem>>
      %dma_start3A_212 = tpu.memref_squeeze %dma_start3A_211 : memref<1x!tpu.dma_semaphore, #tpu.memory_space<semaphore_mem>> -> memref<!tpu.dma_semaphore, #tpu.memory_space<semaphore_mem>>
      tpu.enqueue_indirect_dma source(%dma_start3A_204 : memref<128x128xf32, #tpu.memory_space<vmem>>) target(%dma_start3A_210 : memref<10240x128xf32, #tpu.memory_space<vmem_shared>>) offsets(%dma_start3A_207 : memref<128xi32, #tpu.memory_space<vmem>>) semaphore(%dma_start3A_212 : memref<!tpu.dma_semaphore, #tpu.memory_space<semaphore_mem>>) {add = true}
      %dma_wait3A_213 = arith.constant 1 : i32
      %dma_wait3A_214 = arith.constant 1 : i32
      %dma_wait3A_215 = arith.constant 128 : i32
      %dma_wait3A_216 = arith.constant 0 : i32
      %dma_wait3A_217 = tpu.memref_slice %arg10[%dma_wait3A_215, %dma_wait3A_216] : memref<256x128xf32, #tpu.memory_space<vmem>> -> memref<128x128xf32, #tpu.memory_space<vmem>>
      %dma_wait3A_218 = arith.constant 0 : i32
      %dma_wait3A_219 = tpu.memref_slice %arg8[%dma_wait3A_213, %dma_wait3A_218] : memref<2x128xi32, #tpu.memory_space<vmem>> -> memref<1x128xi32, #tpu.memory_space<vmem>>
      %dma_wait3A_220 = tpu.memref_squeeze %dma_wait3A_219 : memref<1x128xi32, #tpu.memory_space<vmem>> -> memref<128xi32, #tpu.memory_space<vmem>>
      %dma_wait3A_221 = arith.constant 0 : i32
      %dma_wait3A_222 = arith.constant 0 : i32
      %dma_wait3A_223 = tpu.memref_slice %arg6[%dma_wait3A_221, %dma_wait3A_222] : memref<10240x128xf32, #tpu.memory_space<vmem_shared>> -> memref<10240x128xf32, #tpu.memory_space<vmem_shared>>
      %dma_wait3A_224 = tpu.memref_slice %arg12[%dma_wait3A_214] : memref<2x!tpu.dma_semaphore, #tpu.memory_space<semaphore_mem>> -> memref<1x!tpu.dma_semaphore, #tpu.memory_space<semaphore_mem>>
      %dma_wait3A_225 = tpu.memref_squeeze %dma_wait3A_224 : memref<1x!tpu.dma_semaphore, #tpu.memory_space<semaphore_mem>> -> memref<!tpu.dma_semaphore, #tpu.memory_space<semaphore_mem>>
      tpu.wait_indirect_dma semaphore(%dma_wait3A_225 : memref<!tpu.dma_semaphore, #tpu.memory_space<semaphore_mem>>) src(%dma_wait3A_217 : memref<128x128xf32, #tpu.memory_space<vmem>>) dst(%dma_wait3A_223 : memref<10240x128xf32, #tpu.memory_space<vmem_shared>>)
      %add3A_226 = arith.constant 2 : i32
      %add3A_227 = arith.addi %add3A_170, %add3A_226 : i32
      %lt3A_228 = arith.constant 78 : i32
      %lt3A_229 = arith.cmpi slt, %add3A_227, %lt3A_228 : i32
      %convert_element_type3A_230 = arith.extui %lt3A_229 : i1 to i32
      %cond3A_231 = arith.constant 0 : i32
      %cond3A_232 = arith.cmpi ne, %convert_element_type3A_230, %cond3A_231 : i32
      scf.if %cond3A_232 {
        %mul3A_233 = arith.constant 10000 : i32
        %mul3A_234 = arith.muli %add3A, %mul3A_233 : i32
        %mul3A_235 = arith.constant 128 : i32
        %mul3A_236 = arith.muli %add3A_227, %mul3A_235 : i32
        %add3A_237 = arith.addi %mul3A_234, %mul3A_236 : i32
        %dma_start3A_238 = arith.constant 1 : i32
        %dma_start3A_239 = arith.constant 1 : i32
        %dma_start3A_240 = arith.constant 0 : i32
        %dma_start3A_241 = tpu.memref_slice %arg8[%dma_start3A_238, %dma_start3A_240] : memref<2x128xi32, #tpu.memory_space<vmem>> -> memref<1x128xi32, #tpu.memory_space<vmem>>
        %dma_start3A_242 = tpu.memref_squeeze %dma_start3A_241 : memref<1x128xi32, #tpu.memory_space<vmem>> -> memref<128xi32, #tpu.memory_space<vmem>>
        %dma_start3A_243 = tpu.memref_slice %arg4[%add3A_237] : memref<320000xi32, #tpu.memory_space<hbm>> -> memref<128xi32, #tpu.memory_space<hbm>>
        %dma_start3A_244 = tpu.memref_slice %arg13[%dma_start3A_239] : memref<2x!tpu.dma_semaphore, #tpu.memory_space<semaphore_mem>> -> memref<1x!tpu.dma_semaphore, #tpu.memory_space<semaphore_mem>>
        %dma_start3A_245 = tpu.memref_squeeze %dma_start3A_244 : memref<1x!tpu.dma_semaphore, #tpu.memory_space<semaphore_mem>> -> memref<!tpu.dma_semaphore, #tpu.memory_space<semaphore_mem>>
        %dma_start3A_246 = arith.constant 0 : i32
        %dma_start3A_247 = tpu.memref_slice %arg8[%dma_start3A_238, %dma_start3A_246] : memref<2x128xi32, #tpu.memory_space<vmem>> -> memref<1x128xi32, #tpu.memory_space<vmem>>
        %dma_start3A_248 = tpu.memref_squeeze %dma_start3A_247 : memref<1x128xi32, #tpu.memory_space<vmem>> -> memref<128xi32, #tpu.memory_space<vmem>>
        %dma_start3A_249 = tpu.memref_slice %arg4[%add3A_237] : memref<320000xi32, #tpu.memory_space<hbm>> -> memref<128xi32, #tpu.memory_space<hbm>>
        tpu.enqueue_dma source(%dma_start3A_249 : memref<128xi32, #tpu.memory_space<hbm>>) target(%dma_start3A_248 : memref<128xi32, #tpu.memory_space<vmem>>) target_semaphore(%dma_start3A_245 : memref<!tpu.dma_semaphore, #tpu.memory_space<semaphore_mem>>)
        %mul3A_250 = arith.constant 128 : i32
        %mul3A_251 = arith.muli %add3A_227, %mul3A_250 : i32
        %dma_start3A_252 = arith.constant 1 : i32
        %dma_start3A_253 = arith.constant 128 : i32
        %dma_start3A_254 = arith.constant 0 : i32
        %dma_start3A_255 = tpu.memref_slice %arg10[%dma_start3A_253, %dma_start3A_254] : memref<256x128xf32, #tpu.memory_space<vmem>> -> memref<128x128xf32, #tpu.memory_space<vmem>>
        %dma_start3A_256 = tpu.memref_slice %arg7[%mul3A_251] : memref<10000xi32, #tpu.memory_space<vmem>> -> memref<128xi32, #tpu.memory_space<vmem>>
        %dma_start3A_257 = arith.constant 0 : i32
        %dma_start3A_258 = arith.constant 0 : i32
        %dma_start3A_259 = tpu.memref_slice %arg2[%dma_start3A_257, %dma_start3A_258] : memref<10240x128xf32, #tpu.memory_space<hbm>> -> memref<10240x128xf32, #tpu.memory_space<hbm>>
        %dma_start3A_260 = tpu.memref_slice %arg11[%dma_start3A_252] : memref<2x!tpu.dma_semaphore, #tpu.memory_space<semaphore_mem>> -> memref<1x!tpu.dma_semaphore, #tpu.memory_space<semaphore_mem>>
        %dma_start3A_261 = tpu.memref_squeeze %dma_start3A_260 : memref<1x!tpu.dma_semaphore, #tpu.memory_space<semaphore_mem>> -> memref<!tpu.dma_semaphore, #tpu.memory_space<semaphore_mem>>
        tpu.enqueue_indirect_dma source(%dma_start3A_259 : memref<10240x128xf32, #tpu.memory_space<hbm>>) target(%dma_start3A_255 : memref<128x128xf32, #tpu.memory_space<vmem>>) offsets(%dma_start3A_256 : memref<128xi32, #tpu.memory_space<vmem>>) semaphore(%dma_start3A_261 : memref<!tpu.dma_semaphore, #tpu.memory_space<semaphore_mem>>)
      } else {
      }
    }
    %scan3A_69 = arith.constant 39 : i32
    %mul3A_70 = arith.constant 10000 : i32
    %mul3A_71 = arith.muli %add3A, %mul3A_70 : i32
    %add3A_72 = arith.constant 9984 : i32
    %add3A_73 = arith.addi %mul3A_71, %add3A_72 : i32
    "tpu.region"() ({
      %run_scoped3A = tpu.sem_alloc : memref<!tpu.dma_semaphore, #tpu.memory_space<semaphore_mem>>
      %dma_start3A_103 = tpu.memref_slice %arg4[%add3A_73] : memref<320000xi32, #tpu.memory_space<hbm>> -> memref<16xi32, #tpu.memory_space<hbm>>
      %dma_start3A_104 = tpu.memref_slice %arg4[%add3A_73] : memref<320000xi32, #tpu.memory_space<hbm>> -> memref<16xi32, #tpu.memory_space<hbm>>
      tpu.enqueue_dma source(%dma_start3A_104 : memref<16xi32, #tpu.memory_space<hbm>>) target(%arg9 : memref<16xi32, #tpu.memory_space<vmem>>) target_semaphore(%run_scoped3A : memref<!tpu.dma_semaphore, #tpu.memory_space<semaphore_mem>>)
      %dma_wait3A_105 = tpu.memref_slice %arg4[%add3A_73] : memref<320000xi32, #tpu.memory_space<hbm>> -> memref<16xi32, #tpu.memory_space<hbm>>
      %dma_wait3A_106 = tpu.memref_slice %arg4[%add3A_73] : memref<320000xi32, #tpu.memory_space<hbm>> -> memref<16xi32, #tpu.memory_space<hbm>>
      tpu.wait_dma2 semaphore(%run_scoped3A : memref<!tpu.dma_semaphore, #tpu.memory_space<semaphore_mem>>) src(%dma_wait3A_106 : memref<16xi32, #tpu.memory_space<hbm>>) dst(%arg9 : memref<16xi32, #tpu.memory_space<vmem>>)
      tpu.yield
    }) : () -> ()
    %dma_start3A_74 = arith.constant 0 : i32
    %dma_start3A_75 = arith.constant 0 : i32
    %dma_start3A_76 = arith.constant 0 : i32
    %dma_start3A_77 = tpu.memref_slice %arg10[%dma_start3A_75, %dma_start3A_76] : memref<256x128xf32, #tpu.memory_space<vmem>> -> memref<16x128xf32, #tpu.memory_space<vmem>>
    %dma_start3A_78 = arith.constant 9984 : i32
    %dma_start3A_79 = tpu.memref_slice %arg7[%dma_start3A_78] : memref<10000xi32, #tpu.memory_space<vmem>> -> memref<16xi32, #tpu.memory_space<vmem>>
    %dma_start3A_80 = arith.constant 0 : i32
    %dma_start3A_81 = arith.constant 0 : i32
    %dma_start3A_82 = tpu.memref_slice %arg2[%dma_start3A_80, %dma_start3A_81] : memref<10240x128xf32, #tpu.memory_space<hbm>> -> memref<10240x128xf32, #tpu.memory_space<hbm>>
    %dma_start3A_83 = tpu.memref_slice %arg11[%dma_start3A_74] : memref<2x!tpu.dma_semaphore, #tpu.memory_space<semaphore_mem>> -> memref<1x!tpu.dma_semaphore, #tpu.memory_space<semaphore_mem>>
    %dma_start3A_84 = tpu.memref_squeeze %dma_start3A_83 : memref<1x!tpu.dma_semaphore, #tpu.memory_space<semaphore_mem>> -> memref<!tpu.dma_semaphore, #tpu.memory_space<semaphore_mem>>
    tpu.enqueue_indirect_dma source(%dma_start3A_82 : memref<10240x128xf32, #tpu.memory_space<hbm>>) target(%dma_start3A_77 : memref<16x128xf32, #tpu.memory_space<vmem>>) offsets(%dma_start3A_79 : memref<16xi32, #tpu.memory_space<vmem>>) semaphore(%dma_start3A_84 : memref<!tpu.dma_semaphore, #tpu.memory_space<semaphore_mem>>)
    %dma_wait3A = arith.constant 0 : i32
    %dma_wait3A_85 = arith.constant 0 : i32
    %dma_wait3A_86 = arith.constant 0 : i32
    %dma_wait3A_87 = tpu.memref_slice %arg10[%dma_wait3A_85, %dma_wait3A_86] : memref<256x128xf32, #tpu.memory_space<vmem>> -> memref<16x128xf32, #tpu.memory_space<vmem>>
    %dma_wait3A_88 = arith.constant 9984 : i32
    %dma_wait3A_89 = tpu.memref_slice %arg7[%dma_wait3A_88] : memref<10000xi32, #tpu.memory_space<vmem>> -> memref<16xi32, #tpu.memory_space<vmem>>
    %dma_wait3A_90 = arith.constant 0 : i32
    %dma_wait3A_91 = arith.constant 0 : i32
    %dma_wait3A_92 = tpu.memref_slice %arg2[%dma_wait3A_90, %dma_wait3A_91] : memref<10240x128xf32, #tpu.memory_space<hbm>> -> memref<10240x128xf32, #tpu.memory_space<hbm>>
    %dma_wait3A_93 = tpu.memref_slice %arg11[%dma_wait3A] : memref<2x!tpu.dma_semaphore, #tpu.memory_space<semaphore_mem>> -> memref<1x!tpu.dma_semaphore, #tpu.memory_space<semaphore_mem>>
    %dma_wait3A_94 = tpu.memref_squeeze %dma_wait3A_93 : memref<1x!tpu.dma_semaphore, #tpu.memory_space<semaphore_mem>> -> memref<!tpu.dma_semaphore, #tpu.memory_space<semaphore_mem>>
    tpu.wait_indirect_dma semaphore(%dma_wait3A_94 : memref<!tpu.dma_semaphore, #tpu.memory_space<semaphore_mem>>) src(%dma_wait3A_92 : memref<10240x128xf32, #tpu.memory_space<hbm>>) dst(%dma_wait3A_87 : memref<16x128xf32, #tpu.memory_space<vmem>>)
    "tpu.region"() ({
      %run_scoped3A = tpu.sem_alloc : memref<!tpu.dma_semaphore, #tpu.memory_space<semaphore_mem>>
      %dma_start3A_103 = arith.constant 0 : i32
      %dma_start3A_104 = arith.constant 0 : i32
      %dma_start3A_105 = tpu.memref_slice %arg10[%dma_start3A_103, %dma_start3A_104] : memref<256x128xf32, #tpu.memory_space<vmem>> -> memref<16x128xf32, #tpu.memory_space<vmem>>
      %dma_start3A_106 = arith.constant 0 : i32
      %dma_start3A_107 = arith.constant 0 : i32
      %dma_start3A_108 = tpu.memref_slice %arg6[%dma_start3A_106, %dma_start3A_107] : memref<10240x128xf32, #tpu.memory_space<vmem_shared>> -> memref<10240x128xf32, #tpu.memory_space<vmem_shared>>
      tpu.enqueue_indirect_dma source(%dma_start3A_105 : memref<16x128xf32, #tpu.memory_space<vmem>>) target(%dma_start3A_108 : memref<10240x128xf32, #tpu.memory_space<vmem_shared>>) offsets(%arg9 : memref<16xi32, #tpu.memory_space<vmem>>) semaphore(%run_scoped3A : memref<!tpu.dma_semaphore, #tpu.memory_space<semaphore_mem>>) {add = true}
      %dma_wait3A_109 = arith.constant 0 : i32
      %dma_wait3A_110 = arith.constant 0 : i32
      %dma_wait3A_111 = tpu.memref_slice %arg10[%dma_wait3A_109, %dma_wait3A_110] : memref<256x128xf32, #tpu.memory_space<vmem>> -> memref<16x128xf32, #tpu.memory_space<vmem>>
      %dma_wait3A_112 = arith.constant 0 : i32
      %dma_wait3A_113 = arith.constant 0 : i32
      %dma_wait3A_114 = tpu.memref_slice %arg6[%dma_wait3A_112, %dma_wait3A_113] : memref<10240x128xf32, #tpu.memory_space<vmem_shared>> -> memref<10240x128xf32, #tpu.memory_space<vmem_shared>>
      tpu.wait_indirect_dma semaphore(%run_scoped3A : memref<!tpu.dma_semaphore, #tpu.memory_space<semaphore_mem>>) src(%dma_wait3A_111 : memref<16x128xf32, #tpu.memory_space<vmem>>) dst(%dma_wait3A_114 : memref<10240x128xf32, #tpu.memory_space<vmem_shared>>)
      tpu.yield
    }) : () -> ()
    %barrier3A_95 = arith.constant 0 : index
    tpu.barrier barrier_id(%barrier3A_95)
    %mul3A_96 = arith.constant 640 : i32
    %mul3A_97 = arith.muli %arg1, %mul3A_96 : i32
    %mul3A_98 = arith.constant 10240 : i32
    %mul3A_99 = arith.muli %arg0, %mul3A_98 : i32
    %mul3A_100 = arith.constant 640 : i32
    %mul3A_101 = arith.muli %arg1, %mul3A_100 : i32
    %add3A_102 = arith.addi %mul3A_99, %mul3A_101 : i32
    "tpu.region"() ({
      %run_scoped3A = tpu.sem_alloc : memref<!tpu.dma_semaphore, #tpu.memory_space<semaphore_mem>>
      %dma_start3A_103 = arith.constant 0 : i32
      %dma_start3A_104 = tpu.memref_slice %arg5[%add3A_102, %dma_start3A_103] : memref<20480x128xf32, #tpu.memory_space<hbm>> -> memref<640x128xf32, #tpu.memory_space<hbm>>
      %dma_start3A_105 = arith.constant 0 : i32
      %dma_start3A_106 = tpu.memref_slice %arg6[%mul3A_97, %dma_start3A_105] : memref<10240x128xf32, #tpu.memory_space<vmem_shared>> -> memref<640x128xf32, #tpu.memory_space<vmem_shared>>
      tpu.enqueue_dma source(%dma_start3A_106 : memref<640x128xf32, #tpu.memory_space<vmem_shared>>) target(%dma_start3A_104 : memref<640x128xf32, #tpu.memory_space<hbm>>) target_semaphore(%run_scoped3A : memref<!tpu.dma_semaphore, #tpu.memory_space<semaphore_mem>>)
      %dma_wait3A_107 = arith.constant 0 : i32
      %dma_wait3A_108 = tpu.memref_slice %arg5[%add3A_102, %dma_wait3A_107] : memref<20480x128xf32, #tpu.memory_space<hbm>> -> memref<640x128xf32, #tpu.memory_space<hbm>>
      %dma_wait3A_109 = arith.constant 0 : i32
      %dma_wait3A_110 = tpu.memref_slice %arg6[%mul3A_97, %dma_wait3A_109] : memref<10240x128xf32, #tpu.memory_space<vmem_shared>> -> memref<640x128xf32, #tpu.memory_space<vmem_shared>>
      tpu.wait_dma2 semaphore(%run_scoped3A : memref<!tpu.dma_semaphore, #tpu.memory_space<semaphore_mem>>) src(%dma_wait3A_110 : memref<640x128xf32, #tpu.memory_space<vmem_shared>>) dst(%dma_wait3A_108 : memref<640x128xf32, #tpu.memory_space<hbm>>)
      tpu.yield
    }) : () -> ()
    return
  }
}

#map = affine_map<(d0, d1) -> (0)>
module attributes {stable_mosaic.version = 14 : i64} {
  func.func @_sc_degree(%arg0: i32, %arg1: i32, %arg2: memref<320000xi32, #tpu.memory_space<hbm>>, %arg3: memref<20480xf32, #tpu.memory_space<hbm>>, %arg4: memref<10240xf32, #tpu.memory_space<vmem_shared>>, %arg5: memref<10000xi32, #tpu.memory_space<vmem>>, %arg6: memref<2x128xi32, #tpu.memory_space<vmem>>, %arg7: memref<16xi32, #tpu.memory_space<vmem>>, %arg8: memref<128xf32, #tpu.memory_space<vmem>>, %arg9: memref<640xf32, #tpu.memory_space<vmem>>, %arg10: memref<2x!tpu.dma_semaphore, #tpu.memory_space<semaphore_mem>>) attributes {dimension_semantics = [#tpu.dimension_semantics<core_parallel>, #tpu.dimension_semantics<subcore_parallel>], iteration_bounds = array<i64: 2, 16>, scalar_prefetch = 0 : i64, scratch_operands = 7 : i64, tpu.core_type = #tpu.core_type<sc_vector_subcore>, window_params = [{transform_indices = #map}, {transform_indices = #map}]} {
    %mul3A = arith.constant 16 : i32
    %mul3A_0 = arith.muli %arg0, %mul3A : i32
    %add3A = arith.addi %mul3A_0, %arg1 : i32
    %scan3A = arith.constant 0 : i32
    %scan3A_1 = arith.constant 40 : i32
    %scan3A_2 = arith.addi %scan3A, %scan3A_1 : i32
    %scan3A_3 = arith.constant 1 : i32
    scf.for %scan3A_193 = %scan3A to %scan3A_2 step %scan3A_3  : i32 {
      %broadcast_in_dim3A = arith.constant 0.000000e+00 : f32
      %broadcast_in_dim3A_194 = vector.broadcast %broadcast_in_dim3A : f32 to vector<16xf32>
      %mul3A_195 = arith.constant 16 : i32
      %mul3A_196 = arith.muli %scan3A_193, %mul3A_195 : i32
      %swap3A_197 = arith.index_cast %mul3A_196 : i32 to index
      %swap3A_198 = tpu.vector_load %arg9[%swap3A_197] {strides = array<i32>} : memref<640xf32, #tpu.memory_space<vmem>>, vector<16xf32>,
      %swap3A_199 = vector.shape_cast %swap3A_198 : vector<16xf32> to vector<16xf32>
      %swap3A_200 = vector.shape_cast %broadcast_in_dim3A_194 : vector<16xf32> to vector<16xf32>
      tpu.vector_store %arg9[%swap3A_197], %swap3A_200 {strides = array<i32>} : memref<640xf32, #tpu.memory_space<vmem>>, vector<16xf32>,
    }
    %scan3A_4 = arith.constant 40 : i32
    %scan3A_5 = arith.constant 0 : i32
    %scan3A_6 = arith.constant 8 : i32
    %scan3A_7 = arith.addi %scan3A_5, %scan3A_6 : i32
    %scan3A_8 = arith.constant 1 : i32
    scf.for %scan3A_193 = %scan3A_5 to %scan3A_7 step %scan3A_8  : i32 {
      %broadcast_in_dim3A = arith.constant 1.000000e+00 : f32
      %broadcast_in_dim3A_194 = vector.broadcast %broadcast_in_dim3A : f32 to vector<16xf32>
      %mul3A_195 = arith.constant 16 : i32
      %mul3A_196 = arith.muli %scan3A_193, %mul3A_195 : i32
      %swap3A_197 = arith.index_cast %mul3A_196 : i32 to index
      %swap3A_198 = tpu.vector_load %arg8[%swap3A_197] {strides = array<i32>} : memref<128xf32, #tpu.memory_space<vmem>>, vector<16xf32>,
      %swap3A_199 = vector.shape_cast %swap3A_198 : vector<16xf32> to vector<16xf32>
      %swap3A_200 = vector.shape_cast %broadcast_in_dim3A_194 : vector<16xf32> to vector<16xf32>
      tpu.vector_store %arg8[%swap3A_197], %swap3A_200 {strides = array<i32>} : memref<128xf32, #tpu.memory_space<vmem>>, vector<16xf32>,
    }
    %scan3A_9 = arith.constant 8 : i32
    %mul3A_10 = arith.constant 640 : i32
    %mul3A_11 = arith.muli %arg1, %mul3A_10 : i32
    "tpu.region"() ({
      %run_scoped3A = tpu.sem_alloc : memref<!tpu.dma_semaphore, #tpu.memory_space<semaphore_mem>>
      %dma_start3A = tpu.memref_slice %arg4[%mul3A_11] : memref<10240xf32, #tpu.memory_space<vmem_shared>> -> memref<640xf32, #tpu.memory_space<vmem_shared>>
      %dma_start3A_193 = tpu.memref_slice %arg4[%mul3A_11] : memref<10240xf32, #tpu.memory_space<vmem_shared>> -> memref<640xf32, #tpu.memory_space<vmem_shared>>
      tpu.enqueue_dma source(%arg9 : memref<640xf32, #tpu.memory_space<vmem>>) target(%dma_start3A_193 : memref<640xf32, #tpu.memory_space<vmem_shared>>) target_semaphore(%run_scoped3A : memref<!tpu.dma_semaphore, #tpu.memory_space<semaphore_mem>>)
      %dma_wait3A_194 = tpu.memref_slice %arg4[%mul3A_11] : memref<10240xf32, #tpu.memory_space<vmem_shared>> -> memref<640xf32, #tpu.memory_space<vmem_shared>>
      %dma_wait3A_195 = tpu.memref_slice %arg4[%mul3A_11] : memref<10240xf32, #tpu.memory_space<vmem_shared>> -> memref<640xf32, #tpu.memory_space<vmem_shared>>
      tpu.wait_dma2 semaphore(%run_scoped3A : memref<!tpu.dma_semaphore, #tpu.memory_space<semaphore_mem>>) src(%arg9 : memref<640xf32, #tpu.memory_space<vmem>>) dst(%dma_wait3A_195 : memref<640xf32, #tpu.memory_space<vmem_shared>>)
      tpu.yield
    }) : () -> ()
    %mul3A_12 = arith.constant 10000 : i32
    %mul3A_13 = arith.muli %add3A, %mul3A_12 : i32
    "tpu.region"() ({
      %run_scoped3A = tpu.sem_alloc : memref<!tpu.dma_semaphore, #tpu.memory_space<semaphore_mem>>
      %dma_start3A = tpu.memref_slice %arg2[%mul3A_13] : memref<320000xi32, #tpu.memory_space<hbm>> -> memref<10000xi32, #tpu.memory_space<hbm>>
      %dma_start3A_193 = tpu.memref_slice %arg2[%mul3A_13] : memref<320000xi32, #tpu.memory_space<hbm>> -> memref<10000xi32, #tpu.memory_space<hbm>>
      tpu.enqueue_dma source(%dma_start3A_193 : memref<10000xi32, #tpu.memory_space<hbm>>) target(%arg5 : memref<10000xi32, #tpu.memory_space<vmem>>) target_semaphore(%run_scoped3A : memref<!tpu.dma_semaphore, #tpu.memory_space<semaphore_mem>>)
      %dma_wait3A_194 = tpu.memref_slice %arg2[%mul3A_13] : memref<320000xi32, #tpu.memory_space<hbm>> -> memref<10000xi32, #tpu.memory_space<hbm>>
      %dma_wait3A_195 = tpu.memref_slice %arg2[%mul3A_13] : memref<320000xi32, #tpu.memory_space<hbm>> -> memref<10000xi32, #tpu.memory_space<hbm>>
      tpu.wait_dma2 semaphore(%run_scoped3A : memref<!tpu.dma_semaphore, #tpu.memory_space<semaphore_mem>>) src(%dma_wait3A_195 : memref<10000xi32, #tpu.memory_space<hbm>>) dst(%arg5 : memref<10000xi32, #tpu.memory_space<vmem>>)
      tpu.yield
    }) : () -> ()
    %barrier3A = arith.constant 0 : index
    tpu.barrier barrier_id(%barrier3A)
    %get3A = arith.constant 0 : index
    %get3A_14 = tpu.vector_load %arg5[%get3A] {strides = array<i32>} : memref<10000xi32, #tpu.memory_space<vmem>>, vector<16xi32>,
    %get3A_15 = vector.shape_cast %get3A_14 : vector<16xi32> to vector<16xi32>
    %swap3A = arith.constant 0 : i32
    %swap3A_16 = arith.index_cast %swap3A : i32 to index
    %swap3A_17 = arith.constant 0 : index
    %swap3A_18 = tpu.vector_load %arg6[%swap3A_16, %swap3A_17] {strides = array<i32>} : memref<2x128xi32, #tpu.memory_space<vmem>>, vector<1x16xi32>,
    %swap3A_19 = vector.shape_cast %swap3A_18 : vector<1x16xi32> to vector<16xi32>
    %swap3A_20 = vector.shape_cast %get3A_15 : vector<16xi32> to vector<1x16xi32>
    tpu.vector_store %arg6[%swap3A_16, %swap3A_17], %swap3A_20 {strides = array<i32>} : memref<2x128xi32, #tpu.memory_space<vmem>>, vector<1x16xi32>,
    %get3A_21 = arith.constant 16 : index
    %get3A_22 = tpu.vector_load %arg5[%get3A_21] {strides = array<i32>} : memref<10000xi32, #tpu.memory_space<vmem>>, vector<16xi32>,
    %get3A_23 = vector.shape_cast %get3A_22 : vector<16xi32> to vector<16xi32>
    %swap3A_24 = arith.constant 0 : i32
    %swap3A_25 = arith.index_cast %swap3A_24 : i32 to index
    %swap3A_26 = arith.constant 16 : index
    %swap3A_27 = tpu.vector_load %arg6[%swap3A_25, %swap3A_26] {strides = array<i32>} : memref<2x128xi32, #tpu.memory_space<vmem>>, vector<1x16xi32>,
    %swap3A_28 = vector.shape_cast %swap3A_27 : vector<1x16xi32> to vector<16xi32>
    %swap3A_29 = vector.shape_cast %get3A_23 : vector<16xi32> to vector<1x16xi32>
    tpu.vector_store %arg6[%swap3A_25, %swap3A_26], %swap3A_29 {strides = array<i32>} : memref<2x128xi32, #tpu.memory_space<vmem>>, vector<1x16xi32>,
    %get3A_30 = arith.constant 32 : index
    %get3A_31 = tpu.vector_load %arg5[%get3A_30] {strides = array<i32>} : memref<10000xi32, #tpu.memory_space<vmem>>, vector<16xi32>,
    %get3A_32 = vector.shape_cast %get3A_31 : vector<16xi32> to vector<16xi32>
    %swap3A_33 = arith.constant 0 : i32
    %swap3A_34 = arith.index_cast %swap3A_33 : i32 to index
    %swap3A_35 = arith.constant 32 : index
    %swap3A_36 = tpu.vector_load %arg6[%swap3A_34, %swap3A_35] {strides = array<i32>} : memref<2x128xi32, #tpu.memory_space<vmem>>, vector<1x16xi32>,
    %swap3A_37 = vector.shape_cast %swap3A_36 : vector<1x16xi32> to vector<16xi32>
    %swap3A_38 = vector.shape_cast %get3A_32 : vector<16xi32> to vector<1x16xi32>
    tpu.vector_store %arg6[%swap3A_34, %swap3A_35], %swap3A_38 {strides = array<i32>} : memref<2x128xi32, #tpu.memory_space<vmem>>, vector<1x16xi32>,
    %get3A_39 = arith.constant 48 : index
    %get3A_40 = tpu.vector_load %arg5[%get3A_39] {strides = array<i32>} : memref<10000xi32, #tpu.memory_space<vmem>>, vector<16xi32>,
    %get3A_41 = vector.shape_cast %get3A_40 : vector<16xi32> to vector<16xi32>
    %swap3A_42 = arith.constant 0 : i32
    %swap3A_43 = arith.index_cast %swap3A_42 : i32 to index
    %swap3A_44 = arith.constant 48 : index
    %swap3A_45 = tpu.vector_load %arg6[%swap3A_43, %swap3A_44] {strides = array<i32>} : memref<2x128xi32, #tpu.memory_space<vmem>>, vector<1x16xi32>,
    %swap3A_46 = vector.shape_cast %swap3A_45 : vector<1x16xi32> to vector<16xi32>
    %swap3A_47 = vector.shape_cast %get3A_41 : vector<16xi32> to vector<1x16xi32>
    tpu.vector_store %arg6[%swap3A_43, %swap3A_44], %swap3A_47 {strides = array<i32>} : memref<2x128xi32, #tpu.memory_space<vmem>>, vector<1x16xi32>,
    %get3A_48 = arith.constant 64 : index
    %get3A_49 = tpu.vector_load %arg5[%get3A_48] {strides = array<i32>} : memref<10000xi32, #tpu.memory_space<vmem>>, vector<16xi32>,
    %get3A_50 = vector.shape_cast %get3A_49 : vector<16xi32> to vector<16xi32>
    %swap3A_51 = arith.constant 0 : i32
    %swap3A_52 = arith.index_cast %swap3A_51 : i32 to index
    %swap3A_53 = arith.constant 64 : index
    %swap3A_54 = tpu.vector_load %arg6[%swap3A_52, %swap3A_53] {strides = array<i32>} : memref<2x128xi32, #tpu.memory_space<vmem>>, vector<1x16xi32>,
    %swap3A_55 = vector.shape_cast %swap3A_54 : vector<1x16xi32> to vector<16xi32>
    %swap3A_56 = vector.shape_cast %get3A_50 : vector<16xi32> to vector<1x16xi32>
    tpu.vector_store %arg6[%swap3A_52, %swap3A_53], %swap3A_56 {strides = array<i32>} : memref<2x128xi32, #tpu.memory_space<vmem>>, vector<1x16xi32>,
    %get3A_57 = arith.constant 80 : index
    %get3A_58 = tpu.vector_load %arg5[%get3A_57] {strides = array<i32>} : memref<10000xi32, #tpu.memory_space<vmem>>, vector<16xi32>,
    %get3A_59 = vector.shape_cast %get3A_58 : vector<16xi32> to vector<16xi32>
    %swap3A_60 = arith.constant 0 : i32
    %swap3A_61 = arith.index_cast %swap3A_60 : i32 to index
    %swap3A_62 = arith.constant 80 : index
    %swap3A_63 = tpu.vector_load %arg6[%swap3A_61, %swap3A_62] {strides = array<i32>} : memref<2x128xi32, #tpu.memory_space<vmem>>, vector<1x16xi32>,
    %swap3A_64 = vector.shape_cast %swap3A_63 : vector<1x16xi32> to vector<16xi32>
    %swap3A_65 = vector.shape_cast %get3A_59 : vector<16xi32> to vector<1x16xi32>
    tpu.vector_store %arg6[%swap3A_61, %swap3A_62], %swap3A_65 {strides = array<i32>} : memref<2x128xi32, #tpu.memory_space<vmem>>, vector<1x16xi32>,
    %get3A_66 = arith.constant 96 : index
    %get3A_67 = tpu.vector_load %arg5[%get3A_66] {strides = array<i32>} : memref<10000xi32, #tpu.memory_space<vmem>>, vector<16xi32>,
    %get3A_68 = vector.shape_cast %get3A_67 : vector<16xi32> to vector<16xi32>
    %swap3A_69 = arith.constant 0 : i32
    %swap3A_70 = arith.index_cast %swap3A_69 : i32 to index
    %swap3A_71 = arith.constant 96 : index
    %swap3A_72 = tpu.vector_load %arg6[%swap3A_70, %swap3A_71] {strides = array<i32>} : memref<2x128xi32, #tpu.memory_space<vmem>>, vector<1x16xi32>,
    %swap3A_73 = vector.shape_cast %swap3A_72 : vector<1x16xi32> to vector<16xi32>
    %swap3A_74 = vector.shape_cast %get3A_68 : vector<16xi32> to vector<1x16xi32>
    tpu.vector_store %arg6[%swap3A_70, %swap3A_71], %swap3A_74 {strides = array<i32>} : memref<2x128xi32, #tpu.memory_space<vmem>>, vector<1x16xi32>,
    %get3A_75 = arith.constant 112 : index
    %get3A_76 = tpu.vector_load %arg5[%get3A_75] {strides = array<i32>} : memref<10000xi32, #tpu.memory_space<vmem>>, vector<16xi32>,
    %get3A_77 = vector.shape_cast %get3A_76 : vector<16xi32> to vector<16xi32>
    %swap3A_78 = arith.constant 0 : i32
    %swap3A_79 = arith.index_cast %swap3A_78 : i32 to index
    %swap3A_80 = arith.constant 112 : index
    %swap3A_81 = tpu.vector_load %arg6[%swap3A_79, %swap3A_80] {strides = array<i32>} : memref<2x128xi32, #tpu.memory_space<vmem>>, vector<1x16xi32>,
    %swap3A_82 = vector.shape_cast %swap3A_81 : vector<1x16xi32> to vector<16xi32>
    %swap3A_83 = vector.shape_cast %get3A_77 : vector<16xi32> to vector<1x16xi32>
    tpu.vector_store %arg6[%swap3A_79, %swap3A_80], %swap3A_83 {strides = array<i32>} : memref<2x128xi32, #tpu.memory_space<vmem>>, vector<1x16xi32>,
    %get3A_84 = arith.constant 128 : index
    %get3A_85 = tpu.vector_load %arg5[%get3A_84] {strides = array<i32>} : memref<10000xi32, #tpu.memory_space<vmem>>, vector<16xi32>,
    %get3A_86 = vector.shape_cast %get3A_85 : vector<16xi32> to vector<16xi32>
    %swap3A_87 = arith.constant 1 : i32
    %swap3A_88 = arith.index_cast %swap3A_87 : i32 to index
    %swap3A_89 = arith.constant 0 : index
    %swap3A_90 = tpu.vector_load %arg6[%swap3A_88, %swap3A_89] {strides = array<i32>} : memref<2x128xi32, #tpu.memory_space<vmem>>, vector<1x16xi32>,
    %swap3A_91 = vector.shape_cast %swap3A_90 : vector<1x16xi32> to vector<16xi32>
    %swap3A_92 = vector.shape_cast %get3A_86 : vector<16xi32> to vector<1x16xi32>
    tpu.vector_store %arg6[%swap3A_88, %swap3A_89], %swap3A_92 {strides = array<i32>} : memref<2x128xi32, #tpu.memory_space<vmem>>, vector<1x16xi32>,
    %get3A_93 = arith.constant 144 : index
    %get3A_94 = tpu.vector_load %arg5[%get3A_93] {strides = array<i32>} : memref<10000xi32, #tpu.memory_space<vmem>>, vector<16xi32>,
    %get3A_95 = vector.shape_cast %get3A_94 : vector<16xi32> to vector<16xi32>
    %swap3A_96 = arith.constant 1 : i32
    %swap3A_97 = arith.index_cast %swap3A_96 : i32 to index
    %swap3A_98 = arith.constant 16 : index
    %swap3A_99 = tpu.vector_load %arg6[%swap3A_97, %swap3A_98] {strides = array<i32>} : memref<2x128xi32, #tpu.memory_space<vmem>>, vector<1x16xi32>,
    %swap3A_100 = vector.shape_cast %swap3A_99 : vector<1x16xi32> to vector<16xi32>
    %swap3A_101 = vector.shape_cast %get3A_95 : vector<16xi32> to vector<1x16xi32>
    tpu.vector_store %arg6[%swap3A_97, %swap3A_98], %swap3A_101 {strides = array<i32>} : memref<2x128xi32, #tpu.memory_space<vmem>>, vector<1x16xi32>,
    %get3A_102 = arith.constant 160 : index
    %get3A_103 = tpu.vector_load %arg5[%get3A_102] {strides = array<i32>} : memref<10000xi32, #tpu.memory_space<vmem>>, vector<16xi32>,
    %get3A_104 = vector.shape_cast %get3A_103 : vector<16xi32> to vector<16xi32>
    %swap3A_105 = arith.constant 1 : i32
    %swap3A_106 = arith.index_cast %swap3A_105 : i32 to index
    %swap3A_107 = arith.constant 32 : index
    %swap3A_108 = tpu.vector_load %arg6[%swap3A_106, %swap3A_107] {strides = array<i32>} : memref<2x128xi32, #tpu.memory_space<vmem>>, vector<1x16xi32>,
    %swap3A_109 = vector.shape_cast %swap3A_108 : vector<1x16xi32> to vector<16xi32>
    %swap3A_110 = vector.shape_cast %get3A_104 : vector<16xi32> to vector<1x16xi32>
    tpu.vector_store %arg6[%swap3A_106, %swap3A_107], %swap3A_110 {strides = array<i32>} : memref<2x128xi32, #tpu.memory_space<vmem>>, vector<1x16xi32>,
    %get3A_111 = arith.constant 176 : index
    %get3A_112 = tpu.vector_load %arg5[%get3A_111] {strides = array<i32>} : memref<10000xi32, #tpu.memory_space<vmem>>, vector<16xi32>,
    %get3A_113 = vector.shape_cast %get3A_112 : vector<16xi32> to vector<16xi32>
    %swap3A_114 = arith.constant 1 : i32
    %swap3A_115 = arith.index_cast %swap3A_114 : i32 to index
    %swap3A_116 = arith.constant 48 : index
    %swap3A_117 = tpu.vector_load %arg6[%swap3A_115, %swap3A_116] {strides = array<i32>} : memref<2x128xi32, #tpu.memory_space<vmem>>, vector<1x16xi32>,
    %swap3A_118 = vector.shape_cast %swap3A_117 : vector<1x16xi32> to vector<16xi32>
    %swap3A_119 = vector.shape_cast %get3A_113 : vector<16xi32> to vector<1x16xi32>
    tpu.vector_store %arg6[%swap3A_115, %swap3A_116], %swap3A_119 {strides = array<i32>} : memref<2x128xi32, #tpu.memory_space<vmem>>, vector<1x16xi32>,
    %get3A_120 = arith.constant 192 : index
    %get3A_121 = tpu.vector_load %arg5[%get3A_120] {strides = array<i32>} : memref<10000xi32, #tpu.memory_space<vmem>>, vector<16xi32>,
    %get3A_122 = vector.shape_cast %get3A_121 : vector<16xi32> to vector<16xi32>
    %swap3A_123 = arith.constant 1 : i32
    %swap3A_124 = arith.index_cast %swap3A_123 : i32 to index
    %swap3A_125 = arith.constant 64 : index
    %swap3A_126 = tpu.vector_load %arg6[%swap3A_124, %swap3A_125] {strides = array<i32>} : memref<2x128xi32, #tpu.memory_space<vmem>>, vector<1x16xi32>,
    %swap3A_127 = vector.shape_cast %swap3A_126 : vector<1x16xi32> to vector<16xi32>
    %swap3A_128 = vector.shape_cast %get3A_122 : vector<16xi32> to vector<1x16xi32>
    tpu.vector_store %arg6[%swap3A_124, %swap3A_125], %swap3A_128 {strides = array<i32>} : memref<2x128xi32, #tpu.memory_space<vmem>>, vector<1x16xi32>,
    %get3A_129 = arith.constant 208 : index
    %get3A_130 = tpu.vector_load %arg5[%get3A_129] {strides = array<i32>} : memref<10000xi32, #tpu.memory_space<vmem>>, vector<16xi32>,
    %get3A_131 = vector.shape_cast %get3A_130 : vector<16xi32> to vector<16xi32>
    %swap3A_132 = arith.constant 1 : i32
    %swap3A_133 = arith.index_cast %swap3A_132 : i32 to index
    %swap3A_134 = arith.constant 80 : index
    %swap3A_135 = tpu.vector_load %arg6[%swap3A_133, %swap3A_134] {strides = array<i32>} : memref<2x128xi32, #tpu.memory_space<vmem>>, vector<1x16xi32>,
    %swap3A_136 = vector.shape_cast %swap3A_135 : vector<1x16xi32> to vector<16xi32>
    %swap3A_137 = vector.shape_cast %get3A_131 : vector<16xi32> to vector<1x16xi32>
    tpu.vector_store %arg6[%swap3A_133, %swap3A_134], %swap3A_137 {strides = array<i32>} : memref<2x128xi32, #tpu.memory_space<vmem>>, vector<1x16xi32>,
    %get3A_138 = arith.constant 224 : index
    %get3A_139 = tpu.vector_load %arg5[%get3A_138] {strides = array<i32>} : memref<10000xi32, #tpu.memory_space<vmem>>, vector<16xi32>,
    %get3A_140 = vector.shape_cast %get3A_139 : vector<16xi32> to vector<16xi32>
    %swap3A_141 = arith.constant 1 : i32
    %swap3A_142 = arith.index_cast %swap3A_141 : i32 to index
    %swap3A_143 = arith.constant 96 : index
    %swap3A_144 = tpu.vector_load %arg6[%swap3A_142, %swap3A_143] {strides = array<i32>} : memref<2x128xi32, #tpu.memory_space<vmem>>, vector<1x16xi32>,
    %swap3A_145 = vector.shape_cast %swap3A_144 : vector<1x16xi32> to vector<16xi32>
    %swap3A_146 = vector.shape_cast %get3A_140 : vector<16xi32> to vector<1x16xi32>
    tpu.vector_store %arg6[%swap3A_142, %swap3A_143], %swap3A_146 {strides = array<i32>} : memref<2x128xi32, #tpu.memory_space<vmem>>, vector<1x16xi32>,
    %get3A_147 = arith.constant 240 : index
    %get3A_148 = tpu.vector_load %arg5[%get3A_147] {strides = array<i32>} : memref<10000xi32, #tpu.memory_space<vmem>>, vector<16xi32>,
    %get3A_149 = vector.shape_cast %get3A_148 : vector<16xi32> to vector<16xi32>
    %swap3A_150 = arith.constant 1 : i32
    %swap3A_151 = arith.index_cast %swap3A_150 : i32 to index
    %swap3A_152 = arith.constant 112 : index
    %swap3A_153 = tpu.vector_load %arg6[%swap3A_151, %swap3A_152] {strides = array<i32>} : memref<2x128xi32, #tpu.memory_space<vmem>>, vector<1x16xi32>,
    %swap3A_154 = vector.shape_cast %swap3A_153 : vector<1x16xi32> to vector<16xi32>
    %swap3A_155 = vector.shape_cast %get3A_149 : vector<16xi32> to vector<1x16xi32>
    tpu.vector_store %arg6[%swap3A_151, %swap3A_152], %swap3A_155 {strides = array<i32>} : memref<2x128xi32, #tpu.memory_space<vmem>>, vector<1x16xi32>,
    %scan3A_156 = arith.constant 0 : i32
    %scan3A_157 = arith.constant 39 : i32
    %scan3A_158 = arith.addi %scan3A_156, %scan3A_157 : i32
    %scan3A_159 = arith.constant 1 : i32
    scf.for %scan3A_193 = %scan3A_156 to %scan3A_158 step %scan3A_159  : i32 {
      %mul3A_194 = arith.constant 2 : i32
      %mul3A_195 = arith.muli %scan3A_193, %mul3A_194 : i32
      %add3A_196 = arith.constant 0 : i32
      %add3A_197 = arith.addi %mul3A_195, %add3A_196 : i32
      %dma_start3A = arith.constant 0 : i32
      %dma_start3A_198 = arith.constant 0 : i32
      %dma_start3A_199 = arith.constant 0 : i32
      %dma_start3A_200 = tpu.memref_slice %arg6[%dma_start3A, %dma_start3A_199] : memref<2x128xi32, #tpu.memory_space<vmem>> -> memref<1x128xi32, #tpu.memory_space<vmem>>
      %dma_start3A_201 = tpu.memref_squeeze %dma_start3A_200 : memref<1x128xi32, #tpu.memory_space<vmem>> -> memref<128xi32, #tpu.memory_space<vmem>>
      %dma_start3A_202 = arith.constant 0 : i32
      %dma_start3A_203 = tpu.memref_slice %arg4[%dma_start3A_202] : memref<10240xf32, #tpu.memory_space<vmem_shared>> -> memref<10240xf32, #tpu.memory_space<vmem_shared>>
      %dma_start3A_204 = tpu.memref_slice %arg10[%dma_start3A_198] : memref<2x!tpu.dma_semaphore, #tpu.memory_space<semaphore_mem>> -> memref<1x!tpu.dma_semaphore, #tpu.memory_space<semaphore_mem>>
      %dma_start3A_205 = tpu.memref_squeeze %dma_start3A_204 : memref<1x!tpu.dma_semaphore, #tpu.memory_space<semaphore_mem>> -> memref<!tpu.dma_semaphore, #tpu.memory_space<semaphore_mem>>
      tpu.enqueue_indirect_dma source(%arg8 : memref<128xf32, #tpu.memory_space<vmem>>) target(%dma_start3A_203 : memref<10240xf32, #tpu.memory_space<vmem_shared>>) offsets(%dma_start3A_201 : memref<128xi32, #tpu.memory_space<vmem>>) semaphore(%dma_start3A_205 : memref<!tpu.dma_semaphore, #tpu.memory_space<semaphore_mem>>) {add = true}
      %add3A_206 = arith.constant 2 : i32
      %add3A_207 = arith.addi %add3A_197, %add3A_206 : i32
      %lt3A = arith.constant 78 : i32
      %lt3A_208 = arith.cmpi slt, %add3A_207, %lt3A : i32
      %convert_element_type3A = arith.extui %lt3A_208 : i1 to i32
      %cond3A = arith.constant 0 : i32
      %cond3A_209 = arith.cmpi ne, %convert_element_type3A, %cond3A : i32
      scf.if %cond3A_209 {
        %dma_wait3A_230 = arith.constant 0 : i32
        %dma_wait3A_231 = arith.constant 0 : i32
        %dma_wait3A_232 = arith.constant 0 : i32
        %dma_wait3A_233 = tpu.memref_slice %arg6[%dma_wait3A_230, %dma_wait3A_232] : memref<2x128xi32, #tpu.memory_space<vmem>> -> memref<1x128xi32, #tpu.memory_space<vmem>>
        %dma_wait3A_234 = tpu.memref_squeeze %dma_wait3A_233 : memref<1x128xi32, #tpu.memory_space<vmem>> -> memref<128xi32, #tpu.memory_space<vmem>>
        %dma_wait3A_235 = arith.constant 0 : i32
        %dma_wait3A_236 = tpu.memref_slice %arg4[%dma_wait3A_235] : memref<10240xf32, #tpu.memory_space<vmem_shared>> -> memref<10240xf32, #tpu.memory_space<vmem_shared>>
        %dma_wait3A_237 = tpu.memref_slice %arg10[%dma_wait3A_231] : memref<2x!tpu.dma_semaphore, #tpu.memory_space<semaphore_mem>> -> memref<1x!tpu.dma_semaphore, #tpu.memory_space<semaphore_mem>>
        %dma_wait3A_238 = tpu.memref_squeeze %dma_wait3A_237 : memref<1x!tpu.dma_semaphore, #tpu.memory_space<semaphore_mem>> -> memref<!tpu.dma_semaphore, #tpu.memory_space<semaphore_mem>>
        tpu.wait_indirect_dma semaphore(%dma_wait3A_238 : memref<!tpu.dma_semaphore, #tpu.memory_space<semaphore_mem>>) src(%arg8 : memref<128xf32, #tpu.memory_space<vmem>>) dst(%dma_wait3A_236 : memref<10240xf32, #tpu.memory_space<vmem_shared>>)
        %mul3A_239 = arith.constant 128 : i32
        %mul3A_240 = arith.muli %add3A_207, %mul3A_239 : i32
        %add3A_241 = arith.constant 0 : i32
        %add3A_242 = arith.addi %mul3A_240, %add3A_241 : i32
        %get3A_243 = arith.index_cast %add3A_242 : i32 to index
        %get3A_244 = tpu.vector_load %arg5[%get3A_243] {strides = array<i32>} : memref<10000xi32, #tpu.memory_space<vmem>>, vector<16xi32>,
        %get3A_245 = vector.shape_cast %get3A_244 : vector<16xi32> to vector<16xi32>
        %swap3A_246 = arith.constant 0 : i32
        %swap3A_247 = arith.index_cast %swap3A_246 : i32 to index
        %swap3A_248 = arith.constant 0 : index
        %swap3A_249 = tpu.vector_load %arg6[%swap3A_247, %swap3A_248] {strides = array<i32>} : memref<2x128xi32, #tpu.memory_space<vmem>>, vector<1x16xi32>,
        %swap3A_250 = vector.shape_cast %swap3A_249 : vector<1x16xi32> to vector<16xi32>
        %swap3A_251 = vector.shape_cast %get3A_245 : vector<16xi32> to vector<1x16xi32>
        tpu.vector_store %arg6[%swap3A_247, %swap3A_248], %swap3A_251 {strides = array<i32>} : memref<2x128xi32, #tpu.memory_space<vmem>>, vector<1x16xi32>,
        %mul3A_252 = arith.constant 128 : i32
        %mul3A_253 = arith.muli %add3A_207, %mul3A_252 : i32
        %add3A_254 = arith.constant 16 : i32
        %add3A_255 = arith.addi %mul3A_253, %add3A_254 : i32
        %get3A_256 = arith.index_cast %add3A_255 : i32 to index
        %get3A_257 = tpu.vector_load %arg5[%get3A_256] {strides = array<i32>} : memref<10000xi32, #tpu.memory_space<vmem>>, vector<16xi32>,
        %get3A_258 = vector.shape_cast %get3A_257 : vector<16xi32> to vector<16xi32>
        %swap3A_259 = arith.constant 0 : i32
        %swap3A_260 = arith.index_cast %swap3A_259 : i32 to index
        %swap3A_261 = arith.constant 16 : index
        %swap3A_262 = tpu.vector_load %arg6[%swap3A_260, %swap3A_261] {strides = array<i32>} : memref<2x128xi32, #tpu.memory_space<vmem>>, vector<1x16xi32>,
        %swap3A_263 = vector.shape_cast %swap3A_262 : vector<1x16xi32> to vector<16xi32>
        %swap3A_264 = vector.shape_cast %get3A_258 : vector<16xi32> to vector<1x16xi32>
        tpu.vector_store %arg6[%swap3A_260, %swap3A_261], %swap3A_264 {strides = array<i32>} : memref<2x128xi32, #tpu.memory_space<vmem>>, vector<1x16xi32>,
        %mul3A_265 = arith.constant 128 : i32
        %mul3A_266 = arith.muli %add3A_207, %mul3A_265 : i32
        %add3A_267 = arith.constant 32 : i32
        %add3A_268 = arith.addi %mul3A_266, %add3A_267 : i32
        %get3A_269 = arith.index_cast %add3A_268 : i32 to index
        %get3A_270 = tpu.vector_load %arg5[%get3A_269] {strides = array<i32>} : memref<10000xi32, #tpu.memory_space<vmem>>, vector<16xi32>,
        %get3A_271 = vector.shape_cast %get3A_270 : vector<16xi32> to vector<16xi32>
        %swap3A_272 = arith.constant 0 : i32
        %swap3A_273 = arith.index_cast %swap3A_272 : i32 to index
        %swap3A_274 = arith.constant 32 : index
        %swap3A_275 = tpu.vector_load %arg6[%swap3A_273, %swap3A_274] {strides = array<i32>} : memref<2x128xi32, #tpu.memory_space<vmem>>, vector<1x16xi32>,
        %swap3A_276 = vector.shape_cast %swap3A_275 : vector<1x16xi32> to vector<16xi32>
        %swap3A_277 = vector.shape_cast %get3A_271 : vector<16xi32> to vector<1x16xi32>
        tpu.vector_store %arg6[%swap3A_273, %swap3A_274], %swap3A_277 {strides = array<i32>} : memref<2x128xi32, #tpu.memory_space<vmem>>, vector<1x16xi32>,
        %mul3A_278 = arith.constant 128 : i32
        %mul3A_279 = arith.muli %add3A_207, %mul3A_278 : i32
        %add3A_280 = arith.constant 48 : i32
        %add3A_281 = arith.addi %mul3A_279, %add3A_280 : i32
        %get3A_282 = arith.index_cast %add3A_281 : i32 to index
        %get3A_283 = tpu.vector_load %arg5[%get3A_282] {strides = array<i32>} : memref<10000xi32, #tpu.memory_space<vmem>>, vector<16xi32>,
        %get3A_284 = vector.shape_cast %get3A_283 : vector<16xi32> to vector<16xi32>
        %swap3A_285 = arith.constant 0 : i32
        %swap3A_286 = arith.index_cast %swap3A_285 : i32 to index
        %swap3A_287 = arith.constant 48 : index
        %swap3A_288 = tpu.vector_load %arg6[%swap3A_286, %swap3A_287] {strides = array<i32>} : memref<2x128xi32, #tpu.memory_space<vmem>>, vector<1x16xi32>,
        %swap3A_289 = vector.shape_cast %swap3A_288 : vector<1x16xi32> to vector<16xi32>
        %swap3A_290 = vector.shape_cast %get3A_284 : vector<16xi32> to vector<1x16xi32>
        tpu.vector_store %arg6[%swap3A_286, %swap3A_287], %swap3A_290 {strides = array<i32>} : memref<2x128xi32, #tpu.memory_space<vmem>>, vector<1x16xi32>,
        %mul3A_291 = arith.constant 128 : i32
        %mul3A_292 = arith.muli %add3A_207, %mul3A_291 : i32
        %add3A_293 = arith.constant 64 : i32
        %add3A_294 = arith.addi %mul3A_292, %add3A_293 : i32
        %get3A_295 = arith.index_cast %add3A_294 : i32 to index
        %get3A_296 = tpu.vector_load %arg5[%get3A_295] {strides = array<i32>} : memref<10000xi32, #tpu.memory_space<vmem>>, vector<16xi32>,
        %get3A_297 = vector.shape_cast %get3A_296 : vector<16xi32> to vector<16xi32>
        %swap3A_298 = arith.constant 0 : i32
        %swap3A_299 = arith.index_cast %swap3A_298 : i32 to index
        %swap3A_300 = arith.constant 64 : index
        %swap3A_301 = tpu.vector_load %arg6[%swap3A_299, %swap3A_300] {strides = array<i32>} : memref<2x128xi32, #tpu.memory_space<vmem>>, vector<1x16xi32>,
        %swap3A_302 = vector.shape_cast %swap3A_301 : vector<1x16xi32> to vector<16xi32>
        %swap3A_303 = vector.shape_cast %get3A_297 : vector<16xi32> to vector<1x16xi32>
        tpu.vector_store %arg6[%swap3A_299, %swap3A_300], %swap3A_303 {strides = array<i32>} : memref<2x128xi32, #tpu.memory_space<vmem>>, vector<1x16xi32>,
        %mul3A_304 = arith.constant 128 : i32
        %mul3A_305 = arith.muli %add3A_207, %mul3A_304 : i32
        %add3A_306 = arith.constant 80 : i32
        %add3A_307 = arith.addi %mul3A_305, %add3A_306 : i32
        %get3A_308 = arith.index_cast %add3A_307 : i32 to index
        %get3A_309 = tpu.vector_load %arg5[%get3A_308] {strides = array<i32>} : memref<10000xi32, #tpu.memory_space<vmem>>, vector<16xi32>,
        %get3A_310 = vector.shape_cast %get3A_309 : vector<16xi32> to vector<16xi32>
        %swap3A_311 = arith.constant 0 : i32
        %swap3A_312 = arith.index_cast %swap3A_311 : i32 to index
        %swap3A_313 = arith.constant 80 : index
        %swap3A_314 = tpu.vector_load %arg6[%swap3A_312, %swap3A_313] {strides = array<i32>} : memref<2x128xi32, #tpu.memory_space<vmem>>, vector<1x16xi32>,
        %swap3A_315 = vector.shape_cast %swap3A_314 : vector<1x16xi32> to vector<16xi32>
        %swap3A_316 = vector.shape_cast %get3A_310 : vector<16xi32> to vector<1x16xi32>
        tpu.vector_store %arg6[%swap3A_312, %swap3A_313], %swap3A_316 {strides = array<i32>} : memref<2x128xi32, #tpu.memory_space<vmem>>, vector<1x16xi32>,
        %mul3A_317 = arith.constant 128 : i32
        %mul3A_318 = arith.muli %add3A_207, %mul3A_317 : i32
        %add3A_319 = arith.constant 96 : i32
        %add3A_320 = arith.addi %mul3A_318, %add3A_319 : i32
        %get3A_321 = arith.index_cast %add3A_320 : i32 to index
        %get3A_322 = tpu.vector_load %arg5[%get3A_321] {strides = array<i32>} : memref<10000xi32, #tpu.memory_space<vmem>>, vector<16xi32>,
        %get3A_323 = vector.shape_cast %get3A_322 : vector<16xi32> to vector<16xi32>
        %swap3A_324 = arith.constant 0 : i32
        %swap3A_325 = arith.index_cast %swap3A_324 : i32 to index
        %swap3A_326 = arith.constant 96 : index
        %swap3A_327 = tpu.vector_load %arg6[%swap3A_325, %swap3A_326] {strides = array<i32>} : memref<2x128xi32, #tpu.memory_space<vmem>>, vector<1x16xi32>,
        %swap3A_328 = vector.shape_cast %swap3A_327 : vector<1x16xi32> to vector<16xi32>
        %swap3A_329 = vector.shape_cast %get3A_323 : vector<16xi32> to vector<1x16xi32>
        tpu.vector_store %arg6[%swap3A_325, %swap3A_326], %swap3A_329 {strides = array<i32>} : memref<2x128xi32, #tpu.memory_space<vmem>>, vector<1x16xi32>,
        %mul3A_330 = arith.constant 128 : i32
        %mul3A_331 = arith.muli %add3A_207, %mul3A_330 : i32
        %add3A_332 = arith.constant 112 : i32
        %add3A_333 = arith.addi %mul3A_331, %add3A_332 : i32
        %get3A_334 = arith.index_cast %add3A_333 : i32 to index
        %get3A_335 = tpu.vector_load %arg5[%get3A_334] {strides = array<i32>} : memref<10000xi32, #tpu.memory_space<vmem>>, vector<16xi32>,
        %get3A_336 = vector.shape_cast %get3A_335 : vector<16xi32> to vector<16xi32>
        %swap3A_337 = arith.constant 0 : i32
        %swap3A_338 = arith.index_cast %swap3A_337 : i32 to index
        %swap3A_339 = arith.constant 112 : index
        %swap3A_340 = tpu.vector_load %arg6[%swap3A_338, %swap3A_339] {strides = array<i32>} : memref<2x128xi32, #tpu.memory_space<vmem>>, vector<1x16xi32>,
        %swap3A_341 = vector.shape_cast %swap3A_340 : vector<1x16xi32> to vector<16xi32>
        %swap3A_342 = vector.shape_cast %get3A_336 : vector<16xi32> to vector<1x16xi32>
        tpu.vector_store %arg6[%swap3A_338, %swap3A_339], %swap3A_342 {strides = array<i32>} : memref<2x128xi32, #tpu.memory_space<vmem>>, vector<1x16xi32>,
      } else {
      }
      %mul3A_210 = arith.constant 2 : i32
      %mul3A_211 = arith.muli %scan3A_193, %mul3A_210 : i32
      %add3A_212 = arith.constant 1 : i32
      %add3A_213 = arith.addi %mul3A_211, %add3A_212 : i32
      %dma_start3A_214 = arith.constant 1 : i32
      %dma_start3A_215 = arith.constant 1 : i32
      %dma_start3A_216 = arith.constant 0 : i32
      %dma_start3A_217 = tpu.memref_slice %arg6[%dma_start3A_214, %dma_start3A_216] : memref<2x128xi32, #tpu.memory_space<vmem>> -> memref<1x128xi32, #tpu.memory_space<vmem>>
      %dma_start3A_218 = tpu.memref_squeeze %dma_start3A_217 : memref<1x128xi32, #tpu.memory_space<vmem>> -> memref<128xi32, #tpu.memory_space<vmem>>
      %dma_start3A_219 = arith.constant 0 : i32
      %dma_start3A_220 = tpu.memref_slice %arg4[%dma_start3A_219] : memref<10240xf32, #tpu.memory_space<vmem_shared>> -> memref<10240xf32, #tpu.memory_space<vmem_shared>>
      %dma_start3A_221 = tpu.memref_slice %arg10[%dma_start3A_215] : memref<2x!tpu.dma_semaphore, #tpu.memory_space<semaphore_mem>> -> memref<1x!tpu.dma_semaphore, #tpu.memory_space<semaphore_mem>>
      %dma_start3A_222 = tpu.memref_squeeze %dma_start3A_221 : memref<1x!tpu.dma_semaphore, #tpu.memory_space<semaphore_mem>> -> memref<!tpu.dma_semaphore, #tpu.memory_space<semaphore_mem>>
      tpu.enqueue_indirect_dma source(%arg8 : memref<128xf32, #tpu.memory_space<vmem>>) target(%dma_start3A_220 : memref<10240xf32, #tpu.memory_space<vmem_shared>>) offsets(%dma_start3A_218 : memref<128xi32, #tpu.memory_space<vmem>>) semaphore(%dma_start3A_222 : memref<!tpu.dma_semaphore, #tpu.memory_space<semaphore_mem>>) {add = true}
      %add3A_223 = arith.constant 2 : i32
      %add3A_224 = arith.addi %add3A_213, %add3A_223 : i32
      %lt3A_225 = arith.constant 78 : i32
      %lt3A_226 = arith.cmpi slt, %add3A_224, %lt3A_225 : i32
      %convert_element_type3A_227 = arith.extui %lt3A_226 : i1 to i32
      %cond3A_228 = arith.constant 0 : i32
      %cond3A_229 = arith.cmpi ne, %convert_element_type3A_227, %cond3A_228 : i32
      scf.if %cond3A_229 {
        %dma_wait3A_230 = arith.constant 1 : i32
        %dma_wait3A_231 = arith.constant 1 : i32
        %dma_wait3A_232 = arith.constant 0 : i32
        %dma_wait3A_233 = tpu.memref_slice %arg6[%dma_wait3A_230, %dma_wait3A_232] : memref<2x128xi32, #tpu.memory_space<vmem>> -> memref<1x128xi32, #tpu.memory_space<vmem>>
        %dma_wait3A_234 = tpu.memref_squeeze %dma_wait3A_233 : memref<1x128xi32, #tpu.memory_space<vmem>> -> memref<128xi32, #tpu.memory_space<vmem>>
        %dma_wait3A_235 = arith.constant 0 : i32
        %dma_wait3A_236 = tpu.memref_slice %arg4[%dma_wait3A_235] : memref<10240xf32, #tpu.memory_space<vmem_shared>> -> memref<10240xf32, #tpu.memory_space<vmem_shared>>
        %dma_wait3A_237 = tpu.memref_slice %arg10[%dma_wait3A_231] : memref<2x!tpu.dma_semaphore, #tpu.memory_space<semaphore_mem>> -> memref<1x!tpu.dma_semaphore, #tpu.memory_space<semaphore_mem>>
        %dma_wait3A_238 = tpu.memref_squeeze %dma_wait3A_237 : memref<1x!tpu.dma_semaphore, #tpu.memory_space<semaphore_mem>> -> memref<!tpu.dma_semaphore, #tpu.memory_space<semaphore_mem>>
        tpu.wait_indirect_dma semaphore(%dma_wait3A_238 : memref<!tpu.dma_semaphore, #tpu.memory_space<semaphore_mem>>) src(%arg8 : memref<128xf32, #tpu.memory_space<vmem>>) dst(%dma_wait3A_236 : memref<10240xf32, #tpu.memory_space<vmem_shared>>)
        %mul3A_239 = arith.constant 128 : i32
        %mul3A_240 = arith.muli %add3A_224, %mul3A_239 : i32
        %add3A_241 = arith.constant 0 : i32
        %add3A_242 = arith.addi %mul3A_240, %add3A_241 : i32
        %get3A_243 = arith.index_cast %add3A_242 : i32 to index
        %get3A_244 = tpu.vector_load %arg5[%get3A_243] {strides = array<i32>} : memref<10000xi32, #tpu.memory_space<vmem>>, vector<16xi32>,
        %get3A_245 = vector.shape_cast %get3A_244 : vector<16xi32> to vector<16xi32>
        %swap3A_246 = arith.constant 1 : i32
        %swap3A_247 = arith.index_cast %swap3A_246 : i32 to index
        %swap3A_248 = arith.constant 0 : index
        %swap3A_249 = tpu.vector_load %arg6[%swap3A_247, %swap3A_248] {strides = array<i32>} : memref<2x128xi32, #tpu.memory_space<vmem>>, vector<1x16xi32>,
        %swap3A_250 = vector.shape_cast %swap3A_249 : vector<1x16xi32> to vector<16xi32>
        %swap3A_251 = vector.shape_cast %get3A_245 : vector<16xi32> to vector<1x16xi32>
        tpu.vector_store %arg6[%swap3A_247, %swap3A_248], %swap3A_251 {strides = array<i32>} : memref<2x128xi32, #tpu.memory_space<vmem>>, vector<1x16xi32>,
        %mul3A_252 = arith.constant 128 : i32
        %mul3A_253 = arith.muli %add3A_224, %mul3A_252 : i32
        %add3A_254 = arith.constant 16 : i32
        %add3A_255 = arith.addi %mul3A_253, %add3A_254 : i32
        %get3A_256 = arith.index_cast %add3A_255 : i32 to index
        %get3A_257 = tpu.vector_load %arg5[%get3A_256] {strides = array<i32>} : memref<10000xi32, #tpu.memory_space<vmem>>, vector<16xi32>,
        %get3A_258 = vector.shape_cast %get3A_257 : vector<16xi32> to vector<16xi32>
        %swap3A_259 = arith.constant 1 : i32
        %swap3A_260 = arith.index_cast %swap3A_259 : i32 to index
        %swap3A_261 = arith.constant 16 : index
        %swap3A_262 = tpu.vector_load %arg6[%swap3A_260, %swap3A_261] {strides = array<i32>} : memref<2x128xi32, #tpu.memory_space<vmem>>, vector<1x16xi32>,
        %swap3A_263 = vector.shape_cast %swap3A_262 : vector<1x16xi32> to vector<16xi32>
        %swap3A_264 = vector.shape_cast %get3A_258 : vector<16xi32> to vector<1x16xi32>
        tpu.vector_store %arg6[%swap3A_260, %swap3A_261], %swap3A_264 {strides = array<i32>} : memref<2x128xi32, #tpu.memory_space<vmem>>, vector<1x16xi32>,
        %mul3A_265 = arith.constant 128 : i32
        %mul3A_266 = arith.muli %add3A_224, %mul3A_265 : i32
        %add3A_267 = arith.constant 32 : i32
        %add3A_268 = arith.addi %mul3A_266, %add3A_267 : i32
        %get3A_269 = arith.index_cast %add3A_268 : i32 to index
        %get3A_270 = tpu.vector_load %arg5[%get3A_269] {strides = array<i32>} : memref<10000xi32, #tpu.memory_space<vmem>>, vector<16xi32>,
        %get3A_271 = vector.shape_cast %get3A_270 : vector<16xi32> to vector<16xi32>
        %swap3A_272 = arith.constant 1 : i32
        %swap3A_273 = arith.index_cast %swap3A_272 : i32 to index
        %swap3A_274 = arith.constant 32 : index
        %swap3A_275 = tpu.vector_load %arg6[%swap3A_273, %swap3A_274] {strides = array<i32>} : memref<2x128xi32, #tpu.memory_space<vmem>>, vector<1x16xi32>,
        %swap3A_276 = vector.shape_cast %swap3A_275 : vector<1x16xi32> to vector<16xi32>
        %swap3A_277 = vector.shape_cast %get3A_271 : vector<16xi32> to vector<1x16xi32>
        tpu.vector_store %arg6[%swap3A_273, %swap3A_274], %swap3A_277 {strides = array<i32>} : memref<2x128xi32, #tpu.memory_space<vmem>>, vector<1x16xi32>,
        %mul3A_278 = arith.constant 128 : i32
        %mul3A_279 = arith.muli %add3A_224, %mul3A_278 : i32
        %add3A_280 = arith.constant 48 : i32
        %add3A_281 = arith.addi %mul3A_279, %add3A_280 : i32
        %get3A_282 = arith.index_cast %add3A_281 : i32 to index
        %get3A_283 = tpu.vector_load %arg5[%get3A_282] {strides = array<i32>} : memref<10000xi32, #tpu.memory_space<vmem>>, vector<16xi32>,
        %get3A_284 = vector.shape_cast %get3A_283 : vector<16xi32> to vector<16xi32>
        %swap3A_285 = arith.constant 1 : i32
        %swap3A_286 = arith.index_cast %swap3A_285 : i32 to index
        %swap3A_287 = arith.constant 48 : index
        %swap3A_288 = tpu.vector_load %arg6[%swap3A_286, %swap3A_287] {strides = array<i32>} : memref<2x128xi32, #tpu.memory_space<vmem>>, vector<1x16xi32>,
        %swap3A_289 = vector.shape_cast %swap3A_288 : vector<1x16xi32> to vector<16xi32>
        %swap3A_290 = vector.shape_cast %get3A_284 : vector<16xi32> to vector<1x16xi32>
        tpu.vector_store %arg6[%swap3A_286, %swap3A_287], %swap3A_290 {strides = array<i32>} : memref<2x128xi32, #tpu.memory_space<vmem>>, vector<1x16xi32>,
        %mul3A_291 = arith.constant 128 : i32
        %mul3A_292 = arith.muli %add3A_224, %mul3A_291 : i32
        %add3A_293 = arith.constant 64 : i32
        %add3A_294 = arith.addi %mul3A_292, %add3A_293 : i32
        %get3A_295 = arith.index_cast %add3A_294 : i32 to index
        %get3A_296 = tpu.vector_load %arg5[%get3A_295] {strides = array<i32>} : memref<10000xi32, #tpu.memory_space<vmem>>, vector<16xi32>,
        %get3A_297 = vector.shape_cast %get3A_296 : vector<16xi32> to vector<16xi32>
        %swap3A_298 = arith.constant 1 : i32
        %swap3A_299 = arith.index_cast %swap3A_298 : i32 to index
        %swap3A_300 = arith.constant 64 : index
        %swap3A_301 = tpu.vector_load %arg6[%swap3A_299, %swap3A_300] {strides = array<i32>} : memref<2x128xi32, #tpu.memory_space<vmem>>, vector<1x16xi32>,
        %swap3A_302 = vector.shape_cast %swap3A_301 : vector<1x16xi32> to vector<16xi32>
        %swap3A_303 = vector.shape_cast %get3A_297 : vector<16xi32> to vector<1x16xi32>
        tpu.vector_store %arg6[%swap3A_299, %swap3A_300], %swap3A_303 {strides = array<i32>} : memref<2x128xi32, #tpu.memory_space<vmem>>, vector<1x16xi32>,
        %mul3A_304 = arith.constant 128 : i32
        %mul3A_305 = arith.muli %add3A_224, %mul3A_304 : i32
        %add3A_306 = arith.constant 80 : i32
        %add3A_307 = arith.addi %mul3A_305, %add3A_306 : i32
        %get3A_308 = arith.index_cast %add3A_307 : i32 to index
        %get3A_309 = tpu.vector_load %arg5[%get3A_308] {strides = array<i32>} : memref<10000xi32, #tpu.memory_space<vmem>>, vector<16xi32>,
        %get3A_310 = vector.shape_cast %get3A_309 : vector<16xi32> to vector<16xi32>
        %swap3A_311 = arith.constant 1 : i32
        %swap3A_312 = arith.index_cast %swap3A_311 : i32 to index
        %swap3A_313 = arith.constant 80 : index
        %swap3A_314 = tpu.vector_load %arg6[%swap3A_312, %swap3A_313] {strides = array<i32>} : memref<2x128xi32, #tpu.memory_space<vmem>>, vector<1x16xi32>,
        %swap3A_315 = vector.shape_cast %swap3A_314 : vector<1x16xi32> to vector<16xi32>
        %swap3A_316 = vector.shape_cast %get3A_310 : vector<16xi32> to vector<1x16xi32>
        tpu.vector_store %arg6[%swap3A_312, %swap3A_313], %swap3A_316 {strides = array<i32>} : memref<2x128xi32, #tpu.memory_space<vmem>>, vector<1x16xi32>,
        %mul3A_317 = arith.constant 128 : i32
        %mul3A_318 = arith.muli %add3A_224, %mul3A_317 : i32
        %add3A_319 = arith.constant 96 : i32
        %add3A_320 = arith.addi %mul3A_318, %add3A_319 : i32
        %get3A_321 = arith.index_cast %add3A_320 : i32 to index
        %get3A_322 = tpu.vector_load %arg5[%get3A_321] {strides = array<i32>} : memref<10000xi32, #tpu.memory_space<vmem>>, vector<16xi32>,
        %get3A_323 = vector.shape_cast %get3A_322 : vector<16xi32> to vector<16xi32>
        %swap3A_324 = arith.constant 1 : i32
        %swap3A_325 = arith.index_cast %swap3A_324 : i32 to index
        %swap3A_326 = arith.constant 96 : index
        %swap3A_327 = tpu.vector_load %arg6[%swap3A_325, %swap3A_326] {strides = array<i32>} : memref<2x128xi32, #tpu.memory_space<vmem>>, vector<1x16xi32>,
        %swap3A_328 = vector.shape_cast %swap3A_327 : vector<1x16xi32> to vector<16xi32>
        %swap3A_329 = vector.shape_cast %get3A_323 : vector<16xi32> to vector<1x16xi32>
        tpu.vector_store %arg6[%swap3A_325, %swap3A_326], %swap3A_329 {strides = array<i32>} : memref<2x128xi32, #tpu.memory_space<vmem>>, vector<1x16xi32>,
        %mul3A_330 = arith.constant 128 : i32
        %mul3A_331 = arith.muli %add3A_224, %mul3A_330 : i32
        %add3A_332 = arith.constant 112 : i32
        %add3A_333 = arith.addi %mul3A_331, %add3A_332 : i32
        %get3A_334 = arith.index_cast %add3A_333 : i32 to index
        %get3A_335 = tpu.vector_load %arg5[%get3A_334] {strides = array<i32>} : memref<10000xi32, #tpu.memory_space<vmem>>, vector<16xi32>,
        %get3A_336 = vector.shape_cast %get3A_335 : vector<16xi32> to vector<16xi32>
        %swap3A_337 = arith.constant 1 : i32
        %swap3A_338 = arith.index_cast %swap3A_337 : i32 to index
        %swap3A_339 = arith.constant 112 : index
        %swap3A_340 = tpu.vector_load %arg6[%swap3A_338, %swap3A_339] {strides = array<i32>} : memref<2x128xi32, #tpu.memory_space<vmem>>, vector<1x16xi32>,
        %swap3A_341 = vector.shape_cast %swap3A_340 : vector<1x16xi32> to vector<16xi32>
        %swap3A_342 = vector.shape_cast %get3A_336 : vector<16xi32> to vector<1x16xi32>
        tpu.vector_store %arg6[%swap3A_338, %swap3A_339], %swap3A_342 {strides = array<i32>} : memref<2x128xi32, #tpu.memory_space<vmem>>, vector<1x16xi32>,
      } else {
      }
    }
    %scan3A_160 = arith.constant 39 : i32
    %dma_wait3A = arith.constant 0 : i32
    %dma_wait3A_161 = arith.constant 0 : i32
    %dma_wait3A_162 = arith.constant 0 : i32
    %dma_wait3A_163 = tpu.memref_slice %arg6[%dma_wait3A, %dma_wait3A_162] : memref<2x128xi32, #tpu.memory_space<vmem>> -> memref<1x128xi32, #tpu.memory_space<vmem>>
    %dma_wait3A_164 = tpu.memref_squeeze %dma_wait3A_163 : memref<1x128xi32, #tpu.memory_space<vmem>> -> memref<128xi32, #tpu.memory_space<vmem>>
    %dma_wait3A_165 = arith.constant 0 : i32
    %dma_wait3A_166 = tpu.memref_slice %arg4[%dma_wait3A_165] : memref<10240xf32, #tpu.memory_space<vmem_shared>> -> memref<10240xf32, #tpu.memory_space<vmem_shared>>
    %dma_wait3A_167 = tpu.memref_slice %arg10[%dma_wait3A_161] : memref<2x!tpu.dma_semaphore, #tpu.memory_space<semaphore_mem>> -> memref<1x!tpu.dma_semaphore, #tpu.memory_space<semaphore_mem>>
    %dma_wait3A_168 = tpu.memref_squeeze %dma_wait3A_167 : memref<1x!tpu.dma_semaphore, #tpu.memory_space<semaphore_mem>> -> memref<!tpu.dma_semaphore, #tpu.memory_space<semaphore_mem>>
    tpu.wait_indirect_dma semaphore(%dma_wait3A_168 : memref<!tpu.dma_semaphore, #tpu.memory_space<semaphore_mem>>) src(%arg8 : memref<128xf32, #tpu.memory_space<vmem>>) dst(%dma_wait3A_166 : memref<10240xf32, #tpu.memory_space<vmem_shared>>)
    %dma_wait3A_169 = arith.constant 1 : i32
    %dma_wait3A_170 = arith.constant 1 : i32
    %dma_wait3A_171 = arith.constant 0 : i32
    %dma_wait3A_172 = tpu.memref_slice %arg6[%dma_wait3A_169, %dma_wait3A_171] : memref<2x128xi32, #tpu.memory_space<vmem>> -> memref<1x128xi32, #tpu.memory_space<vmem>>
    %dma_wait3A_173 = tpu.memref_squeeze %dma_wait3A_172 : memref<1x128xi32, #tpu.memory_space<vmem>> -> memref<128xi32, #tpu.memory_space<vmem>>
    %dma_wait3A_174 = arith.constant 0 : i32
    %dma_wait3A_175 = tpu.memref_slice %arg4[%dma_wait3A_174] : memref<10240xf32, #tpu.memory_space<vmem_shared>> -> memref<10240xf32, #tpu.memory_space<vmem_shared>>
    %dma_wait3A_176 = tpu.memref_slice %arg10[%dma_wait3A_170] : memref<2x!tpu.dma_semaphore, #tpu.memory_space<semaphore_mem>> -> memref<1x!tpu.dma_semaphore, #tpu.memory_space<semaphore_mem>>
    %dma_wait3A_177 = tpu.memref_squeeze %dma_wait3A_176 : memref<1x!tpu.dma_semaphore, #tpu.memory_space<semaphore_mem>> -> memref<!tpu.dma_semaphore, #tpu.memory_space<semaphore_mem>>
    tpu.wait_indirect_dma semaphore(%dma_wait3A_177 : memref<!tpu.dma_semaphore, #tpu.memory_space<semaphore_mem>>) src(%arg8 : memref<128xf32, #tpu.memory_space<vmem>>) dst(%dma_wait3A_175 : memref<10240xf32, #tpu.memory_space<vmem_shared>>)
    %get3A_178 = arith.constant 9984 : index
    %get3A_179 = tpu.vector_load %arg5[%get3A_178] {strides = array<i32>} : memref<10000xi32, #tpu.memory_space<vmem>>, vector<16xi32>,
    %get3A_180 = vector.shape_cast %get3A_179 : vector<16xi32> to vector<16xi32>
    %swap3A_181 = arith.constant 0 : index
    %swap3A_182 = tpu.vector_load %arg7[%swap3A_181] {strides = array<i32>} : memref<16xi32, #tpu.memory_space<vmem>>, vector<16xi32>,
    %swap3A_183 = vector.shape_cast %swap3A_182 : vector<16xi32> to vector<16xi32>
    %swap3A_184 = vector.shape_cast %get3A_180 : vector<16xi32> to vector<16xi32>
    tpu.vector_store %arg7[%swap3A_181], %swap3A_184 {strides = array<i32>} : memref<16xi32, #tpu.memory_space<vmem>>, vector<16xi32>,
    "tpu.region"() ({
      %run_scoped3A = tpu.sem_alloc : memref<!tpu.dma_semaphore, #tpu.memory_space<semaphore_mem>>
      %dma_start3A = arith.constant 0 : i32
      %dma_start3A_193 = tpu.memref_slice %arg8[%dma_start3A] : memref<128xf32, #tpu.memory_space<vmem>> -> memref<16xf32, #tpu.memory_space<vmem>>
      %dma_start3A_194 = arith.constant 0 : i32
      %dma_start3A_195 = tpu.memref_slice %arg4[%dma_start3A_194] : memref<10240xf32, #tpu.memory_space<vmem_shared>> -> memref<10240xf32, #tpu.memory_space<vmem_shared>>
      tpu.enqueue_indirect_dma source(%dma_start3A_193 : memref<16xf32, #tpu.memory_space<vmem>>) target(%dma_start3A_195 : memref<10240xf32, #tpu.memory_space<vmem_shared>>) offsets(%arg7 : memref<16xi32, #tpu.memory_space<vmem>>) semaphore(%run_scoped3A : memref<!tpu.dma_semaphore, #tpu.memory_space<semaphore_mem>>) {add = true}
      %dma_wait3A_196 = arith.constant 0 : i32
      %dma_wait3A_197 = tpu.memref_slice %arg8[%dma_wait3A_196] : memref<128xf32, #tpu.memory_space<vmem>> -> memref<16xf32, #tpu.memory_space<vmem>>
      %dma_wait3A_198 = arith.constant 0 : i32
      %dma_wait3A_199 = tpu.memref_slice %arg4[%dma_wait3A_198] : memref<10240xf32, #tpu.memory_space<vmem_shared>> -> memref<10240xf32, #tpu.memory_space<vmem_shared>>
      tpu.wait_indirect_dma semaphore(%run_scoped3A : memref<!tpu.dma_semaphore, #tpu.memory_space<semaphore_mem>>) src(%dma_wait3A_197 : memref<16xf32, #tpu.memory_space<vmem>>) dst(%dma_wait3A_199 : memref<10240xf32, #tpu.memory_space<vmem_shared>>)
      tpu.yield
    }) : () -> ()
    %barrier3A_185 = arith.constant 0 : index
    tpu.barrier barrier_id(%barrier3A_185)
    %mul3A_186 = arith.constant 640 : i32
    %mul3A_187 = arith.muli %arg1, %mul3A_186 : i32
    %mul3A_188 = arith.constant 10240 : i32
    %mul3A_189 = arith.muli %arg0, %mul3A_188 : i32
    %mul3A_190 = arith.constant 640 : i32
    %mul3A_191 = arith.muli %arg1, %mul3A_190 : i32
    %add3A_192 = arith.addi %mul3A_189, %mul3A_191 : i32
    "tpu.region"() ({
      %run_scoped3A = tpu.sem_alloc : memref<!tpu.dma_semaphore, #tpu.memory_space<semaphore_mem>>
      %dma_start3A = tpu.memref_slice %arg3[%add3A_192] : memref<20480xf32, #tpu.memory_space<hbm>> -> memref<640xf32, #tpu.memory_space<hbm>>
      %dma_start3A_193 = tpu.memref_slice %arg4[%mul3A_187] : memref<10240xf32, #tpu.memory_space<vmem_shared>> -> memref<640xf32, #tpu.memory_space<vmem_shared>>
      tpu.enqueue_dma source(%dma_start3A_193 : memref<640xf32, #tpu.memory_space<vmem_shared>>) target(%dma_start3A : memref<640xf32, #tpu.memory_space<hbm>>) target_semaphore(%run_scoped3A : memref<!tpu.dma_semaphore, #tpu.memory_space<semaphore_mem>>)
      %dma_wait3A_194 = tpu.memref_slice %arg3[%add3A_192] : memref<20480xf32, #tpu.memory_space<hbm>> -> memref<640xf32, #tpu.memory_space<hbm>>
      %dma_wait3A_195 = tpu.memref_slice %arg4[%mul3A_187] : memref<10240xf32, #tpu.memory_space<vmem_shared>> -> memref<640xf32, #tpu.memory_space<vmem_shared>>
      tpu.wait_dma2 semaphore(%run_scoped3A : memref<!tpu.dma_semaphore, #tpu.memory_space<semaphore_mem>>) src(%dma_wait3A_195 : memref<640xf32, #tpu.memory_space<vmem_shared>>) dst(%dma_wait3A_194 : memref<640xf32, #tpu.memory_space<hbm>>)
      tpu.yield
    }) : () -> ()
    return
  }
}

module attributes {stable_mosaic.version = 14 : i64} {
  func.func @_tc1_body(%arg0: i32, %arg1: memref<640x1xf32, #tpu.memory_space<vmem>>, %arg2: memref<640x1xf32, #tpu.memory_space<vmem>>, %arg3: memref<640x128xf32, #tpu.memory_space<vmem>>, %arg4: memref<128x128xf32, #tpu.memory_space<vmem>>, %arg5: memref<640x128xf32, #tpu.memory_space<vmem>>) attributes {dimension_semantics = [#tpu.dimension_semantics<arbitrary>], iteration_bounds = array<i64: 16>, scalar_prefetch = 0 : i64, scratch_operands = 0 : i64, tpu.core_type = #tpu.core_type<tc>, window_params = [{transform_indices = @transform_0, window_bounds = array<i64: 640, 1>}, {transform_indices = @transform_1, window_bounds = array<i64: 640, 1>}, {transform_indices = @transform_2, window_bounds = array<i64: 640, 128>}, {pipeline_mode = #tpu.pipeline_mode<synchronous>, transform_indices = @transform_3, window_bounds = array<i64: 128, 128>}, {transform_indices = @transform_4, window_bounds = array<i64: 640, 128>}]} {
    %get3A = arith.constant 0 : index
    %get3A_0 = arith.constant 0 : index
    %get3A_1 = vector.load %arg1[%get3A, %get3A_0] : memref<640x1xf32, #tpu.memory_space<vmem>>, vector<640x1xf32>
    %get3A_2 = arith.constant 0 : index
    %get3A_3 = arith.constant 0 : index
    %get3A_4 = vector.load %arg2[%get3A_2, %get3A_3] : memref<640x1xf32, #tpu.memory_space<vmem>>, vector<640x1xf32>
    %add3A = arith.addf %get3A_1, %get3A_4 : vector<640x1xf32>
    %add3A_5 = arith.constant 1.000000e+00 : f32
    %add3A_6 = vector.broadcast %add3A_5 : f32 to vector<640x1xf32>
    %add3A_7 = arith.addf %add3A, %add3A_6 : vector<640x1xf32>
    %rsqrt3A = math.rsqrt %add3A_7 : vector<640x1xf32>
    %get3A_8 = arith.constant 0 : index
    %get3A_9 = arith.constant 0 : index
    %get3A_10 = vector.load %arg3[%get3A_8, %get3A_9] : memref<640x128xf32, #tpu.memory_space<vmem>>, vector<640x128xf32>
    %get3A_11 = arith.constant 0 : index
    %get3A_12 = arith.constant 0 : index
    %get3A_13 = vector.load %arg4[%get3A_11, %get3A_12] : memref<128x128xf32, #tpu.memory_space<vmem>>, vector<128x128xf32>
    %dot_general3A = arith.constant dense<0.000000e+00> : vector<640x128xf32>
    %dot_general3A_14 = tpu.matmul %get3A_10, %get3A_13, %dot_general3A {dimension_numbers = #tpu.dot_dimension_numbers<[1], [0], [0], [1], [0, 0, 1, 1], [], []>, transpose_lhs_hint = false} : vector<640x128xf32>, vector<128x128xf32>, vector<640x128xf32> -> vector<640x128xf32>
    %mul3A = vector.broadcast %rsqrt3A : vector<640x1xf32> to vector<640x128xf32>
    %mul3A_15 = arith.mulf %dot_general3A_14, %mul3A : vector<640x128xf32>
    %swap3A = arith.constant 0 : index
    %swap3A_16 = arith.constant 0 : index
    %swap3A_17 = vector.load %arg5[%swap3A, %swap3A_16] : memref<640x128xf32, #tpu.memory_space<vmem>>, vector<640x128xf32>
    tpu.vector_store %arg5[%swap3A, %swap3A_16], %mul3A_15 {strides = array<i32>} : memref<640x128xf32, #tpu.memory_space<vmem>>, vector<640x128xf32>,
    return
  }
  func.func @transform_0(%arg0: i32) -> (i32, i32) {
    %c0_i32 = arith.constant 0 : i32
    %c0_i32_0 = arith.constant 0 : i32
    return %arg0, %c0_i32 : i32, i32
  }
  func.func @transform_1(%arg0: i32) -> (i32, i32) {
    %add3A = arith.constant 16 : i32
    %add3A_0 = arith.addi %arg0, %add3A : i32
    %c0_i32 = arith.constant 0 : i32
    %c0_i32_1 = arith.constant 0 : i32
    return %add3A_0, %c0_i32 : i32, i32
  }
  func.func @transform_2(%arg0: i32) -> (i32, i32) {
    %c0_i32 = arith.constant 0 : i32
    %c0_i32_0 = arith.constant 0 : i32
    return %arg0, %c0_i32 : i32, i32
  }
  func.func @transform_3(%arg0: i32) -> (i32, i32) {
    %c0_i32 = arith.constant 0 : i32
    %c0_i32_0 = arith.constant 0 : i32
    %c0_i32_1 = arith.constant 0 : i32
    return %c0_i32, %c0_i32_0 : i32, i32
  }
  func.func @transform_4(%arg0: i32) -> (i32, i32) {
    %c0_i32 = arith.constant 0 : i32
    %c0_i32_0 = arith.constant 0 : i32
    return %arg0, %c0_i32 : i32, i32
  }
}

module attributes {stable_mosaic.version = 14 : i64} {
  func.func @_tc2_body(%arg0: i32, %arg1: memref<640x1xf32, #tpu.memory_space<vmem>>, %arg2: memref<640x1xf32, #tpu.memory_space<vmem>>, %arg3: memref<640x128xf32, #tpu.memory_space<vmem>>, %arg4: memref<640x128xf32, #tpu.memory_space<vmem>>, %arg5: memref<640x128xf32, #tpu.memory_space<vmem>>, %arg6: memref<1x128xf32, #tpu.memory_space<vmem>>, %arg7: memref<1x128xf32, #tpu.memory_space<vmem>>, %arg8: memref<1x128xf32, #tpu.memory_space<vmem>>, %arg9: memref<1x128xf32, #tpu.memory_space<vmem>>, %arg10: memref<1x128xf32, #tpu.memory_space<vmem>>, %arg11: memref<128x128xf32, #tpu.memory_space<vmem>>, %arg12: memref<640x128xf32, #tpu.memory_space<vmem>>) attributes {dimension_semantics = [#tpu.dimension_semantics<arbitrary>], iteration_bounds = array<i64: 16>, scalar_prefetch = 0 : i64, scratch_operands = 0 : i64, tpu.core_type = #tpu.core_type<tc>, window_params = [{transform_indices = @transform_0, window_bounds = array<i64: 640, 1>}, {transform_indices = @transform_1, window_bounds = array<i64: 640, 1>}, {transform_indices = @transform_2, window_bounds = array<i64: 640, 128>}, {transform_indices = @transform_3, window_bounds = array<i64: 640, 128>}, {transform_indices = @transform_4, window_bounds = array<i64: 640, 128>}, {pipeline_mode = #tpu.pipeline_mode<synchronous>, transform_indices = @transform_5, window_bounds = array<i64: 1, 128>}, {pipeline_mode = #tpu.pipeline_mode<synchronous>, transform_indices = @transform_6, window_bounds = array<i64: 1, 128>}, {pipeline_mode = #tpu.pipeline_mode<synchronous>, transform_indices = @transform_7, window_bounds = array<i64: 1, 128>}, {pipeline_mode = #tpu.pipeline_mode<synchronous>, transform_indices = @transform_8, window_bounds = array<i64: 1, 128>}, {pipeline_mode = #tpu.pipeline_mode<synchronous>, transform_indices = @transform_9, window_bounds = array<i64: 1, 128>}, {pipeline_mode = #tpu.pipeline_mode<synchronous>, transform_indices = @transform_10, window_bounds = array<i64: 128, 128>}, {transform_indices = @transform_11, window_bounds = array<i64: 640, 128>}]} {
    %get3A = arith.constant 0 : index
    %get3A_0 = arith.constant 0 : index
    %get3A_1 = vector.load %arg1[%get3A, %get3A_0] : memref<640x1xf32, #tpu.memory_space<vmem>>, vector<640x1xf32>
    %get3A_2 = arith.constant 0 : index
    %get3A_3 = arith.constant 0 : index
    %get3A_4 = vector.load %arg2[%get3A_2, %get3A_3] : memref<640x1xf32, #tpu.memory_space<vmem>>, vector<640x1xf32>
    %add3A = arith.addf %get3A_1, %get3A_4 : vector<640x1xf32>
    %add3A_5 = arith.constant 1.000000e+00 : f32
    %add3A_6 = vector.broadcast %add3A_5 : f32 to vector<640x1xf32>
    %add3A_7 = arith.addf %add3A, %add3A_6 : vector<640x1xf32>
    %rsqrt3A = math.rsqrt %add3A_7 : vector<640x1xf32>
    %get3A_8 = arith.constant 0 : index
    %get3A_9 = arith.constant 0 : index
    %get3A_10 = vector.load %arg3[%get3A_8, %get3A_9] : memref<640x128xf32, #tpu.memory_space<vmem>>, vector<640x128xf32>
    %get3A_11 = arith.constant 0 : index
    %get3A_12 = arith.constant 0 : index
    %get3A_13 = vector.load %arg4[%get3A_11, %get3A_12] : memref<640x128xf32, #tpu.memory_space<vmem>>, vector<640x128xf32>
    %add3A_14 = arith.addf %get3A_10, %get3A_13 : vector<640x128xf32>
    %get3A_15 = arith.constant 0 : index
    %get3A_16 = arith.constant 0 : index
    %get3A_17 = vector.load %arg5[%get3A_15, %get3A_16] : memref<640x128xf32, #tpu.memory_space<vmem>>, vector<640x128xf32>
    %add3A_18 = arith.addf %add3A_14, %get3A_17 : vector<640x128xf32>
    %mul3A = vector.broadcast %rsqrt3A : vector<640x1xf32> to vector<640x128xf32>
    %mul3A_19 = arith.mulf %mul3A, %add3A_18 : vector<640x128xf32>
    %get3A_20 = arith.constant 0 : index
    %get3A_21 = arith.constant 0 : index
    %get3A_22 = vector.load %arg6[%get3A_20, %get3A_21] : memref<1x128xf32, #tpu.memory_space<vmem>>, vector<1x128xf32>
    %add3A_23 = vector.broadcast %get3A_22 : vector<1x128xf32> to vector<640x128xf32>
    %add3A_24 = arith.addf %mul3A_19, %add3A_23 : vector<640x128xf32>
    %max3A = arith.constant 0.000000e+00 : f32
    %max3A_25 = vector.broadcast %max3A : f32 to vector<640x128xf32>
    %max3A_26 = arith.maximumf %add3A_24, %max3A_25 : vector<640x128xf32>
    %get3A_27 = arith.constant 0 : index
    %get3A_28 = arith.constant 0 : index
    %get3A_29 = vector.load %arg9[%get3A_27, %get3A_28] : memref<1x128xf32, #tpu.memory_space<vmem>>, vector<1x128xf32>
    %sub3A = vector.broadcast %get3A_29 : vector<1x128xf32> to vector<640x128xf32>
    %sub3A_30 = arith.subf %max3A_26, %sub3A : vector<640x128xf32>
    %get3A_31 = arith.constant 0 : index
    %get3A_32 = arith.constant 0 : index
    %get3A_33 = vector.load %arg10[%get3A_31, %get3A_32] : memref<1x128xf32, #tpu.memory_space<vmem>>, vector<1x128xf32>
    %add3A_34 = arith.constant 9.99999974E-6 : f32
    %add3A_35 = vector.broadcast %add3A_34 : f32 to vector<1x128xf32>
    %add3A_36 = arith.addf %get3A_33, %add3A_35 : vector<1x128xf32>
    %rsqrt3A_37 = math.rsqrt %add3A_36 : vector<1x128xf32>
    %mul3A_38 = vector.broadcast %rsqrt3A_37 : vector<1x128xf32> to vector<640x128xf32>
    %mul3A_39 = arith.mulf %sub3A_30, %mul3A_38 : vector<640x128xf32>
    %get3A_40 = arith.constant 0 : index
    %get3A_41 = arith.constant 0 : index
    %get3A_42 = vector.load %arg7[%get3A_40, %get3A_41] : memref<1x128xf32, #tpu.memory_space<vmem>>, vector<1x128xf32>
    %mul3A_43 = vector.broadcast %get3A_42 : vector<1x128xf32> to vector<640x128xf32>
    %mul3A_44 = arith.mulf %mul3A_39, %mul3A_43 : vector<640x128xf32>
    %get3A_45 = arith.constant 0 : index
    %get3A_46 = arith.constant 0 : index
    %get3A_47 = vector.load %arg8[%get3A_45, %get3A_46] : memref<1x128xf32, #tpu.memory_space<vmem>>, vector<1x128xf32>
    %add3A_48 = vector.broadcast %get3A_47 : vector<1x128xf32> to vector<640x128xf32>
    %add3A_49 = arith.addf %mul3A_44, %add3A_48 : vector<640x128xf32>
    %max3A_50 = arith.constant 0.000000e+00 : f32
    %max3A_51 = vector.broadcast %max3A_50 : f32 to vector<640x128xf32>
    %max3A_52 = arith.maximumf %add3A_49, %max3A_51 : vector<640x128xf32>
    %get3A_53 = arith.constant 0 : index
    %get3A_54 = arith.constant 0 : index
    %get3A_55 = vector.load %arg11[%get3A_53, %get3A_54] : memref<128x128xf32, #tpu.memory_space<vmem>>, vector<128x128xf32>
    %dot_general3A = arith.constant dense<0.000000e+00> : vector<640x128xf32>
    %dot_general3A_56 = tpu.matmul %max3A_52, %get3A_55, %dot_general3A {dimension_numbers = #tpu.dot_dimension_numbers<[1], [0], [0], [1], [0, 0, 1, 1], [], []>, transpose_lhs_hint = false} : vector<640x128xf32>, vector<128x128xf32>, vector<640x128xf32> -> vector<640x128xf32>
    %mul3A_57 = vector.broadcast %rsqrt3A : vector<640x1xf32> to vector<640x128xf32>
    %mul3A_58 = arith.mulf %dot_general3A_56, %mul3A_57 : vector<640x128xf32>
    %swap3A = arith.constant 0 : index
    %swap3A_59 = arith.constant 0 : index
    %swap3A_60 = vector.load %arg12[%swap3A, %swap3A_59] : memref<640x128xf32, #tpu.memory_space<vmem>>, vector<640x128xf32>
    tpu.vector_store %arg12[%swap3A, %swap3A_59], %mul3A_58 {strides = array<i32>} : memref<640x128xf32, #tpu.memory_space<vmem>>, vector<640x128xf32>,
    return
  }
  func.func @transform_0(%arg0: i32) -> (i32, i32) {
    %c0_i32 = arith.constant 0 : i32
    %c0_i32_0 = arith.constant 0 : i32
    return %arg0, %c0_i32 : i32, i32
  }
  func.func @transform_1(%arg0: i32) -> (i32, i32) {
    %add3A = arith.constant 16 : i32
    %add3A_0 = arith.addi %arg0, %add3A : i32
    %c0_i32 = arith.constant 0 : i32
    %c0_i32_1 = arith.constant 0 : i32
    return %add3A_0, %c0_i32 : i32, i32
  }
  func.func @transform_2(%arg0: i32) -> (i32, i32) {
    %c0_i32 = arith.constant 0 : i32
    %c0_i32_0 = arith.constant 0 : i32
    return %arg0, %c0_i32 : i32, i32
  }
  func.func @transform_3(%arg0: i32) -> (i32, i32) {
    %add3A = arith.constant 16 : i32
    %add3A_0 = arith.addi %arg0, %add3A : i32
    %c0_i32 = arith.constant 0 : i32
    %c0_i32_1 = arith.constant 0 : i32
    return %add3A_0, %c0_i32 : i32, i32
  }
  func.func @transform_4(%arg0: i32) -> (i32, i32) {
    %c0_i32 = arith.constant 0 : i32
    %c0_i32_0 = arith.constant 0 : i32
    return %arg0, %c0_i32 : i32, i32
  }
  func.func @transform_5(%arg0: i32) -> (i32, i32) {
    %c0_i32 = arith.constant 0 : i32
    %c0_i32_0 = arith.constant 0 : i32
    %c0_i32_1 = arith.constant 0 : i32
    return %c0_i32, %c0_i32_0 : i32, i32
  }
  func.func @transform_6(%arg0: i32) -> (i32, i32) {
    %c0_i32 = arith.constant 0 : i32
    %c0_i32_0 = arith.constant 0 : i32
    %c0_i32_1 = arith.constant 0 : i32
    return %c0_i32, %c0_i32_0 : i32, i32
  }
  func.func @transform_7(%arg0: i32) -> (i32, i32) {
    %c0_i32 = arith.constant 0 : i32
    %c0_i32_0 = arith.constant 0 : i32
    %c0_i32_1 = arith.constant 0 : i32
    return %c0_i32, %c0_i32_0 : i32, i32
  }
  func.func @transform_8(%arg0: i32) -> (i32, i32) {
    %c0_i32 = arith.constant 0 : i32
    %c0_i32_0 = arith.constant 0 : i32
    %c0_i32_1 = arith.constant 0 : i32
    return %c0_i32, %c0_i32_0 : i32, i32
  }
  func.func @transform_9(%arg0: i32) -> (i32, i32) {
    %c0_i32 = arith.constant 0 : i32
    %c0_i32_0 = arith.constant 0 : i32
    %c0_i32_1 = arith.constant 0 : i32
    return %c0_i32, %c0_i32_0 : i32, i32
  }
  func.func @transform_10(%arg0: i32) -> (i32, i32) {
    %c0_i32 = arith.constant 0 : i32
    %c0_i32_0 = arith.constant 0 : i32
    %c0_i32_1 = arith.constant 0 : i32
    return %c0_i32, %c0_i32_0 : i32, i32
  }
  func.func @transform_11(%arg0: i32) -> (i32, i32) {
    %c0_i32 = arith.constant 0 : i32
    %c0_i32_0 = arith.constant 0 : i32
    return %arg0, %c0_i32 : i32, i32
  }
}

module attributes {stable_mosaic.version = 14 : i64} {
  func.func @_tc3_body(%arg0: i32, %arg1: memref<640x1xf32, #tpu.memory_space<vmem>>, %arg2: memref<640x1xf32, #tpu.memory_space<vmem>>, %arg3: memref<640x128xf32, #tpu.memory_space<vmem>>, %arg4: memref<640x128xf32, #tpu.memory_space<vmem>>, %arg5: memref<640x128xf32, #tpu.memory_space<vmem>>, %arg6: memref<1x128xf32, #tpu.memory_space<vmem>>, %arg7: memref<1x128xf32, #tpu.memory_space<vmem>>, %arg8: memref<1x128xf32, #tpu.memory_space<vmem>>, %arg9: memref<1x128xf32, #tpu.memory_space<vmem>>, %arg10: memref<1x128xf32, #tpu.memory_space<vmem>>, %arg11: memref<128x128xf32, #tpu.memory_space<vmem>>, %arg12: memref<1x128xf32, #tpu.memory_space<vmem>>, %arg13: memref<640x128xf32, #tpu.memory_space<vmem>>, %arg14: memref<1x1xf32, #tpu.memory_space<vmem>>, %arg15: memref<2xf32, #tpu.memory_space<smem>>) attributes {dimension_semantics = [#tpu.dimension_semantics<arbitrary>], iteration_bounds = array<i64: 16>, scalar_prefetch = 0 : i64, scratch_operands = 1 : i64, tpu.core_type = #tpu.core_type<tc>, window_params = [{transform_indices = @transform_0, window_bounds = array<i64: 640, 1>}, {transform_indices = @transform_1, window_bounds = array<i64: 640, 1>}, {transform_indices = @transform_2, window_bounds = array<i64: 640, 128>}, {transform_indices = @transform_3, window_bounds = array<i64: 640, 128>}, {transform_indices = @transform_4, window_bounds = array<i64: 640, 128>}, {pipeline_mode = #tpu.pipeline_mode<synchronous>, transform_indices = @transform_5, window_bounds = array<i64: 1, 128>}, {pipeline_mode = #tpu.pipeline_mode<synchronous>, transform_indices = @transform_6, window_bounds = array<i64: 1, 128>}, {pipeline_mode = #tpu.pipeline_mode<synchronous>, transform_indices = @transform_7, window_bounds = array<i64: 1, 128>}, {pipeline_mode = #tpu.pipeline_mode<synchronous>, transform_indices = @transform_8, window_bounds = array<i64: 1, 128>}, {pipeline_mode = #tpu.pipeline_mode<synchronous>, transform_indices = @transform_9, window_bounds = array<i64: 1, 128>}, {pipeline_mode = #tpu.pipeline_mode<synchronous>, transform_indices = @transform_10, window_bounds = array<i64: 128, 128>}, {pipeline_mode = #tpu.pipeline_mode<synchronous>, transform_indices = @transform_11, window_bounds = array<i64: 1, 128>}, {transform_indices = @transform_12, window_bounds = array<i64: 640, 128>}, {pipeline_mode = #tpu.pipeline_mode<synchronous>, transform_indices = @transform_13, window_bounds = array<i64: 1, 1>}]} {
    %eq3A = arith.constant 0 : i32
    %eq3A_0 = arith.cmpi eq, %arg0, %eq3A : i32
    %convert_element_type3A = arith.extui %eq3A_0 : i1 to i32
    %cond3A = arith.constant 0 : i32
    %cond3A_1 = arith.cmpi ne, %convert_element_type3A, %cond3A : i32
    scf.if %cond3A_1 {
      %swap3A_128 = arith.constant 0.000000e+00 : f32
      %swap3A_129 = arith.constant 0 : index
      %swap3A_130 = memref.load %arg15[%swap3A_129] : memref<2xf32, #tpu.memory_space<smem>>
      memref.store %swap3A_128, %arg15[%swap3A_129] : memref<2xf32, #tpu.memory_space<smem>>
      %swap3A_131 = arith.constant 0.000000e+00 : f32
      %swap3A_132 = arith.constant 1 : index
      %swap3A_133 = memref.load %arg15[%swap3A_132] : memref<2xf32, #tpu.memory_space<smem>>
      memref.store %swap3A_131, %arg15[%swap3A_132] : memref<2xf32, #tpu.memory_space<smem>>
    } else {
    }
    %get3A = arith.constant 0 : index
    %get3A_2 = arith.constant 0 : index
    %get3A_3 = vector.load %arg1[%get3A, %get3A_2] : memref<640x1xf32, #tpu.memory_space<vmem>>, vector<640x1xf32>
    %get3A_4 = arith.constant 0 : index
    %get3A_5 = arith.constant 0 : index
    %get3A_6 = vector.load %arg2[%get3A_4, %get3A_5] : memref<640x1xf32, #tpu.memory_space<vmem>>, vector<640x1xf32>
    %add3A = arith.addf %get3A_3, %get3A_6 : vector<640x1xf32>
    %add3A_7 = arith.constant 1.000000e+00 : f32
    %add3A_8 = vector.broadcast %add3A_7 : f32 to vector<640x1xf32>
    %add3A_9 = arith.addf %add3A, %add3A_8 : vector<640x1xf32>
    %rsqrt3A = math.rsqrt %add3A_9 : vector<640x1xf32>
    %get3A_10 = arith.constant 0 : index
    %get3A_11 = arith.constant 0 : index
    %get3A_12 = vector.load %arg3[%get3A_10, %get3A_11] : memref<640x128xf32, #tpu.memory_space<vmem>>, vector<640x128xf32>
    %get3A_13 = arith.constant 0 : index
    %get3A_14 = arith.constant 0 : index
    %get3A_15 = vector.load %arg4[%get3A_13, %get3A_14] : memref<640x128xf32, #tpu.memory_space<vmem>>, vector<640x128xf32>
    %add3A_16 = arith.addf %get3A_12, %get3A_15 : vector<640x128xf32>
    %get3A_17 = arith.constant 0 : index
    %get3A_18 = arith.constant 0 : index
    %get3A_19 = vector.load %arg5[%get3A_17, %get3A_18] : memref<640x128xf32, #tpu.memory_space<vmem>>, vector<640x128xf32>
    %add3A_20 = arith.addf %add3A_16, %get3A_19 : vector<640x128xf32>
    %mul3A = vector.broadcast %rsqrt3A : vector<640x1xf32> to vector<640x128xf32>
    %mul3A_21 = arith.mulf %mul3A, %add3A_20 : vector<640x128xf32>
    %get3A_22 = arith.constant 0 : index
    %get3A_23 = arith.constant 0 : index
    %get3A_24 = vector.load %arg6[%get3A_22, %get3A_23] : memref<1x128xf32, #tpu.memory_space<vmem>>, vector<1x128xf32>
    %add3A_25 = vector.broadcast %get3A_24 : vector<1x128xf32> to vector<640x128xf32>
    %add3A_26 = arith.addf %mul3A_21, %add3A_25 : vector<640x128xf32>
    %max3A = arith.constant 0.000000e+00 : f32
    %max3A_27 = vector.broadcast %max3A : f32 to vector<640x128xf32>
    %max3A_28 = arith.maximumf %add3A_26, %max3A_27 : vector<640x128xf32>
    %get3A_29 = arith.constant 0 : index
    %get3A_30 = arith.constant 0 : index
    %get3A_31 = vector.load %arg9[%get3A_29, %get3A_30] : memref<1x128xf32, #tpu.memory_space<vmem>>, vector<1x128xf32>
    %sub3A = vector.broadcast %get3A_31 : vector<1x128xf32> to vector<640x128xf32>
    %sub3A_32 = arith.subf %max3A_28, %sub3A : vector<640x128xf32>
    %get3A_33 = arith.constant 0 : index
    %get3A_34 = arith.constant 0 : index
    %get3A_35 = vector.load %arg10[%get3A_33, %get3A_34] : memref<1x128xf32, #tpu.memory_space<vmem>>, vector<1x128xf32>
    %add3A_36 = arith.constant 9.99999974E-6 : f32
    %add3A_37 = vector.broadcast %add3A_36 : f32 to vector<1x128xf32>
    %add3A_38 = arith.addf %get3A_35, %add3A_37 : vector<1x128xf32>
    %rsqrt3A_39 = math.rsqrt %add3A_38 : vector<1x128xf32>
    %mul3A_40 = vector.broadcast %rsqrt3A_39 : vector<1x128xf32> to vector<640x128xf32>
    %mul3A_41 = arith.mulf %sub3A_32, %mul3A_40 : vector<640x128xf32>
    %get3A_42 = arith.constant 0 : index
    %get3A_43 = arith.constant 0 : index
    %get3A_44 = vector.load %arg7[%get3A_42, %get3A_43] : memref<1x128xf32, #tpu.memory_space<vmem>>, vector<1x128xf32>
    %mul3A_45 = vector.broadcast %get3A_44 : vector<1x128xf32> to vector<640x128xf32>
    %mul3A_46 = arith.mulf %mul3A_41, %mul3A_45 : vector<640x128xf32>
    %get3A_47 = arith.constant 0 : index
    %get3A_48 = arith.constant 0 : index
    %get3A_49 = vector.load %arg8[%get3A_47, %get3A_48] : memref<1x128xf32, #tpu.memory_space<vmem>>, vector<1x128xf32>
    %add3A_50 = vector.broadcast %get3A_49 : vector<1x128xf32> to vector<640x128xf32>
    %add3A_51 = arith.addf %mul3A_46, %add3A_50 : vector<640x128xf32>
    %max3A_52 = arith.constant 0.000000e+00 : f32
    %max3A_53 = vector.broadcast %max3A_52 : f32 to vector<640x128xf32>
    %max3A_54 = arith.maximumf %add3A_51, %max3A_53 : vector<640x128xf32>
    %get3A_55 = arith.constant 0 : index
    %get3A_56 = arith.constant 0 : index
    %get3A_57 = vector.load %arg11[%get3A_55, %get3A_56] : memref<128x128xf32, #tpu.memory_space<vmem>>, vector<128x128xf32>
    %dot_general3A = arith.constant dense<0.000000e+00> : vector<640x128xf32>
    %dot_general3A_58 = tpu.matmul %max3A_54, %get3A_57, %dot_general3A {dimension_numbers = #tpu.dot_dimension_numbers<[1], [0], [0], [1], [0, 0, 1, 1], [], []>, transpose_lhs_hint = false} : vector<640x128xf32>, vector<128x128xf32>, vector<640x128xf32> -> vector<640x128xf32>
    %get3A_59 = arith.constant 0 : index
    %get3A_60 = arith.constant 0 : index
    %get3A_61 = vector.load %arg12[%get3A_59, %get3A_60] : memref<1x128xf32, #tpu.memory_space<vmem>>, vector<1x128xf32>
    %add3A_62 = vector.broadcast %get3A_61 : vector<1x128xf32> to vector<640x128xf32>
    %add3A_63 = arith.addf %dot_general3A_58, %add3A_62 : vector<640x128xf32>
    %iota3A = tpu.iota {dimensions = array<i32: 1>} : vector<640x128xi32>
    %lt3A = arith.constant 40 : i32
    %lt3A_64 = vector.broadcast %lt3A : i32 to vector<640x128xi32>
    %lt3A_65 = arith.cmpi slt, %iota3A, %lt3A_64 : vector<640x128xi32>
    %jit3A = arith.constant -1.000000e+30 : f32
    %broadcast_in_dim3A = vector.broadcast %jit3A : f32 to vector<640x128xf32>
    %select_n3A = arith.select %lt3A_65, %add3A_63, %broadcast_in_dim3A : vector<640x128xi1>, vector<640x128xf32>
    %reduce_max3A = arith.constant dense<0xFF800000> : vector<640xf32>
    %reduce_max3A_66 = vector.multi_reduction <maximumf>, %select_n3A, %reduce_max3A [1] : vector<640x128xf32> to vector<640xf32>
    %broadcast_in_dim3A_67 = vector.shape_cast %reduce_max3A_66 : vector<640xf32> to vector<640x1xf32>
    %sub3A_68 = vector.broadcast %broadcast_in_dim3A_67 : vector<640x1xf32> to vector<640x128xf32>
    %sub3A_69 = arith.subf %add3A_63, %sub3A_68 : vector<640x128xf32>
    %exp3A = math.exp %sub3A_69 : vector<640x128xf32>
    %jit3A_70 = arith.constant 0.000000e+00 : f32
    %broadcast_in_dim3A_71 = vector.broadcast %jit3A_70 : f32 to vector<640x128xf32>
    %select_n3A_72 = arith.select %lt3A_65, %exp3A, %broadcast_in_dim3A_71 : vector<640x128xi1>, vector<640x128xf32>
    %reduce_sum3A = arith.constant dense<0.000000e+00> : vector<640xf32>
    %reduce_sum3A_73 = vector.multi_reduction <add>, %select_n3A_72, %reduce_sum3A [1] : vector<640x128xf32> to vector<640xf32>
    %broadcast_in_dim3A_74 = vector.shape_cast %reduce_sum3A_73 : vector<640xf32> to vector<640x1xf32>
    %sub3A_75 = vector.broadcast %broadcast_in_dim3A_67 : vector<640x1xf32> to vector<640x128xf32>
    %sub3A_76 = arith.subf %add3A_63, %sub3A_75 : vector<640x128xf32>
    %log3A = math.log %broadcast_in_dim3A_74 : vector<640x1xf32>
    %sub3A_77 = vector.broadcast %log3A : vector<640x1xf32> to vector<640x128xf32>
    %sub3A_78 = arith.subf %sub3A_76, %sub3A_77 : vector<640x128xf32>
    %swap3A = arith.constant 0 : index
    %swap3A_79 = arith.constant 0 : index
    %swap3A_80 = vector.load %arg13[%swap3A, %swap3A_79] : memref<640x128xf32, #tpu.memory_space<vmem>>, vector<640x128xf32>
    tpu.vector_store %arg13[%swap3A, %swap3A_79], %sub3A_78 {strides = array<i32>} : memref<640x128xf32, #tpu.memory_space<vmem>>, vector<640x128xf32>,
    %iota3A_81 = tpu.iota {dimensions = array<i32: 0>} : vector<640x128xi32>
    %mul3A_82 = arith.constant 640 : i32
    %mul3A_83 = arith.muli %arg0, %mul3A_82 : i32
    %add3A_84 = vector.broadcast %mul3A_83 : i32 to vector<640x128xi32>
    %add3A_85 = arith.addi %iota3A_81, %add3A_84 : vector<640x128xi32>
    %lt3A_86 = arith.constant 10000 : i32
    %lt3A_87 = vector.broadcast %lt3A_86 : i32 to vector<640x128xi32>
    %lt3A_88 = arith.cmpi slt, %add3A_85, %lt3A_87 : vector<640x128xi32>
    %and3A = arith.andi %lt3A_65, %lt3A_88 : vector<640x128xi1>
    %jit3A_89 = arith.constant 0.000000e+00 : f32
    %broadcast_in_dim3A_90 = vector.broadcast %jit3A_89 : f32 to vector<640x128xf32>
    %select_n3A_91 = arith.select %and3A, %add3A_63, %broadcast_in_dim3A_90 : vector<640x128xi1>, vector<640x128xf32>
    %get3A_92 = arith.constant 0 : index
    %get3A_93 = memref.load %arg15[%get3A_92] : memref<2xf32, #tpu.memory_space<smem>>
    %reduce_sum3A_94 = vector.shape_cast %select_n3A_91 : vector<640x128xf32> to vector<1x640x128xf32>
    %reduce_sum3A_95 = arith.constant dense<0.000000e+00> : vector<1xf32>
    %reduce_sum3A_96 = vector.multi_reduction <add>, %reduce_sum3A_94, %reduce_sum3A_95 [1, 2] : vector<1x640x128xf32> to vector<1xf32>
    %reduce_sum3A_97 = vector.shape_cast %reduce_sum3A_96 : vector<1xf32> to vector<1x1x1xf32>
    %reduce_sum3A_98 = vector.extract %reduce_sum3A_97[0, 0, 0] : f32 from vector<1x1x1xf32>
    %add3A_99 = arith.addf %get3A_93, %reduce_sum3A_98 : f32
    %swap3A_100 = arith.constant 0 : index
    %swap3A_101 = memref.load %arg15[%swap3A_100] : memref<2xf32, #tpu.memory_space<smem>>
    memref.store %add3A_99, %arg15[%swap3A_100] : memref<2xf32, #tpu.memory_space<smem>>
    %get3A_102 = arith.constant 1 : index
    %get3A_103 = memref.load %arg15[%get3A_102] : memref<2xf32, #tpu.memory_space<smem>>
    %mul3A_104 = arith.mulf %select_n3A_91, %select_n3A_91 : vector<640x128xf32>
    %reduce_sum3A_105 = vector.shape_cast %mul3A_104 : vector<640x128xf32> to vector<1x640x128xf32>
    %reduce_sum3A_106 = arith.constant dense<0.000000e+00> : vector<1xf32>
    %reduce_sum3A_107 = vector.multi_reduction <add>, %reduce_sum3A_105, %reduce_sum3A_106 [1, 2] : vector<1x640x128xf32> to vector<1xf32>
    %reduce_sum3A_108 = vector.shape_cast %reduce_sum3A_107 : vector<1xf32> to vector<1x1x1xf32>
    %reduce_sum3A_109 = vector.extract %reduce_sum3A_108[0, 0, 0] : f32 from vector<1x1x1xf32>
    %add3A_110 = arith.addf %get3A_103, %reduce_sum3A_109 : f32
    %swap3A_111 = arith.constant 1 : index
    %swap3A_112 = memref.load %arg15[%swap3A_111] : memref<2xf32, #tpu.memory_space<smem>>
    memref.store %add3A_110, %arg15[%swap3A_111] : memref<2xf32, #tpu.memory_space<smem>>
    %get3A_113 = arith.constant 1 : index
    %get3A_114 = memref.load %arg15[%get3A_113] : memref<2xf32, #tpu.memory_space<smem>>
    %get3A_115 = arith.constant 0 : index
    %get3A_116 = memref.load %arg15[%get3A_115] : memref<2xf32, #tpu.memory_space<smem>>
    %get3A_117 = arith.constant 0 : index
    %get3A_118 = memref.load %arg15[%get3A_117] : memref<2xf32, #tpu.memory_space<smem>>
    %mul3A_119 = arith.mulf %get3A_116, %get3A_118 : f32
    %div3A = arith.constant 4.000000e+05 : f32
    %div3A_120 = arith.divf %mul3A_119, %div3A : f32
    %sub3A_121 = arith.subf %get3A_114, %div3A_120 : f32
    %div3A_122 = arith.constant 3.999990e+05 : f32
    %div3A_123 = arith.divf %sub3A_121, %div3A_122 : f32
    %broadcast_in_dim3A_124 = vector.broadcast %div3A_123 : f32 to vector<1x1xf32>
    %swap3A_125 = arith.constant 0 : index
    %swap3A_126 = arith.constant 0 : index
    %swap3A_127 = vector.load %arg14[%swap3A_125, %swap3A_126] : memref<1x1xf32, #tpu.memory_space<vmem>>, vector<1x1xf32>
    tpu.vector_store %arg14[%swap3A_125, %swap3A_126], %broadcast_in_dim3A_124 {strides = array<i32>} : memref<1x1xf32, #tpu.memory_space<vmem>>, vector<1x1xf32>,
    return
  }
  func.func @transform_0(%arg0: i32) -> (i32, i32) {
    %c0_i32 = arith.constant 0 : i32
    %c0_i32_0 = arith.constant 0 : i32
    return %arg0, %c0_i32 : i32, i32
  }
  func.func @transform_1(%arg0: i32) -> (i32, i32) {
    %add3A = arith.constant 16 : i32
    %add3A_0 = arith.addi %arg0, %add3A : i32
    %c0_i32 = arith.constant 0 : i32
    %c0_i32_1 = arith.constant 0 : i32
    return %add3A_0, %c0_i32 : i32, i32
  }
  func.func @transform_2(%arg0: i32) -> (i32, i32) {
    %c0_i32 = arith.constant 0 : i32
    %c0_i32_0 = arith.constant 0 : i32
    return %arg0, %c0_i32 : i32, i32
  }
  func.func @transform_3(%arg0: i32) -> (i32, i32) {
    %add3A = arith.constant 16 : i32
    %add3A_0 = arith.addi %arg0, %add3A : i32
    %c0_i32 = arith.constant 0 : i32
    %c0_i32_1 = arith.constant 0 : i32
    return %add3A_0, %c0_i32 : i32, i32
  }
  func.func @transform_4(%arg0: i32) -> (i32, i32) {
    %c0_i32 = arith.constant 0 : i32
    %c0_i32_0 = arith.constant 0 : i32
    return %arg0, %c0_i32 : i32, i32
  }
  func.func @transform_5(%arg0: i32) -> (i32, i32) {
    %c0_i32 = arith.constant 0 : i32
    %c0_i32_0 = arith.constant 0 : i32
    %c0_i32_1 = arith.constant 0 : i32
    return %c0_i32, %c0_i32_0 : i32, i32
  }
  func.func @transform_6(%arg0: i32) -> (i32, i32) {
    %c0_i32 = arith.constant 0 : i32
    %c0_i32_0 = arith.constant 0 : i32
    %c0_i32_1 = arith.constant 0 : i32
    return %c0_i32, %c0_i32_0 : i32, i32
  }
  func.func @transform_7(%arg0: i32) -> (i32, i32) {
    %c0_i32 = arith.constant 0 : i32
    %c0_i32_0 = arith.constant 0 : i32
    %c0_i32_1 = arith.constant 0 : i32
    return %c0_i32, %c0_i32_0 : i32, i32
  }
  func.func @transform_8(%arg0: i32) -> (i32, i32) {
    %c0_i32 = arith.constant 0 : i32
    %c0_i32_0 = arith.constant 0 : i32
    %c0_i32_1 = arith.constant 0 : i32
    return %c0_i32, %c0_i32_0 : i32, i32
  }
  func.func @transform_9(%arg0: i32) -> (i32, i32) {
    %c0_i32 = arith.constant 0 : i32
    %c0_i32_0 = arith.constant 0 : i32
    %c0_i32_1 = arith.constant 0 : i32
    return %c0_i32, %c0_i32_0 : i32, i32
  }
  func.func @transform_10(%arg0: i32) -> (i32, i32) {
    %c0_i32 = arith.constant 0 : i32
    %c0_i32_0 = arith.constant 0 : i32
    %c0_i32_1 = arith.constant 0 : i32
    return %c0_i32, %c0_i32_0 : i32, i32
  }
  func.func @transform_11(%arg0: i32) -> (i32, i32) {
    %c0_i32 = arith.constant 0 : i32
    %c0_i32_0 = arith.constant 0 : i32
    %c0_i32_1 = arith.constant 0 : i32
    return %c0_i32, %c0_i32_0 : i32, i32
  }
  func.func @transform_12(%arg0: i32) -> (i32, i32) {
    %c0_i32 = arith.constant 0 : i32
    %c0_i32_0 = arith.constant 0 : i32
    return %arg0, %c0_i32 : i32, i32
  }
  func.func @transform_13(%arg0: i32) -> (i32, i32) {
    %c0_i32 = arith.constant 0 : i32
    %c0_i32_0 = arith.constant 0 : i32
    %c0_i32_1 = arith.constant 0 : i32
    return %c0_i32, %c0_i32_0 : i32, i32
  }
}

</mosaic_0001>

<sc_bundles>
// kernel: kernel.11.cloned.1.call-start
scs
__scs_entry_jumppad:
0x0: {  	(pc) =	sbr.rel $0x88, $3  }
0x1: {  	(tag) =	ssettag $0x0;
	lr =	simm.s32 $0x1  }
0x2: {  	[smem:$0x3F91] =	sst lr;
	_ =	strace $0xD0000000  }
0x3: {  	_ = 	snop  }
0x4: {  	_ = 	snop  }
0x5: {  	_ = 	snop  }
0x6: {  	_ = 	snop  }
0x7: {  	_ = 	snop  }
__scs_overlays_trampoline_lowered:
0x8: {  	[smem:$0x3FA0] =	sst s0  }
0x9: {  	[smem:$0x3FA1] =	sst s1  }
0xa: {  	[smem:$0x3FA2] =	sst s2  }
0xb: {  	[smem:$0x3FA3] =	sst s3  }
0xc: {  	[smem:$0x3FA4] =	sst s4  }
0xd: {  	[smem:$0x3FA5] =	sst s5  }
0xe: {  	[smem:$0x3FA6] =	sst s6  }
0xf: {  	[smem:$0x3FA7] =	sst s7  }
0x10: {  	[smem:$0x3FA8] =	sst s8  }
0x11: {  	[smem:$0x3FA9] =	sst s9;
	s0 =	simm.s32 @!p0 $0x0  }
0x12: {  	s1 =	sld [smem:$0x3F8F];
	s0 =	simm.s32 @p0 $0x1  }
0x13: {  	[smem:$0x3FAA] =	sst s0;
	s0 =	simm.s32 @!p1 $0x0  }
0x14: {  	s2 =	sld [smem:$0x3F8E];
	s0 =	simm.s32 @p1 $0x1  }
0x15: {  	[smem:$0x3FAB] =	sst s0;
	s0 =	simm.s32 @!p2 $0x0  }
0x16: {  	s3 =	sld [smem:$0x3FDB];
	s0 =	simm.s32 @p2 $0x1  }
0x17: {  	s4 =	simm.s32 $0x1BF5;
	[smem:$0x3FAD] =	sst s0  }
0x18: {  	s0 =	sld [smem:$0x3F90];
	_ =	swait.ge [sflag:s4], $0x0  }
0x19: {  	s7 =	sld [smem:$0x3F91]  }
0x1a: {  	s8 =	sadd.s32 $0xFFFFE003, lr  }
0x1b: {  	s9 =	sadd.s32 $0xFFFFFEF7, lr;
	s5 =	simm.s32 $0xFFFFFFFF;
	p2 =	slt.u32 s8, $0xFFFFF086  }
0x1c: {  	p1 =	slt.u32 s9, $0xF7A;
	s5 =	simm.s32 @!p2 $0x0  }
0x1d: {  	s5 =	simm.s32 @p1 $0x1;
	p0 =	seq.s32 s7, s2  }
0x1e: {  	s7 =	smul.u32 @!p0 $0xF7A, s2;
	p2 =	seq.s32 @!p0 s5, $0x0  }
0x1f: {  	s9 =	smul.u32 $0xF7A, s1;
	s8 =	simm.s32 @!p0 $0x1BF5;
	p2 =	por !p2, p0  }
0x20: {  	[sflag:s8] =	ssyncset.s32 @!p0 $0xFFFFF086;
	s6 =	sadd.s32 @!p0 s3, s7;
	s7 =	simm.s32 @!p0 $0x108  }
0x21: {  	s3 =	sadd.s32 s3, s9;
	s6 =	sadd.s32 @!p0 $0x88, s6;
	s7 =	simm.s32 @p2 $0x1082  }
0x22: {  	[simem:s7], [sflag:s8] =	dma.local @!p0 [hbm:s6], $0xF7A  }
0x23: {  	s9 =	sor.u32 $0xD0000000, s2;
	s6 =	simm.s32 $0x108;
	_ =	swait.ge @!p0 [sflag:s8], $0x0  }
0x24: {  	s3 =	sadd.s32 $0x88, s3;
	s6 =	simm.s32 @!p1 $0x1082;
	[sflag:s4] =	ssyncset.s32 $0xFFFFF086  }
0x25: {  	[simem:s6], [sflag:s4] =	dma.local [hbm:s3], $0xF7A  }
0x26: {  	[smem:$0x3F91] =	sst s1;
	(tag) =	ssettag s2;
	_ =	strace s9  }
0x27: {  	s1 =	sld [smem:$0x3FA1]  }
0x28: {  	s2 =	sld [smem:$0x3FA2]  }
0x29: {  	s4 =	sld [smem:$0x3FA4]  }
0x2a: {  	p0 =	seq.s32 s5, $0x0;
	s5 =	sld [smem:$0x3FA5]  }
0x2b: {  	s6 =	sld [smem:$0x3FA6]  }
0x2c: {  	s7 =	sld [smem:$0x3FA7]  }
0x2d: {  	s3 =	simm.s32 $0x108;
	s8 =	sld [smem:$0x3FA8]  }
0x2e: {  	s3 =	simm.s32 @!p0 $0x1082;
	s9 =	sld [smem:$0x3FA9]  }
0x2f: {  	lr =	sadd.s32 s0, s3;
	s0 =	sld [smem:$0x3FA0]  }
0x30: {  	s3 =	sld [smem:$0x3FA3]  }
0x31: {  	[smem:$0x3FAC] =	sst s10  }
0x32: {  	s10 =	sld [smem:$0x3FAA];
	_ =	sdelay $0x3  }
0x33: {  	p0 =	seq.s32 s10, $0x1;
	s10 =	sld [smem:$0x3FAC];
	_ =	sdelay $0x3  }
0x34: {  	[smem:$0x3FAC] =	sst s10  }
0x35: {  	s10 =	sld [smem:$0x3FAB];
	_ =	sdelay $0x3  }
0x36: {  	p1 =	seq.s32 s10, $0x1;
	s10 =	sld [smem:$0x3FAC];
	_ =	sdelay $0x3  }
0x37: {  	[smem:$0x3FAC] =	sst s10  }
0x38: {  	s10 =	sld [smem:$0x3FAD]  }
0x39: {  	_ = 	snop;
	(pc) =	sbr.ind lr, $3  }
0x3a: {  	_ = 	snop  }
0x3b: {  	_ = 	snop  }
0x3c: {  	p2 =	seq.s32 s10, $0x1;
	s10 =	sld [smem:$0x3FAC]  }
0x3d: {  	_ =	shalt  }
0x3e: {  	_ =	shalt  }
0x3f: {  	_ =	shalt  }
0x40: {  	_ =	shalt  }
0x41: {  	_ =	shalt  }
0x42: {  	_ =	shalt  }
0x43: {  	_ =	shalt  }
0x44: {  	_ =	shalt  }
0x45: {  	_ =	shalt  }
0x46: {  	_ =	shalt  }
0x47: {  	_ =	shalt  }
0x48: {  	_ =	shalt  }
0x49: {  	_ =	shalt  }
0x4a: {  	_ =	shalt  }
0x4b: {  	_ =	shalt  }
0x4c: {  	_ =	shalt  }
0x4d: {  	_ =	shalt  }
0x4e: {  	_ =	shalt  }
0x4f: {  	_ =	shalt  }
0x50: {  	_ =	shalt  }
0x51: {  	_ =	shalt  }
0x52: {  	_ =	shalt  }
0x53: {  	_ =	shalt  }
0x54: {  	_ =	shalt  }
0x55: {  	_ =	shalt  }
0x56: {  	_ =	shalt  }
0x57: {  	_ =	shalt  }
0x58: {  	_ =	shalt  }
0x59: {  	_ =	shalt  }
0x5a: {  	_ =	shalt  }
0x5b: {  	_ =	shalt  }
0x5c: {  	_ =	shalt  }
0x5d: {  	_ =	shalt  }
0x5e: {  	_ =	shalt  }
0x5f: {  	_ =	shalt  }
0x60: {  	_ =	shalt  }
0x61: {  	_ =	shalt  }
0x62: {  	_ =	shalt  }
0x63: {  	_ =	shalt  }
0x64: {  	_ =	shalt  }
0x65: {  	_ =	shalt  }
0x66: {  	_ =	shalt  }
0x67: {  	_ =	shalt  }
0x68: {  	_ =	shalt  }
0x69: {  	_ =	shalt  }
0x6a: {  	_ =	shalt  }
0x6b: {  	_ =	shalt  }
0x6c: {  	_ =	shalt  }
0x6d: {  	_ =	shalt  }
0x6e: {  	_ =	shalt  }
0x6f: {  	_ =	shalt  }
0x70: {  	_ =	shalt  }
0x71: {  	_ =	shalt  }
0x72: {  	_ =	shalt  }
0x73: {  	_ =	shalt  }
0x74: {  	_ =	shalt  }
0x75: {  	_ =	shalt  }
0x76: {  	_ =	shalt  }
0x77: {  	_ =	shalt  }
0x78: {  	_ =	shalt  }
0x79: {  	_ =	shalt  }
0x7a: {  	_ =	shalt  }
0x7b: {  	_ =	shalt  }
0x7c: {  	_ =	shalt  }
0x7d: {  	_ =	shalt  }
0x7e: {  	_ =	shalt  }
0x7f: {  	_ =	shalt  }
0x80: {  	_ =	shalt  }
0x81: {  	_ =	shalt  }
0x82: {  	_ =	shalt  }
0x83: {  	_ =	shalt  }
0x84: {  	_ =	shalt  }
0x85: {  	_ =	shalt  }
0x86: {  	_ =	shalt  }
0x87: {  	_ =	shalt  }
.Lfunc_end0:
.L_simem_size_0:
called_computation.1_lowered:
.L_overlay_start_0:
0x88: {  	s2 =	sld [smem:$0x3FD9]  }
0x89: {  	s3 =	sld [smem:$0x3FFE];
	_ =	sdelay $0x1  }
0x8a: {  	s1 =	srdreg.scid  }
0x8b: {  	s0 =	sand.u32 $0x1, s1  }
0x8c: {  	s14 =	sshll.u32 s0, $0xA;
	s2 =	sadd.s32 s3, s2  }
0x8d: {  	s2 =	sadd.s32 s2, s14  }
0x8e: {  	[smem:$0x3FB8] =	sst s2  }
0x8f: {  	_ = 	snop  }
0x90: {  	s2 =	sld [smem:$0x3FD0];
	_ =	sdelay $0x2  }
0x91: {  	s15 =	simm.s32 $0xA;
	s4 =	simm.s32 $0x10  }
0x92: {  	[smem:s4], [sflag:s15] =	dma.local [hbm:s2], $0x1  }
0x93: {  	_ =	swait.eq [sflag:s15], $0x1  }
0x94: {  	[sflag:s15] =	ssyncset.done $0x0  }
0x95: {  	[sflag:s15] =	ssyncadd.s32 $0xFFFFFFFF  }
0x96: {  	s16 =	sld [smem:$0x10];
	(tm) =	ssettm $0x1  }
0x97: {  	s17 =	sld [smem:$0x3FFB];
	_ =	sdelay $0x3  }
0x98: {  	_ =	strace s17  }
0x99: {  	s3 =	sld [smem:$0x3FFC];
	_ =	sdelay $0x3  }
0x9a: {  	_ =	strace s3  }
0x9b: {  	s3 =	sld [smem:$0x3FFD];
	_ =	sdelay $0x3  }
0x9c: {  	_ =	strace s3  }
0x9d: {  	_ =	strace $0x8FFFFFFF  }
0x9e: {  	s18 =	sld [smem:$0x3FDB];
	_ =	sdelay $0x1  }
0x9f: {  	s19 =	simm.s32 $_scs_section_size  }
0xa0: {  	s5 =	simm.s32 $_size__tile_overlayer_lowered;
	s6 =	simm.s32 $_tile_overlayer_lowered  }
0xa1: {  	s22 =	simm.s32 $0x1BFF;
	s21 =	sshll.u32 s6, $0x1;
	s3 =	sadd.s32 s19, s18  }
0xa2: {  	s7 =	simm.s32 $0x0;
	s20 =	sshll.u32 s5, $0x1;
	s5 =	sadd.s32 s21, s3  }
0xa3: {  	[timem:s7], [sflag:s22] =	dma.local [hbm:s5], s20  }
0xa4: {  	_ =	swait.ge [sflag:s22], s20  }
0xa5: {  	s4 =	ssub.s32 $0x0, s20;
	[sflag:s22] =	ssyncset.done $0x0  }
0xa6: {  	[sflag:s22] =	ssyncadd.s32 s4;
	_ =	sdelay $0x1  }
0xa7: {  	s23 =	simm.s32 $0x1B8B  }
0xa8: {  	_ =	swait.ge [sflag:s23], $0x1  }
0xa9: {  	[sflag:s23] =	ssyncset.done $0x0  }
0xaa: {  	s25 =	simm.s32 $0x1B8E;
	s24 =	sld [smem:$0x3FFE];
	[sflag:s23] =	ssyncadd.s32 $0xFFFFFFFF  }
0xab: {  	s26 =	simm.s32 $execute0_lowered;
	[smem:$0x3FD2] =	sst s25  }
0xac: {  	s5 =	sshll.u32 s26, $0x1;
	_ =	strace $0x80000049;
	[dreg:$0x1] =	wrdreg $0xFFFFFFFF  }
0xad: {  	s28 =	simm.s32 $_size_execute0_lowered;
	s3 =	sadd.s32 s3, s5;
	[dreg:$0x0] =	wrdreg $0x0  }
0xae: {  	s5 =	sshll.u32 s28, $0x1;
	[dreg:$0x2] =	wrdreg s3  }
0xaf: {  	[dreg:$0x3] =	wrdreg s5  }
0xb0: {  	[dreg:$0x4] =	wrdreg $0xC0  }
0xb1: {  	_ =	task [dreg:s7], $0x5FFFF  }
0xb2: {  	[dreg:$0x1] =	wrdreg $0xFFFFFFFF  }
0xb3: {  	[dreg:$0x0] =	wrdreg $0x60  }
0xb4: {  	[dreg:$0x2] =	wrdreg s24  }
0xb5: {  	[dreg:$0x3] =	wrdreg s16  }
0xb6: {  	[dreg:$0x4] =	wrdreg $0x0  }
0xb7: {  	[dreg:$0x5] =	wrdreg $0x9  }
0xb8: {  	_ =	task.clear_ibuf [dreg:s7], $0x6FFFF;
	_ =	strace $0x90000049  }
0xb9: {  	s29 =	simm.s32 $0x9;
	_ =	strace $0x8000004B  }
0xba: {  	_ =	swait.ge [sflag:s29], $0x1  }
0xbb: {  	[sflag:s29] =	ssyncadd.s32 $0xFFFFFFFF  }
0xbc: {  	_ =	strace $0x9000004B  }
0xbd: {  	_ =	sfence  }
0xbe: {  	s30 =	sld [smem:$0x0];
	_ =	sdelay $0x2  }
0xbf: {  	s31 =	sshll.u32 s1, $0xD;
	s1 =	sshrl.u32 s1, $0x2  }
0xc0: {  	s3 =	sand.u32 $0x4000, s31;
	s1 =	sadd.s32 s1, s30  }
0xc1: {  	s0 =	sor.u32 s3, s0;
	s1 =	sshll.u32 s1, $0x11  }
0xc2: {  	s0 =	sor.u32 s1, s0  }
0xc3: {  	s0 =	sadd.s32 $0x8F2B, s0  }
0xc4: {  	[sflag:s0] =	ssyncadd.remote.s32 $0x1  }
0xc5: {  	_ =	sfence.sel $0xFFFF  }
0xc6: {  	[dreg:$0x0] =	wrdreg $0xFFFFFFFF;
	(pc) =	sbr.abs _section_cstart, $3  }
0xc7: {  	[dreg:$0x1] =	wrdreg $0xFFFFFFFF  }
0xc8: {  	_ =	task.clear_ibuf [dreg:s7], $0x2FFFF;
	_ =	strace $0x9FFFFFFF  }
0xc9: {  	(tm) =	ssettm $0x7FFFFFFF  }
tec
execute0_lowered:
.L_overlay_start_1:
0x0: {  	(tag) =	ssettag $0x1  }
0x1: {  	s0 =	rddreg [dreg:$0x0]  }
0x2: {  	s2 =	rddreg [dreg:$0x1]  }
0x3: {  	s1 =	rddreg [dreg:$0x2];
	s12 =	stileid.u32  }
0x4: {  	s3 =	srdreg.scid;
	s6 =	smul.u32 $0x2800, s12  }
0x5: {  	s28 =	simm.s32 $0x16780;
	s29 =	simm.s32 $0x80;
	s9 =	smul.u32 $0x50000, s12  }
0x6: {  	s30 =	simm.s32 $0x16800;
	s8 =	sand.u32 $0x1, s3;
	s17 =	smul.u32 $0x2710, s12  }
0x7: {  	s31 =	simm.s32 $0x5;
	s3 =	simm.s32 $0x0;
	s5 =	smul.u32 $0x28000, s8  }
0x8: {  	[smem:$0x7FF] =	sst s3;
	s4 =	sshll.u32 s8, $0x4;
	s13 =	ssub.s32 $0x2, s8  }
0x9: {  	s15 =	smul.u32 $0x27100, s8;
	s8 =	simm.s32 $0x3;
	_ =	strace $0x8000004A  }
0xa: {  	s7 =	sor.u32 s12, s4;
	s4 =	sadd.s32 $0xD000, s0;
	s10 =	sshrl.u32 s13, $0x1  }
0xb: {  	s9 =	sshrl.u32 s9, $0x2;
	s6 =	sadd.s32 s6, s5;
	s10 =	ssub.s32 s13, s10  }
0xc: {  	s5 =	sadd.s32 $0x3200, s0;
	s0 =	sadd.s32 s6, s0;
	s18 =	smax.u32 s10, $0x1  }
0xd: {  	s6 =	sadd.s32 s9, s1;
	s0 =	sadd.s32 $0x35000, s0;
	[dreg:$0x8] =	wrdreg s18  }
0xe: {  	s12 =	simm.s32 $0x16880;
	s19 =	sadd.s32 $0x2000, s6;
	[dreg:$0x7] =	wrdreg s0  }
0xf: {  	s7 =	smul.u32 $0x2710, s7;
	s20 =	sadd.s32 $0x4000, s6;
	[dreg:$0x9] =	wrdreg s19  }
0x10: {  	s13 =	simm.s32 $0x10;
	s21 =	sadd.s32 $0x6000, s6;
	[dreg:$0xa] =	wrdreg s20  }
0x11: {  	s9 =	simm.s32 $0x2;
	s22 =	sadd.s32 $0x8000, s6;
	[dreg:$0xb] =	wrdreg s21  }
0x12: {  	s10 =	simm.s32 $0x6;
	s23 =	sadd.s32 $0xA000, s6;
	[dreg:$0xc] =	wrdreg s22  }
0x13: {  	s11 =	sshrl.u32 s7, $0x3;
	s24 =	sadd.s32 $0xC000, s6;
	[dreg:$0xd] =	wrdreg s23  }
0x14: {  	s26 =	sadd.s32 $0xE000, s6;
	s7 =	sadd.s32 s5, s11;
	[dreg:$0xe] =	wrdreg s24  }
0x15: {  	s2 =	sadd.s32 s2, s11;
	s0 =	sadd.s32 s17, s15;
	[dreg:$0xf] =	wrdreg s26  }
0x16: {  	s20 =	sadd.s32 $0x10000, s6;
	s21 =	sadd.s32 $0x12000, s6;
	s24 =	simm.s32 $0x16900  }
0x17: {  	s26 =	simm.s32 $0x14000;
	s11 =	simm.s32 $0x4;
	[dreg:$0x4] =	wrdreg s2  }
0x18: {  	s14 =	sadd.s32 $0x10, s7;
	s16 =	sadd.s32 $0x4E0, s7;
	s25 =	sadd.s32 $0x180, s0  }
0x19: {  	s22 =	sadd.s32 $0x100, s0;
	s0 =	simm.s32 $0x1A900;
	[dreg:$0x5] =	wrdreg s14  }
0x1a: {  	[dreg:$0x6] =	wrdreg s16;
	s2 =	sshrl.u32 s25, $0x3;
	s25 =	simm.s32 $0x7  }
0x1b: {  	v0 =	vimm.f32 $0.0e+00;
	s14 =	simm.s32 $0x0;
	s23 =	sadd.s32 s2, s5;
	s2 =	simm.s32 $0x1  }
.LBB2_1:
0x1c: {  	s15 =	simm.s32 $0x0;
	s16 =	simm.s32 $0x200  }
.LBB2_2:
0x1d: {  	p0 =	sne.s32 s16, $0x7E00;
	[tilespmem:s15+$0x16970] =	vst v0  }
0x1e: {  	[tilespmem:s15+$0x16900] =	vst v0  }
0x1f: {  	[tilespmem:s15+$0x16910] =	vst v0  }
.Ltmp0:
0x20: {  	[tilespmem:s15+$0x16920] =	vst v0;
	(pc) =	sbr.rel @p0 .LBB2_2-.Ltmp0, $4  }
0x21: {  	[tilespmem:s15+$0x16930] =	vst v0  }
0x22: {  	[tilespmem:s15+$0x16940] =	vst v0  }
0x23: {  	[tilespmem:s15+$0x16950] =	vst v0  }
0x24: {  	[tilespmem:s15+$0x16960] =	vst v0;
	s15 =	sshra.s32 s16, $0x2;
	s16 =	sadd.s32 $0x200, s16  }
0x25: {  	[tilespmem:s15+$0x16970] =	vst v0  }
0x26: {  	[tilespmem:s15+$0x16900] =	vst v0  }
0x27: {  	[tilespmem:s15+$0x16910] =	vst v0  }
0x28: {  	[tilespmem:s15+$0x16920] =	vst v0  }
0x29: {  	[tilespmem:s15+$0x16930] =	vst v0  }
0x2a: {  	[tilespmem:s15+$0x16940] =	vst v0  }
0x2b: {  	[tilespmem:s15+$0x16950] =	vst v0  }
0x2c: {  	[tilespmem:s15+$0x16960] =	vst v0  }
0x2d: {  	[spmem:s6] =	stream.linear.scatter [tilespmem:s24], [sflag:$0x7], $0x2000, $0x38;
	[tilespmem:$0x1E900] =	vst v63  }
0x2e: {  	_ =	swait.ge [sflag:s25], $0x2000  }
0x2f: {  	[sflag:s25] =	ssyncset.done $0x0  }
0x30: {  	s19 =	rddreg [dreg:$0x9];
	[sflag:s25] =	ssyncadd.s32 $0xFFFFE000  }
0x31: {  	[spmem:s19] =	stream.linear.scatter [tilespmem:s24], [sflag:$0x7], $0x2000, $0x38;
	[tilespmem:$0x1E900] =	vst v63  }
0x32: {  	_ =	swait.ge [sflag:s25], $0x2000  }
0x33: {  	[sflag:s25] =	ssyncset.done $0x0  }
0x34: {  	s16 =	rddreg [dreg:$0xa];
	[sflag:s25] =	ssyncadd.s32 $0xFFFFE000  }
0x35: {  	[spmem:s16] =	stream.linear.scatter [tilespmem:s24], [sflag:$0x7], $0x2000, $0x38;
	[tilespmem:$0x1E900] =	vst v63  }
0x36: {  	_ =	swait.ge [sflag:s25], $0x2000  }
0x37: {  	[sflag:s25] =	ssyncset.done $0x0  }
0x38: {  	s17 =	rddreg [dreg:$0xb];
	[sflag:s25] =	ssyncadd.s32 $0xFFFFE000  }
0x39: {  	[spmem:s17] =	stream.linear.scatter [tilespmem:s24], [sflag:$0x7], $0x2000, $0x38;
	[tilespmem:$0x1E900] =	vst v63  }
0x3a: {  	_ =	swait.ge [sflag:s25], $0x2000  }
0x3b: {  	[sflag:s25] =	ssyncset.done $0x0  }
0x3c: {  	s18 =	rddreg [dreg:$0xc];
	[sflag:s25] =	ssyncadd.s32 $0xFFFFE000  }
0x3d: {  	[spmem:s18] =	stream.linear.scatter [tilespmem:s24], [sflag:$0x7], $0x2000, $0x38;
	[tilespmem:$0x1E900] =	vst v63  }
0x3e: {  	_ =	swait.ge [sflag:s25], $0x2000  }
0x3f: {  	[sflag:s25] =	ssyncset.done $0x0  }
0x40: {  	s19 =	rddreg [dreg:$0xd];
	[sflag:s25] =	ssyncadd.s32 $0xFFFFE000  }
0x41: {  	[spmem:s19] =	stream.linear.scatter [tilespmem:s24], [sflag:$0x7], $0x2000, $0x38;
	[tilespmem:$0x1E900] =	vst v63  }
0x42: {  	_ =	swait.ge [sflag:s25], $0x2000  }
0x43: {  	[sflag:s25] =	ssyncset.done $0x0  }
0x44: {  	s16 =	rddreg [dreg:$0xe];
	[sflag:s25] =	ssyncadd.s32 $0xFFFFE000  }
0x45: {  	[spmem:s16] =	stream.linear.scatter [tilespmem:s24], [sflag:$0x7], $0x2000, $0x38;
	[tilespmem:$0x1E900] =	vst v63  }
0x46: {  	_ =	swait.ge [sflag:s25], $0x2000  }
0x47: {  	[sflag:s25] =	ssyncset.done $0x0  }
0x48: {  	s17 =	rddreg [dreg:$0xf];
	[sflag:s25] =	ssyncadd.s32 $0xFFFFE000  }
0x49: {  	[spmem:s17] =	stream.linear.scatter [tilespmem:s24], [sflag:$0x7], $0x2000, $0x38;
	[tilespmem:$0x1E900] =	vst v63  }
0x4a: {  	_ =	swait.ge [sflag:s25], $0x2000  }
0x4b: {  	[sflag:s25] =	ssyncset.done $0x0  }
0x4c: {  	[sflag:s25] =	ssyncadd.s32 $0xFFFFE000  }
0x4d: {  	[spmem:s20] =	stream.linear.scatter [tilespmem:s24], [sflag:$0x7], $0x2000, $0x38;
	[tilespmem:$0x1E900] =	vst v63  }
0x4e: {  	_ =	swait.ge [sflag:s25], $0x2000  }
0x4f: {  	[sflag:s25] =	ssyncset.done $0x0  }
0x50: {  	[sflag:s25] =	ssyncadd.s32 $0xFFFFE000  }
0x51: {  	[spmem:s21] =	stream.linear.scatter [tilespmem:s24], [sflag:$0x7], $0x2000, $0x38;
	[tilespmem:$0x1E900] =	vst v63  }
0x52: {  	_ =	swait.ge [sflag:s25], $0x2000  }
0x53: {  	[sflag:s25] =	ssyncset.done $0x0  }
0x54: {  	s18 =	simm.s32 $0x0;
	s16 =	rddreg [dreg:$0x4];
	[sflag:s25] =	ssyncadd.s32 $0xFFFFE000  }
0x55: {  	[tilespmem:s26], [sflag:$0x7] =	stream.linear.gather [hbm4b:s16+s18], $0x2710, $0x38;
	[tilespmem:$0x1E900] =	vst v63  }
0x56: {  	_ =	swait.ge [sflag:s25], $0x2710  }
0x57: {  	[sflag:s25] =	ssyncset.done $0x0  }
0x58: {  	[sflag:s25] =	ssyncadd.s32 $0xFFFFD8F0  }
0x59: {  	[bflag:$0x0] =	sbarrier.arrive $0xFFFF  }
0x5a: {  	[tilespmem:s28], [sflag:$0x5] =	stream.linear.gather [hbm4b:s7+s18], $0x80, $0x38;
	[tilespmem:$0x1E900] =	vst v63  }
0x5b: {  	_ = 	snop  }
0x5c: {  	[tilespmem:s24], [sflag:$0x1] =	stream.indirect.gather [hbm4b:s4+s29], $0x80, s26, s29, $0xb8;
	[tilespmem:$0x1E900] =	vst v63  }
0x5d: {  	s19 =	rddreg [dreg:$0x5]  }
0x5e: {  	[tilespmem:s30], [sflag:$0x6] =	stream.linear.gather [hbm4b:s19+s18], $0x80, $0x38;
	[tilespmem:$0x1E900] =	vst v63  }
0x5f: {  	s16 =	simm.s32 $0x14080  }
0x60: {  	[tilespmem:s0], [sflag:$0x2] =	stream.indirect.gather [hbm4b:s4+s29], $0x80, s16, s29, $0xb8;
	[tilespmem:$0x1E900] =	vst v63  }
0x61: {  	_ =	swait.ge [sflag:s2], $0x4000  }
0x62: {  	[sflag:s2] =	ssyncset.done $0x0  }
0x63: {  	[sflag:s2] =	ssyncadd.s32 $0xFFFFC000  }
0x64: {  	_ =	swait.ge [sflag:s31], $0x80  }
0x65: {  	[sflag:s31] =	ssyncset.done $0x0  }
0x66: {  	[sflag:s31] =	ssyncadd.s32 $0xFFFFFF80  }
0x67: {  	[spmem:s1] =	stream.indirect.scatter.add.f32 [tilespmem:s24], [sflag:$0x3], $0x80, s28, s29, $0xb8;
	[tilespmem:$0x1E900] =	vst v63  }
0x68: {  	_ =	swait.ge [sflag:s8], $0x4000  }
0x69: {  	s17 =	sshrl.u32 s22, $0x3;
	[sflag:s8] =	ssyncset.done $0x0  }
0x6a: {  	s15 =	sadd.s32 s5, s17;
	[sflag:s8] =	ssyncadd.s32 $0xFFFFC000  }
0x6b: {  	[tilespmem:s28], [sflag:$0x5] =	stream.linear.gather [hbm4b:s15+s3], $0x80, $0x38;
	[tilespmem:$0x1E900] =	vst v63  }
0x6c: {  	s18 =	simm.s32 $0x14100  }
0x6d: {  	[tilespmem:s24], [sflag:$0x1] =	stream.indirect.gather [hbm4b:s4+s29], $0x80, s18, s29, $0xb8;
	[tilespmem:$0x1E900] =	vst v63  }
0x6e: {  	_ =	swait.ge [sflag:s9], $0x4000  }
0x6f: {  	[sflag:s9] =	ssyncset.done $0x0  }
0x70: {  	[sflag:s9] =	ssyncadd.s32 $0xFFFFC000  }
0x71: {  	_ =	swait.ge [sflag:s10], $0x80  }
0x72: {  	[sflag:s10] =	ssyncset.done $0x0  }
0x73: {  	[sflag:s10] =	ssyncadd.s32 $0xFFFFFF80  }
0x74: {  	[spmem:s1] =	stream.indirect.scatter.add.f32 [tilespmem:s0], [sflag:$0x4], $0x80, s30, s29, $0xb8;
	[tilespmem:$0x1E900] =	vst v63  }
0x75: {  	s17 =	simm.s32 $0x14200;
	_ =	swait.ge [sflag:s11], $0x4000  }
0x76: {  	s19 =	sadd.s32 $0x0, s23;
	s16 =	sadd.s32 $0x100, s22;
	[sflag:s11] =	ssyncset.done $0x0  }
0x77: {  	s15 =	simm.s32 $0x20;
	s18 =	simm.s32 $0x14180;
	[sflag:s11] =	ssyncadd.s32 $0xFFFFC000  }
0x78: {  	[tilespmem:s30], [sflag:$0x6] =	stream.linear.gather [hbm4b:s19+s3], $0x80, $0x38;
	[tilespmem:$0x1E900] =	vst v63  }
.LBB2_4:
0x79: {  	[tilespmem:s0], [sflag:$0x2] =	stream.indirect.gather [hbm4b:s4+s29], $0x80, s18, s29, $0xb8;
	[tilespmem:$0x1E900] =	vst v63  }
0x7a: {  	s18 =	smov.u32 s15  }
0x7b: {  	p0 =	sne.s32 s15, $0x4A0;
	s15 =	sadd.s32 $0x20, s15;
	_ =	swait.ge [sflag:s2], $0x4000  }
0x7c: {  	[sflag:s2] =	ssyncset.done $0x0  }
0x7d: {  	[sflag:s2] =	ssyncadd.s32 $0xFFFFC000  }
0x7e: {  	_ =	swait.ge [sflag:s31], $0x80  }
0x7f: {  	[sflag:s31] =	ssyncset.done $0x0  }
0x80: {  	[sflag:s31] =	ssyncadd.s32 $0xFFFFFF80  }
0x81: {  	[spmem:s1] =	stream.indirect.scatter.add.f32 [tilespmem:s24], [sflag:$0x3], $0x80, s28, s29, $0xb8;
	[tilespmem:$0x1E900] =	vst v63  }
0x82: {  	_ =	swait.ge [sflag:s8], $0x4000  }
0x83: {  	s19 =	sshrl.u32 s16, $0x3;
	[sflag:s8] =	ssyncset.done $0x0  }
0x84: {  	s19 =	sadd.s32 s5, s19;
	[sflag:s8] =	ssyncadd.s32 $0xFFFFC000  }
0x85: {  	[tilespmem:s28], [sflag:$0x5] =	stream.linear.gather [hbm4b:s19+s3], $0x80, $0x38;
	[tilespmem:$0x1E900] =	vst v63  }
0x86: {  	_ = 	snop  }
0x87: {  	[tilespmem:s24], [sflag:$0x1] =	stream.indirect.gather [hbm4b:s4+s29], $0x80, s17, s29, $0xb8;
	[tilespmem:$0x1E900] =	vst v63  }
0x88: {  	_ =	swait.ge [sflag:s9], $0x4000  }
0x89: {  	[sflag:s9] =	ssyncset.done $0x0  }
0x8a: {  	[sflag:s9] =	ssyncadd.s32 $0xFFFFC000  }
0x8b: {  	_ =	swait.ge [sflag:s10], $0x80  }
0x8c: {  	[sflag:s10] =	ssyncset.done $0x0  }
0x8d: {  	[sflag:s10] =	ssyncadd.s32 $0xFFFFFF80  }
0x8e: {  	[spmem:s1] =	stream.indirect.scatter.add.f32 [tilespmem:s0], [sflag:$0x4], $0x80, s30, s29, $0xb8;
	[tilespmem:$0x1E900] =	vst v63  }
.Ltmp1:
0x8f: {  	_ =	swait.ge [sflag:s11], $0x4000;
	(pc) =	sbr.rel @p0 .LBB2_4-.Ltmp1, $4  }
0x90: {  	[sflag:s11] =	ssyncset.done $0x0  }
0x91: {  	s18 =	sadd.s32 s18, s23;
	[sflag:s11] =	ssyncadd.s32 $0xFFFFC000  }
0x92: {  	[tilespmem:s30], [sflag:$0x6] =	stream.linear.gather [hbm4b:s18+s3], $0x80, $0x38;
	[tilespmem:$0x1E900] =	vst v63  }
0x93: {  	s16 =	sadd.s32 $0x100, s16;
	s18 =	sadd.s32 $0x80, s17;
	s17 =	sadd.s32 $0x100, s17  }
0x94: {  	[tilespmem:s0], [sflag:$0x2] =	stream.indirect.gather [hbm4b:s4+s29], $0x80, s18, s29, $0xb8;
	[tilespmem:$0x1E900] =	vst v63  }
0x95: {  	_ =	swait.ge [sflag:s2], $0x4000  }
0x96: {  	[sflag:s2] =	ssyncset.done $0x0  }
0x97: {  	[sflag:s2] =	ssyncadd.s32 $0xFFFFC000  }
0x98: {  	_ =	swait.ge [sflag:s31], $0x80  }
0x99: {  	[sflag:s31] =	ssyncset.done $0x0  }
0x9a: {  	[sflag:s31] =	ssyncadd.s32 $0xFFFFFF80  }
0x9b: {  	[spmem:s1] =	stream.indirect.scatter.add.f32 [tilespmem:s24], [sflag:$0x3], $0x80, s28, s29, $0xb8;
	[tilespmem:$0x1E900] =	vst v63  }
0x9c: {  	_ =	swait.ge [sflag:s8], $0x4000  }
0x9d: {  	[sflag:s8] =	ssyncset.done $0x0  }
0x9e: {  	[sflag:s8] =	ssyncadd.s32 $0xFFFFC000  }
0x9f: {  	_ =	swait.ge [sflag:s9], $0x4000  }
0xa0: {  	[sflag:s9] =	ssyncset.done $0x0  }
0xa1: {  	[sflag:s9] =	ssyncadd.s32 $0xFFFFC000  }
0xa2: {  	_ =	swait.ge [sflag:s10], $0x80  }
0xa3: {  	[sflag:s10] =	ssyncset.done $0x0  }
0xa4: {  	[sflag:s10] =	ssyncadd.s32 $0xFFFFFF80  }
0xa5: {  	[spmem:s1] =	stream.indirect.scatter.add.f32 [tilespmem:s0], [sflag:$0x4], $0x80, s30, s29, $0xb8;
	[tilespmem:$0x1E900] =	vst v63  }
0xa6: {  	_ =	swait.ge [sflag:s11], $0x4000  }
0xa7: {  	[sflag:s11] =	ssyncset.done $0x0  }
0xa8: {  	s15 =	rddreg [dreg:$0x6];
	[sflag:s11] =	ssyncadd.s32 $0xFFFFC000  }
0xa9: {  	[tilespmem:s12], [sflag:$0x7] =	stream.linear.gather [hbm4b:s15+s3], $0x10, $0x38;
	[tilespmem:$0x1E900] =	vst v63  }
0xaa: {  	_ =	swait.ge [sflag:s25], $0x10  }
0xab: {  	[sflag:s25] =	ssyncset.done $0x0  }
0xac: {  	s17 =	simm.s32 $0x16700;
	[sflag:s25] =	ssyncadd.s32 $0xFFFFFFF0  }
0xad: {  	[tilespmem:s24], [sflag:$0x1] =	stream.indirect.gather [hbm4b:s4+s13], $0x80, s17, s13, $0xb8;
	[tilespmem:$0x1E900] =	vst v63  }
0xae: {  	_ =	swait.ge [sflag:s2], $0x800  }
0xaf: {  	[sflag:s2] =	ssyncset.done $0x0  }
0xb0: {  	[sflag:s2] =	ssyncadd.s32 $0xFFFFF800  }
0xb1: {  	[spmem:s1] =	stream.indirect.scatter.add.f32 [tilespmem:s24], [sflag:$0x7], $0x80, s12, s13, $0xb8;
	[tilespmem:$0x1E900] =	vst v63  }
0xb2: {  	_ =	swait.ge [sflag:s25], $0x800  }
0xb3: {  	[sflag:s25] =	ssyncset.done $0x0  }
0xb4: {  	s18 =	stileid.u32;
	[sflag:s25] =	ssyncadd.s32 $0xFFFFF800  }
0xb5: {  	s15 =	sshll.u32 s18, $0x6;
	[bflag:$0x0] =	sbarrier.arrive $0xFFFF  }
0xb6: {  	s16 =	sshrl.u32 s6, $0x3;
	s15 =	sor.u32 $0x1C07, s15;
	s17 =	rddreg [dreg:$0x7]  }
0xb7: {  	[hbm:s17], [sflag:s15] =	dma.local [spmem:s16], $0x2800  }
0xb8: {  	_ =	swait.ge [sflag:s25], $0x2800  }
0xb9: {  	s14 =	sadd.s32 $0x1, s14;
	s19 =	rddreg [dreg:$0x8]  }
0xba: {  	p0 =	sne.s32 s14, s19  }
.Ltmp2:
0xbb: {  	_ = 	snop;
	(pc) =	sbr.rel @p0 .LBB2_1-.Ltmp2, $3  }
0xbc: {  	_ =	sdelay $0x1  }
0xbd: {  	[sflag:s25] =	ssyncset.done $0x0  }
0xbe: {  	[sflag:s25] =	ssyncadd.s32 $0xFFFFD800  }
0xbf: {  	_ =	sfence.sel $0x180000  }
0xc0: {  	[bflag:$0x0] =	sbarrier.arrive $0xFFFF  }
0xc1: {  	_ =	strace $0x9000004A  }
0xc2: {  	s0 =	stileid.u32;
	[bflag:$0x2] =	sbarrier.arrive $0xFFFF  }
0xc3: {  	p0 =	sne.s32 s0, $0x0;
	s0 =	rddreg [dreg:$0x3]  }
0xc4: {  	s0 =	sadd.s32 @!p0 $0x100000, s0  }
0xc5: {  	[sflag:s0] =	ssyncadd.tile.s32 @!p0 $0x1;
	_ =	shalt  }
.Lfunc_end2:
_tile_overlayer_lowered:
.L_overlay_start_2:
0xc6: {  	(tag) =	ssettag $0x2  }
0xc7: {  	s0 =	rddreg [dreg:$0x0];
	s2 =	stileid.u32  }
0xc8: {  	s1 =	rddreg [dreg:$0x1];
	p0 =	sne.s32 s2, $0x0  }
0xc9: {  	s3 =	rddreg [dreg:$0x2];
	[bflag:$0x3] =	sbarrier.arrive $0xFFFF;
	s2 =	simm.s32 @!p0 $0x1C07  }
0xca: {  	[timem:s3], [sflag:s2] =	dma.local @!p0 [hbm:s0], s1  }
0xcb: {  	s0 =	simm.s32 @!p0 $0x7  }
0xcc: {  	_ =	swait.ge @!p0 [sflag:s0], s1  }
0xcd: {  	s1 =	ssub.s32 @!p0 $0x0, s1;
	[sflag:s0] =	ssyncset.done @!p0 $0x0  }
0xce: {  	[sflag:s0] =	ssyncadd.s32 @!p0 s1  }
0xcf: {  	[bflag:$0x3] =	sbarrier.arrive $0xFFFF  }
0xd0: {  	_ =	shalt  }

// kernel: kernel.14.cloned.1.call-start
scs
__scs_entry_jumppad:
0x0: {  	(pc) =	sbr.rel $0x88, $3  }
0x1: {  	(tag) =	ssettag $0x0;
	lr =	simm.s32 $0x1  }
0x2: {  	[smem:$0x3F91] =	sst lr;
	_ =	strace $0xD0000000  }
0x3: {  	_ = 	snop  }
0x4: {  	_ = 	snop  }
0x5: {  	_ = 	snop  }
0x6: {  	_ = 	snop  }
0x7: {  	_ = 	snop  }
__scs_overlays_trampoline_lowered:
0x8: {  	[smem:$0x3FA0] =	sst s0  }
0x9: {  	[smem:$0x3FA1] =	sst s1  }
0xa: {  	[smem:$0x3FA2] =	sst s2  }
0xb: {  	[smem:$0x3FA3] =	sst s3  }
0xc: {  	[smem:$0x3FA4] =	sst s4  }
0xd: {  	[smem:$0x3FA5] =	sst s5  }
0xe: {  	[smem:$0x3FA6] =	sst s6  }
0xf: {  	[smem:$0x3FA7] =	sst s7  }
0x10: {  	[smem:$0x3FA8] =	sst s8  }
0x11: {  	[smem:$0x3FA9] =	sst s9;
	s0 =	simm.s32 @!p0 $0x0  }
0x12: {  	s1 =	sld [smem:$0x3F8F];
	s0 =	simm.s32 @p0 $0x1  }
0x13: {  	[smem:$0x3FAA] =	sst s0;
	s0 =	simm.s32 @!p1 $0x0  }
0x14: {  	s2 =	sld [smem:$0x3F8E];
	s0 =	simm.s32 @p1 $0x1  }
0x15: {  	[smem:$0x3FAB] =	sst s0;
	s0 =	simm.s32 @!p2 $0x0  }
0x16: {  	s3 =	sld [smem:$0x3FDB];
	s0 =	simm.s32 @p2 $0x1  }
0x17: {  	s4 =	simm.s32 $0x1BF5;
	[smem:$0x3FAD] =	sst s0  }
0x18: {  	s0 =	sld [smem:$0x3F90];
	_ =	swait.ge [sflag:s4], $0x0  }
0x19: {  	s7 =	sld [smem:$0x3F91]  }
0x1a: {  	s8 =	sadd.s32 $0xFFFFE003, lr  }
0x1b: {  	s9 =	sadd.s32 $0xFFFFFEF7, lr;
	s5 =	simm.s32 $0xFFFFFFFF;
	p2 =	slt.u32 s8, $0xFFFFF086  }
0x1c: {  	p1 =	slt.u32 s9, $0xF7A;
	s5 =	simm.s32 @!p2 $0x0  }
0x1d: {  	s5 =	simm.s32 @p1 $0x1;
	p0 =	seq.s32 s7, s2  }
0x1e: {  	s7 =	smul.u32 @!p0 $0xF7A, s2;
	p2 =	seq.s32 @!p0 s5, $0x0  }
0x1f: {  	s9 =	smul.u32 $0xF7A, s1;
	s8 =	simm.s32 @!p0 $0x1BF5;
	p2 =	por !p2, p0  }
0x20: {  	[sflag:s8] =	ssyncset.s32 @!p0 $0xFFFFF086;
	s6 =	sadd.s32 @!p0 s3, s7;
	s7 =	simm.s32 @!p0 $0x108  }
0x21: {  	s3 =	sadd.s32 s3, s9;
	s6 =	sadd.s32 @!p0 $0x88, s6;
	s7 =	simm.s32 @p2 $0x1082  }
0x22: {  	[simem:s7], [sflag:s8] =	dma.local @!p0 [hbm:s6], $0xF7A  }
0x23: {  	s9 =	sor.u32 $0xD0000000, s2;
	s6 =	simm.s32 $0x108;
	_ =	swait.ge @!p0 [sflag:s8], $0x0  }
0x24: {  	s3 =	sadd.s32 $0x88, s3;
	s6 =	simm.s32 @!p1 $0x1082;
	[sflag:s4] =	ssyncset.s32 $0xFFFFF086  }
0x25: {  	[simem:s6], [sflag:s4] =	dma.local [hbm:s3], $0xF7A  }
0x26: {  	[smem:$0x3F91] =	sst s1;
	(tag) =	ssettag s2;
	_ =	strace s9  }
0x27: {  	s1 =	sld [smem:$0x3FA1]  }
0x28: {  	s2 =	sld [smem:$0x3FA2]  }
0x29: {  	s4 =	sld [smem:$0x3FA4]  }
0x2a: {  	p0 =	seq.s32 s5, $0x0;
	s5 =	sld [smem:$0x3FA5]  }
0x2b: {  	s6 =	sld [smem:$0x3FA6]  }
0x2c: {  	s7 =	sld [smem:$0x3FA7]  }
0x2d: {  	s3 =	simm.s32 $0x108;
	s8 =	sld [smem:$0x3FA8]  }
0x2e: {  	s3 =	simm.s32 @!p0 $0x1082;
	s9 =	sld [smem:$0x3FA9]  }
0x2f: {  	lr =	sadd.s32 s0, s3;
	s0 =	sld [smem:$0x3FA0]  }
0x30: {  	s3 =	sld [smem:$0x3FA3]  }
0x31: {  	[smem:$0x3FAC] =	sst s10  }
0x32: {  	s10 =	sld [smem:$0x3FAA];
	_ =	sdelay $0x3  }
0x33: {  	p0 =	seq.s32 s10, $0x1;
	s10 =	sld [smem:$0x3FAC];
	_ =	sdelay $0x3  }
0x34: {  	[smem:$0x3FAC] =	sst s10  }
0x35: {  	s10 =	sld [smem:$0x3FAB];
	_ =	sdelay $0x3  }
0x36: {  	p1 =	seq.s32 s10, $0x1;
	s10 =	sld [smem:$0x3FAC];
	_ =	sdelay $0x3  }
0x37: {  	[smem:$0x3FAC] =	sst s10  }
0x38: {  	s10 =	sld [smem:$0x3FAD]  }
0x39: {  	_ = 	snop;
	(pc) =	sbr.ind lr, $3  }
0x3a: {  	_ = 	snop  }
0x3b: {  	_ = 	snop  }
0x3c: {  	p2 =	seq.s32 s10, $0x1;
	s10 =	sld [smem:$0x3FAC]  }
0x3d: {  	_ =	shalt  }
0x3e: {  	_ =	shalt  }
0x3f: {  	_ =	shalt  }
0x40: {  	_ =	shalt  }
0x41: {  	_ =	shalt  }
0x42: {  	_ =	shalt  }
0x43: {  	_ =	shalt  }
0x44: {  	_ =	shalt  }
0x45: {  	_ =	shalt  }
0x46: {  	_ =	shalt  }
0x47: {  	_ =	shalt  }
0x48: {  	_ =	shalt  }
0x49: {  	_ =	shalt  }
0x4a: {  	_ =	shalt  }
0x4b: {  	_ =	shalt  }
0x4c: {  	_ =	shalt  }
0x4d: {  	_ =	shalt  }
0x4e: {  	_ =	shalt  }
0x4f: {  	_ =	shalt  }
0x50: {  	_ =	shalt  }
0x51: {  	_ =	shalt  }
0x52: {  	_ =	shalt  }
0x53: {  	_ =	shalt  }
0x54: {  	_ =	shalt  }
0x55: {  	_ =	shalt  }
0x56: {  	_ =	shalt  }
0x57: {  	_ =	shalt  }
0x58: {  	_ =	shalt  }
0x59: {  	_ =	shalt  }
0x5a: {  	_ =	shalt  }
0x5b: {  	_ =	shalt  }
0x5c: {  	_ =	shalt  }
0x5d: {  	_ =	shalt  }
0x5e: {  	_ =	shalt  }
0x5f: {  	_ =	shalt  }
0x60: {  	_ =	shalt  }
0x61: {  	_ =	shalt  }
0x62: {  	_ =	shalt  }
0x63: {  	_ =	shalt  }
0x64: {  	_ =	shalt  }
0x65: {  	_ =	shalt  }
0x66: {  	_ =	shalt  }
0x67: {  	_ =	shalt  }
0x68: {  	_ =	shalt  }
0x69: {  	_ =	shalt  }
0x6a: {  	_ =	shalt  }
0x6b: {  	_ =	shalt  }
0x6c: {  	_ =	shalt  }
0x6d: {  	_ =	shalt  }
0x6e: {  	_ =	shalt  }
0x6f: {  	_ =	shalt  }
0x70: {  	_ =	shalt  }
0x71: {  	_ =	shalt  }
0x72: {  	_ =	shalt  }
0x73: {  	_ =	shalt  }
0x74: {  	_ =	shalt  }
0x75: {  	_ =	shalt  }
0x76: {  	_ =	shalt  }
0x77: {  	_ =	shalt  }
0x78: {  	_ =	shalt  }
0x79: {  	_ =	shalt  }
0x7a: {  	_ =	shalt  }
0x7b: {  	_ =	shalt  }
0x7c: {  	_ =	shalt  }
0x7d: {  	_ =	shalt  }
0x7e: {  	_ =	shalt  }
0x7f: {  	_ =	shalt  }
0x80: {  	_ =	shalt  }
0x81: {  	_ =	shalt  }
0x82: {  	_ =	shalt  }
0x83: {  	_ =	shalt  }
0x84: {  	_ =	shalt  }
0x85: {  	_ =	shalt  }
0x86: {  	_ =	shalt  }
0x87: {  	_ =	shalt  }
.Lfunc_end0:
.L_simem_size_0:
called_computation.2_lowered:
.L_overlay_start_0:
0x88: {  	s2 =	sld [smem:$0x3FD9]  }
0x89: {  	s3 =	sld [smem:$0x3FFE];
	_ =	sdelay $0x1  }
0x8a: {  	s1 =	srdreg.scid  }
0x8b: {  	s0 =	sand.u32 $0x1, s1  }
0x8c: {  	s14 =	sshll.u32 s0, $0xA;
	s2 =	sadd.s32 s3, s2  }
0x8d: {  	s2 =	sadd.s32 s2, s14  }
0x8e: {  	[smem:$0x3FB8] =	sst s2  }
0x8f: {  	_ = 	snop  }
0x90: {  	s2 =	sld [smem:$0x3FD0];
	_ =	sdelay $0x2  }
0x91: {  	s15 =	simm.s32 $0xA;
	s4 =	simm.s32 $0x10  }
0x92: {  	[smem:s4], [sflag:s15] =	dma.local [hbm:s2], $0x1  }
0x93: {  	_ =	swait.eq [sflag:s15], $0x1  }
0x94: {  	[sflag:s15] =	ssyncset.done $0x0  }
0x95: {  	[sflag:s15] =	ssyncadd.s32 $0xFFFFFFFF  }
0x96: {  	s16 =	sld [smem:$0x10];
	(tm) =	ssettm $0x1  }
0x97: {  	s17 =	sld [smem:$0x3FFB];
	_ =	sdelay $0x3  }
0x98: {  	_ =	strace s17  }
0x99: {  	s3 =	sld [smem:$0x3FFC];
	_ =	sdelay $0x3  }
0x9a: {  	_ =	strace s3  }
0x9b: {  	s3 =	sld [smem:$0x3FFD];
	_ =	sdelay $0x3  }
0x9c: {  	_ =	strace s3  }
0x9d: {  	_ =	strace $0x8FFFFFFF  }
0x9e: {  	s18 =	sld [smem:$0x3FDB];
	_ =	sdelay $0x1  }
0x9f: {  	s19 =	simm.s32 $_scs_section_size  }
0xa0: {  	s5 =	simm.s32 $_size__tile_overlayer_lowered;
	s6 =	simm.s32 $_tile_overlayer_lowered  }
0xa1: {  	s22 =	simm.s32 $0x1BFF;
	s21 =	sshll.u32 s6, $0x1;
	s3 =	sadd.s32 s19, s18  }
0xa2: {  	s7 =	simm.s32 $0x0;
	s20 =	sshll.u32 s5, $0x1;
	s5 =	sadd.s32 s21, s3  }
0xa3: {  	[timem:s7], [sflag:s22] =	dma.local [hbm:s5], s20  }
0xa4: {  	_ =	swait.ge [sflag:s22], s20  }
0xa5: {  	s4 =	ssub.s32 $0x0, s20;
	[sflag:s22] =	ssyncset.done $0x0  }
0xa6: {  	[sflag:s22] =	ssyncadd.s32 s4;
	_ =	sdelay $0x1  }
0xa7: {  	s23 =	simm.s32 $0x1B8B  }
0xa8: {  	_ =	swait.ge [sflag:s23], $0x1  }
0xa9: {  	[sflag:s23] =	ssyncset.done $0x0  }
0xaa: {  	s25 =	simm.s32 $0x1B8E;
	s24 =	sld [smem:$0x3FFE];
	[sflag:s23] =	ssyncadd.s32 $0xFFFFFFFF  }
0xab: {  	s26 =	simm.s32 $execute0_lowered;
	[smem:$0x3FD2] =	sst s25  }
0xac: {  	s5 =	sshll.u32 s26, $0x1;
	_ =	strace $0x8000004C;
	[dreg:$0x1] =	wrdreg $0xFFFFFFFF  }
0xad: {  	s28 =	simm.s32 $_size_execute0_lowered;
	s3 =	sadd.s32 s3, s5;
	[dreg:$0x0] =	wrdreg $0x0  }
0xae: {  	s5 =	sshll.u32 s28, $0x1;
	[dreg:$0x2] =	wrdreg s3  }
0xaf: {  	[dreg:$0x3] =	wrdreg s5  }
0xb0: {  	[dreg:$0x4] =	wrdreg $0xC0  }
0xb1: {  	_ =	task [dreg:s7], $0x5FFFF  }
0xb2: {  	[dreg:$0x1] =	wrdreg $0xFFFFFFFF  }
0xb3: {  	[dreg:$0x0] =	wrdreg $0x60  }
0xb4: {  	[dreg:$0x2] =	wrdreg s24  }
0xb5: {  	[dreg:$0x3] =	wrdreg s16  }
0xb6: {  	[dreg:$0x4] =	wrdreg $0x0  }
0xb7: {  	[dreg:$0x5] =	wrdreg $0x9  }
0xb8: {  	_ =	task.clear_ibuf [dreg:s7], $0x6FFFF;
	_ =	strace $0x9000004C  }
0xb9: {  	s29 =	simm.s32 $0x9;
	_ =	strace $0x8000004E  }
0xba: {  	_ =	swait.ge [sflag:s29], $0x1  }
0xbb: {  	[sflag:s29] =	ssyncadd.s32 $0xFFFFFFFF  }
0xbc: {  	_ =	strace $0x9000004E  }
0xbd: {  	_ =	sfence  }
0xbe: {  	s30 =	sld [smem:$0x0];
	_ =	sdelay $0x2  }
0xbf: {  	s31 =	sshll.u32 s1, $0xD;
	s1 =	sshrl.u32 s1, $0x2  }
0xc0: {  	s3 =	sand.u32 $0x4000, s31;
	s1 =	sadd.s32 s1, s30  }
0xc1: {  	s0 =	sor.u32 s3, s0;
	s1 =	sshll.u32 s1, $0x11  }
0xc2: {  	s0 =	sor.u32 s1, s0  }
0xc3: {  	s0 =	sadd.s32 $0x8F2B, s0  }
0xc4: {  	[sflag:s0] =	ssyncadd.remote.s32 $0x1  }
0xc5: {  	_ =	sfence.sel $0xFFFF  }
0xc6: {  	[dreg:$0x0] =	wrdreg $0xFFFFFFFF;
	(pc) =	sbr.abs _section_cstart, $3  }
0xc7: {  	[dreg:$0x1] =	wrdreg $0xFFFFFFFF  }
0xc8: {  	_ =	task.clear_ibuf [dreg:s7], $0x2FFFF;
	_ =	strace $0x9FFFFFFF  }
0xc9: {  	(tm) =	ssettm $0x7FFFFFFF  }
tec
execute0_lowered:
.L_overlay_start_1:
0x0: {  	(tag) =	ssettag $0x1  }
0x1: {  	s0 =	rddreg [dreg:$0x0]  }
0x2: {  	s2 =	rddreg [dreg:$0x1]  }
0x3: {  	s1 =	rddreg [dreg:$0x2];
	s12 =	stileid.u32  }
0x4: {  	s3 =	srdreg.scid;
	s6 =	smul.u32 $0x2800, s12  }
0x5: {  	s28 =	simm.s32 $0x16780;
	s29 =	simm.s32 $0x80;
	s9 =	smul.u32 $0x50000, s12  }
0x6: {  	s30 =	simm.s32 $0x16800;
	s8 =	sand.u32 $0x1, s3;
	s17 =	smul.u32 $0x2710, s12  }
0x7: {  	s31 =	simm.s32 $0x5;
	s3 =	simm.s32 $0x0;
	s5 =	smul.u32 $0x28000, s8  }
0x8: {  	[smem:$0x7FF] =	sst s3;
	s4 =	sshll.u32 s8, $0x4;
	s13 =	ssub.s32 $0x2, s8  }
0x9: {  	s15 =	smul.u32 $0x27100, s8;
	s8 =	simm.s32 $0x3;
	_ =	strace $0x8000004D  }
0xa: {  	s7 =	sor.u32 s12, s4;
	s4 =	sadd.s32 $0xD000, s0;
	s10 =	sshrl.u32 s13, $0x1  }
0xb: {  	s9 =	sshrl.u32 s9, $0x2;
	s6 =	sadd.s32 s6, s5;
	s10 =	ssub.s32 s13, s10  }
0xc: {  	s5 =	sadd.s32 $0x3200, s0;
	s0 =	sadd.s32 s6, s0;
	s18 =	smax.u32 s10, $0x1  }
0xd: {  	s6 =	sadd.s32 s9, s1;
	s0 =	sadd.s32 $0x35000, s0;
	[dreg:$0x8] =	wrdreg s18  }
0xe: {  	s12 =	simm.s32 $0x16880;
	s19 =	sadd.s32 $0x2000, s6;
	[dreg:$0x7] =	wrdreg s0  }
0xf: {  	s7 =	smul.u32 $0x2710, s7;
	s20 =	sadd.s32 $0x4000, s6;
	[dreg:$0x9] =	wrdreg s19  }
0x10: {  	s13 =	simm.s32 $0x10;
	s21 =	sadd.s32 $0x6000, s6;
	[dreg:$0xa] =	wrdreg s20  }
0x11: {  	s9 =	simm.s32 $0x2;
	s22 =	sadd.s32 $0x8000, s6;
	[dreg:$0xb] =	wrdreg s21  }
0x12: {  	s10 =	simm.s32 $0x6;
	s23 =	sadd.s32 $0xA000, s6;
	[dreg:$0xc] =	wrdreg s22  }
0x13: {  	s11 =	sshrl.u32 s7, $0x3;
	s24 =	sadd.s32 $0xC000, s6;
	[dreg:$0xd] =	wrdreg s23  }
0x14: {  	s26 =	sadd.s32 $0xE000, s6;
	s7 =	sadd.s32 s5, s11;
	[dreg:$0xe] =	wrdreg s24  }
0x15: {  	s2 =	sadd.s32 s2, s11;
	s0 =	sadd.s32 s17, s15;
	[dreg:$0xf] =	wrdreg s26  }
0x16: {  	s20 =	sadd.s32 $0x10000, s6;
	s21 =	sadd.s32 $0x12000, s6;
	s24 =	simm.s32 $0x16900  }
0x17: {  	s26 =	simm.s32 $0x14000;
	s11 =	simm.s32 $0x4;
	[dreg:$0x4] =	wrdreg s2  }
0x18: {  	s14 =	sadd.s32 $0x10, s7;
	s16 =	sadd.s32 $0x4E0, s7;
	s25 =	sadd.s32 $0x180, s0  }
0x19: {  	s22 =	sadd.s32 $0x100, s0;
	s0 =	simm.s32 $0x1A900;
	[dreg:$0x5] =	wrdreg s14  }
0x1a: {  	[dreg:$0x6] =	wrdreg s16;
	s2 =	sshrl.u32 s25, $0x3;
	s25 =	simm.s32 $0x7  }
0x1b: {  	v0 =	vimm.f32 $0.0e+00;
	s14 =	simm.s32 $0x0;
	s23 =	sadd.s32 s2, s5;
	s2 =	simm.s32 $0x1  }
.LBB2_1:
0x1c: {  	s15 =	simm.s32 $0x0;
	s16 =	simm.s32 $0x200  }
.LBB2_2:
0x1d: {  	p0 =	sne.s32 s16, $0x7E00;
	[tilespmem:s15+$0x16970] =	vst v0  }
0x1e: {  	[tilespmem:s15+$0x16900] =	vst v0  }
0x1f: {  	[tilespmem:s15+$0x16910] =	vst v0  }
.Ltmp0:
0x20: {  	[tilespmem:s15+$0x16920] =	vst v0;
	(pc) =	sbr.rel @p0 .LBB2_2-.Ltmp0, $4  }
0x21: {  	[tilespmem:s15+$0x16930] =	vst v0  }
0x22: {  	[tilespmem:s15+$0x16940] =	vst v0  }
0x23: {  	[tilespmem:s15+$0x16950] =	vst v0  }
0x24: {  	[tilespmem:s15+$0x16960] =	vst v0;
	s15 =	sshra.s32 s16, $0x2;
	s16 =	sadd.s32 $0x200, s16  }
0x25: {  	[tilespmem:s15+$0x16970] =	vst v0  }
0x26: {  	[tilespmem:s15+$0x16900] =	vst v0  }
0x27: {  	[tilespmem:s15+$0x16910] =	vst v0  }
0x28: {  	[tilespmem:s15+$0x16920] =	vst v0  }
0x29: {  	[tilespmem:s15+$0x16930] =	vst v0  }
0x2a: {  	[tilespmem:s15+$0x16940] =	vst v0  }
0x2b: {  	[tilespmem:s15+$0x16950] =	vst v0  }
0x2c: {  	[tilespmem:s15+$0x16960] =	vst v0  }
0x2d: {  	[spmem:s6] =	stream.linear.scatter [tilespmem:s24], [sflag:$0x7], $0x2000, $0x38;
	[tilespmem:$0x1E900] =	vst v63  }
0x2e: {  	_ =	swait.ge [sflag:s25], $0x2000  }
0x2f: {  	[sflag:s25] =	ssyncset.done $0x0  }
0x30: {  	s19 =	rddreg [dreg:$0x9];
	[sflag:s25] =	ssyncadd.s32 $0xFFFFE000  }
0x31: {  	[spmem:s19] =	stream.linear.scatter [tilespmem:s24], [sflag:$0x7], $0x2000, $0x38;
	[tilespmem:$0x1E900] =	vst v63  }
0x32: {  	_ =	swait.ge [sflag:s25], $0x2000  }
0x33: {  	[sflag:s25] =	ssyncset.done $0x0  }
0x34: {  	s16 =	rddreg [dreg:$0xa];
	[sflag:s25] =	ssyncadd.s32 $0xFFFFE000  }
0x35: {  	[spmem:s16] =	stream.linear.scatter [tilespmem:s24], [sflag:$0x7], $0x2000, $0x38;
	[tilespmem:$0x1E900] =	vst v63  }
0x36: {  	_ =	swait.ge [sflag:s25], $0x2000  }
0x37: {  	[sflag:s25] =	ssyncset.done $0x0  }
0x38: {  	s17 =	rddreg [dreg:$0xb];
	[sflag:s25] =	ssyncadd.s32 $0xFFFFE000  }
0x39: {  	[spmem:s17] =	stream.linear.scatter [tilespmem:s24], [sflag:$0x7], $0x2000, $0x38;
	[tilespmem:$0x1E900] =	vst v63  }
0x3a: {  	_ =	swait.ge [sflag:s25], $0x2000  }
0x3b: {  	[sflag:s25] =	ssyncset.done $0x0  }
0x3c: {  	s18 =	rddreg [dreg:$0xc];
	[sflag:s25] =	ssyncadd.s32 $0xFFFFE000  }
0x3d: {  	[spmem:s18] =	stream.linear.scatter [tilespmem:s24], [sflag:$0x7], $0x2000, $0x38;
	[tilespmem:$0x1E900] =	vst v63  }
0x3e: {  	_ =	swait.ge [sflag:s25], $0x2000  }
0x3f: {  	[sflag:s25] =	ssyncset.done $0x0  }
0x40: {  	s19 =	rddreg [dreg:$0xd];
	[sflag:s25] =	ssyncadd.s32 $0xFFFFE000  }
0x41: {  	[spmem:s19] =	stream.linear.scatter [tilespmem:s24], [sflag:$0x7], $0x2000, $0x38;
	[tilespmem:$0x1E900] =	vst v63  }
0x42: {  	_ =	swait.ge [sflag:s25], $0x2000  }
0x43: {  	[sflag:s25] =	ssyncset.done $0x0  }
0x44: {  	s16 =	rddreg [dreg:$0xe];
	[sflag:s25] =	ssyncadd.s32 $0xFFFFE000  }
0x45: {  	[spmem:s16] =	stream.linear.scatter [tilespmem:s24], [sflag:$0x7], $0x2000, $0x38;
	[tilespmem:$0x1E900] =	vst v63  }
0x46: {  	_ =	swait.ge [sflag:s25], $0x2000  }
0x47: {  	[sflag:s25] =	ssyncset.done $0x0  }
0x48: {  	s17 =	rddreg [dreg:$0xf];
	[sflag:s25] =	ssyncadd.s32 $0xFFFFE000  }
0x49: {  	[spmem:s17] =	stream.linear.scatter [tilespmem:s24], [sflag:$0x7], $0x2000, $0x38;
	[tilespmem:$0x1E900] =	vst v63  }
0x4a: {  	_ =	swait.ge [sflag:s25], $0x2000  }
0x4b: {  	[sflag:s25] =	ssyncset.done $0x0  }
0x4c: {  	[sflag:s25] =	ssyncadd.s32 $0xFFFFE000  }
0x4d: {  	[spmem:s20] =	stream.linear.scatter [tilespmem:s24], [sflag:$0x7], $0x2000, $0x38;
	[tilespmem:$0x1E900] =	vst v63  }
0x4e: {  	_ =	swait.ge [sflag:s25], $0x2000  }
0x4f: {  	[sflag:s25] =	ssyncset.done $0x0  }
0x50: {  	[sflag:s25] =	ssyncadd.s32 $0xFFFFE000  }
0x51: {  	[spmem:s21] =	stream.linear.scatter [tilespmem:s24], [sflag:$0x7], $0x2000, $0x38;
	[tilespmem:$0x1E900] =	vst v63  }
0x52: {  	_ =	swait.ge [sflag:s25], $0x2000  }
0x53: {  	[sflag:s25] =	ssyncset.done $0x0  }
0x54: {  	s18 =	simm.s32 $0x0;
	s16 =	rddreg [dreg:$0x4];
	[sflag:s25] =	ssyncadd.s32 $0xFFFFE000  }
0x55: {  	[tilespmem:s26], [sflag:$0x7] =	stream.linear.gather [hbm4b:s16+s18], $0x2710, $0x38;
	[tilespmem:$0x1E900] =	vst v63  }
0x56: {  	_ =	swait.ge [sflag:s25], $0x2710  }
0x57: {  	[sflag:s25] =	ssyncset.done $0x0  }
0x58: {  	[sflag:s25] =	ssyncadd.s32 $0xFFFFD8F0  }
0x59: {  	[bflag:$0x0] =	sbarrier.arrive $0xFFFF  }
0x5a: {  	[tilespmem:s28], [sflag:$0x5] =	stream.linear.gather [hbm4b:s7+s18], $0x80, $0x38;
	[tilespmem:$0x1E900] =	vst v63  }
0x5b: {  	_ = 	snop  }
0x5c: {  	[tilespmem:s24], [sflag:$0x1] =	stream.indirect.gather [hbm4b:s4+s29], $0x80, s26, s29, $0xb8;
	[tilespmem:$0x1E900] =	vst v63  }
0x5d: {  	s19 =	rddreg [dreg:$0x5]  }
0x5e: {  	[tilespmem:s30], [sflag:$0x6] =	stream.linear.gather [hbm4b:s19+s18], $0x80, $0x38;
	[tilespmem:$0x1E900] =	vst v63  }
0x5f: {  	s16 =	simm.s32 $0x14080  }
0x60: {  	[tilespmem:s0], [sflag:$0x2] =	stream.indirect.gather [hbm4b:s4+s29], $0x80, s16, s29, $0xb8;
	[tilespmem:$0x1E900] =	vst v63  }
0x61: {  	_ =	swait.ge [sflag:s2], $0x4000  }
0x62: {  	[sflag:s2] =	ssyncset.done $0x0  }
0x63: {  	[sflag:s2] =	ssyncadd.s32 $0xFFFFC000  }
0x64: {  	_ =	swait.ge [sflag:s31], $0x80  }
0x65: {  	[sflag:s31] =	ssyncset.done $0x0  }
0x66: {  	[sflag:s31] =	ssyncadd.s32 $0xFFFFFF80  }
0x67: {  	[spmem:s1] =	stream.indirect.scatter.add.f32 [tilespmem:s24], [sflag:$0x3], $0x80, s28, s29, $0xb8;
	[tilespmem:$0x1E900] =	vst v63  }
0x68: {  	_ =	swait.ge [sflag:s8], $0x4000  }
0x69: {  	s17 =	sshrl.u32 s22, $0x3;
	[sflag:s8] =	ssyncset.done $0x0  }
0x6a: {  	s15 =	sadd.s32 s5, s17;
	[sflag:s8] =	ssyncadd.s32 $0xFFFFC000  }
0x6b: {  	[tilespmem:s28], [sflag:$0x5] =	stream.linear.gather [hbm4b:s15+s3], $0x80, $0x38;
	[tilespmem:$0x1E900] =	vst v63  }
0x6c: {  	s18 =	simm.s32 $0x14100  }
0x6d: {  	[tilespmem:s24], [sflag:$0x1] =	stream.indirect.gather [hbm4b:s4+s29], $0x80, s18, s29, $0xb8;
	[tilespmem:$0x1E900] =	vst v63  }
0x6e: {  	_ =	swait.ge [sflag:s9], $0x4000  }
0x6f: {  	[sflag:s9] =	ssyncset.done $0x0  }
0x70: {  	[sflag:s9] =	ssyncadd.s32 $0xFFFFC000  }
0x71: {  	_ =	swait.ge [sflag:s10], $0x80  }
0x72: {  	[sflag:s10] =	ssyncset.done $0x0  }
0x73: {  	[sflag:s10] =	ssyncadd.s32 $0xFFFFFF80  }
0x74: {  	[spmem:s1] =	stream.indirect.scatter.add.f32 [tilespmem:s0], [sflag:$0x4], $0x80, s30, s29, $0xb8;
	[tilespmem:$0x1E900] =	vst v63  }
0x75: {  	s17 =	simm.s32 $0x14200;
	_ =	swait.ge [sflag:s11], $0x4000  }
0x76: {  	s19 =	sadd.s32 $0x0, s23;
	s16 =	sadd.s32 $0x100, s22;
	[sflag:s11] =	ssyncset.done $0x0  }
0x77: {  	s15 =	simm.s32 $0x20;
	s18 =	simm.s32 $0x14180;
	[sflag:s11] =	ssyncadd.s32 $0xFFFFC000  }
0x78: {  	[tilespmem:s30], [sflag:$0x6] =	stream.linear.gather [hbm4b:s19+s3], $0x80, $0x38;
	[tilespmem:$0x1E900] =	vst v63  }
.LBB2_4:
0x79: {  	[tilespmem:s0], [sflag:$0x2] =	stream.indirect.gather [hbm4b:s4+s29], $0x80, s18, s29, $0xb8;
	[tilespmem:$0x1E900] =	vst v63  }
0x7a: {  	s18 =	smov.u32 s15  }
0x7b: {  	p0 =	sne.s32 s15, $0x4A0;
	s15 =	sadd.s32 $0x20, s15;
	_ =	swait.ge [sflag:s2], $0x4000  }
0x7c: {  	[sflag:s2] =	ssyncset.done $0x0  }
0x7d: {  	[sflag:s2] =	ssyncadd.s32 $0xFFFFC000  }
0x7e: {  	_ =	swait.ge [sflag:s31], $0x80  }
0x7f: {  	[sflag:s31] =	ssyncset.done $0x0  }
0x80: {  	[sflag:s31] =	ssyncadd.s32 $0xFFFFFF80  }
0x81: {  	[spmem:s1] =	stream.indirect.scatter.add.f32 [tilespmem:s24], [sflag:$0x3], $0x80, s28, s29, $0xb8;
	[tilespmem:$0x1E900] =	vst v63  }
0x82: {  	_ =	swait.ge [sflag:s8], $0x4000  }
0x83: {  	s19 =	sshrl.u32 s16, $0x3;
	[sflag:s8] =	ssyncset.done $0x0  }
0x84: {  	s19 =	sadd.s32 s5, s19;
	[sflag:s8] =	ssyncadd.s32 $0xFFFFC000  }
0x85: {  	[tilespmem:s28], [sflag:$0x5] =	stream.linear.gather [hbm4b:s19+s3], $0x80, $0x38;
	[tilespmem:$0x1E900] =	vst v63  }
0x86: {  	_ = 	snop  }
0x87: {  	[tilespmem:s24], [sflag:$0x1] =	stream.indirect.gather [hbm4b:s4+s29], $0x80, s17, s29, $0xb8;
	[tilespmem:$0x1E900] =	vst v63  }
0x88: {  	_ =	swait.ge [sflag:s9], $0x4000  }
0x89: {  	[sflag:s9] =	ssyncset.done $0x0  }
0x8a: {  	[sflag:s9] =	ssyncadd.s32 $0xFFFFC000  }
0x8b: {  	_ =	swait.ge [sflag:s10], $0x80  }
0x8c: {  	[sflag:s10] =	ssyncset.done $0x0  }
0x8d: {  	[sflag:s10] =	ssyncadd.s32 $0xFFFFFF80  }
0x8e: {  	[spmem:s1] =	stream.indirect.scatter.add.f32 [tilespmem:s0], [sflag:$0x4], $0x80, s30, s29, $0xb8;
	[tilespmem:$0x1E900] =	vst v63  }
.Ltmp1:
0x8f: {  	_ =	swait.ge [sflag:s11], $0x4000;
	(pc) =	sbr.rel @p0 .LBB2_4-.Ltmp1, $4  }
0x90: {  	[sflag:s11] =	ssyncset.done $0x0  }
0x91: {  	s18 =	sadd.s32 s18, s23;
	[sflag:s11] =	ssyncadd.s32 $0xFFFFC000  }
0x92: {  	[tilespmem:s30], [sflag:$0x6] =	stream.linear.gather [hbm4b:s18+s3], $0x80, $0x38;
	[tilespmem:$0x1E900] =	vst v63  }
0x93: {  	s16 =	sadd.s32 $0x100, s16;
	s18 =	sadd.s32 $0x80, s17;
	s17 =	sadd.s32 $0x100, s17  }
0x94: {  	[tilespmem:s0], [sflag:$0x2] =	stream.indirect.gather [hbm4b:s4+s29], $0x80, s18, s29, $0xb8;
	[tilespmem:$0x1E900] =	vst v63  }
0x95: {  	_ =	swait.ge [sflag:s2], $0x4000  }
0x96: {  	[sflag:s2] =	ssyncset.done $0x0  }
0x97: {  	[sflag:s2] =	ssyncadd.s32 $0xFFFFC000  }
0x98: {  	_ =	swait.ge [sflag:s31], $0x80  }
0x99: {  	[sflag:s31] =	ssyncset.done $0x0  }
0x9a: {  	[sflag:s31] =	ssyncadd.s32 $0xFFFFFF80  }
0x9b: {  	[spmem:s1] =	stream.indirect.scatter.add.f32 [tilespmem:s24], [sflag:$0x3], $0x80, s28, s29, $0xb8;
	[tilespmem:$0x1E900] =	vst v63  }
0x9c: {  	_ =	swait.ge [sflag:s8], $0x4000  }
0x9d: {  	[sflag:s8] =	ssyncset.done $0x0  }
0x9e: {  	[sflag:s8] =	ssyncadd.s32 $0xFFFFC000  }
0x9f: {  	_ =	swait.ge [sflag:s9], $0x4000  }
0xa0: {  	[sflag:s9] =	ssyncset.done $0x0  }
0xa1: {  	[sflag:s9] =	ssyncadd.s32 $0xFFFFC000  }
0xa2: {  	_ =	swait.ge [sflag:s10], $0x80  }
0xa3: {  	[sflag:s10] =	ssyncset.done $0x0  }
0xa4: {  	[sflag:s10] =	ssyncadd.s32 $0xFFFFFF80  }
0xa5: {  	[spmem:s1] =	stream.indirect.scatter.add.f32 [tilespmem:s0], [sflag:$0x4], $0x80, s30, s29, $0xb8;
	[tilespmem:$0x1E900] =	vst v63  }
0xa6: {  	_ =	swait.ge [sflag:s11], $0x4000  }
0xa7: {  	[sflag:s11] =	ssyncset.done $0x0  }
0xa8: {  	s15 =	rddreg [dreg:$0x6];
	[sflag:s11] =	ssyncadd.s32 $0xFFFFC000  }
0xa9: {  	[tilespmem:s12], [sflag:$0x7] =	stream.linear.gather [hbm4b:s15+s3], $0x10, $0x38;
	[tilespmem:$0x1E900] =	vst v63  }
0xaa: {  	_ =	swait.ge [sflag:s25], $0x10  }
0xab: {  	[sflag:s25] =	ssyncset.done $0x0  }
0xac: {  	s17 =	simm.s32 $0x16700;
	[sflag:s25] =	ssyncadd.s32 $0xFFFFFFF0  }
0xad: {  	[tilespmem:s24], [sflag:$0x1] =	stream.indirect.gather [hbm4b:s4+s13], $0x80, s17, s13, $0xb8;
	[tilespmem:$0x1E900] =	vst v63  }
0xae: {  	_ =	swait.ge [sflag:s2], $0x800  }
0xaf: {  	[sflag:s2] =	ssyncset.done $0x0  }
0xb0: {  	[sflag:s2] =	ssyncadd.s32 $0xFFFFF800  }
0xb1: {  	[spmem:s1] =	stream.indirect.scatter.add.f32 [tilespmem:s24], [sflag:$0x7], $0x80, s12, s13, $0xb8;
	[tilespmem:$0x1E900] =	vst v63  }
0xb2: {  	_ =	swait.ge [sflag:s25], $0x800  }
0xb3: {  	[sflag:s25] =	ssyncset.done $0x0  }
0xb4: {  	s18 =	stileid.u32;
	[sflag:s25] =	ssyncadd.s32 $0xFFFFF800  }
0xb5: {  	s15 =	sshll.u32 s18, $0x6;
	[bflag:$0x0] =	sbarrier.arrive $0xFFFF  }
0xb6: {  	s16 =	sshrl.u32 s6, $0x3;
	s15 =	sor.u32 $0x1C07, s15;
	s17 =	rddreg [dreg:$0x7]  }
0xb7: {  	[hbm:s17], [sflag:s15] =	dma.local [spmem:s16], $0x2800  }
0xb8: {  	_ =	swait.ge [sflag:s25], $0x2800  }
0xb9: {  	s14 =	sadd.s32 $0x1, s14;
	s19 =	rddreg [dreg:$0x8]  }
0xba: {  	p0 =	sne.s32 s14, s19  }
.Ltmp2:
0xbb: {  	_ = 	snop;
	(pc) =	sbr.rel @p0 .LBB2_1-.Ltmp2, $3  }
0xbc: {  	_ =	sdelay $0x1  }
0xbd: {  	[sflag:s25] =	ssyncset.done $0x0  }
0xbe: {  	[sflag:s25] =	ssyncadd.s32 $0xFFFFD800  }
0xbf: {  	_ =	sfence.sel $0x180000  }
0xc0: {  	[bflag:$0x0] =	sbarrier.arrive $0xFFFF  }
0xc1: {  	_ =	strace $0x9000004D  }
0xc2: {  	s0 =	stileid.u32;
	[bflag:$0x2] =	sbarrier.arrive $0xFFFF  }
0xc3: {  	p0 =	sne.s32 s0, $0x0;
	s0 =	rddreg [dreg:$0x3]  }
0xc4: {  	s0 =	sadd.s32 @!p0 $0x100000, s0  }
0xc5: {  	[sflag:s0] =	ssyncadd.tile.s32 @!p0 $0x1;
	_ =	shalt  }
.Lfunc_end2:
_tile_overlayer_lowered:
.L_overlay_start_2:
0xc6: {  	(tag) =	ssettag $0x2  }
0xc7: {  	s0 =	rddreg [dreg:$0x0];
	s2 =	stileid.u32  }
0xc8: {  	s1 =	rddreg [dreg:$0x1];
	p0 =	sne.s32 s2, $0x0  }
0xc9: {  	s3 =	rddreg [dreg:$0x2];
	[bflag:$0x3] =	sbarrier.arrive $0xFFFF;
	s2 =	simm.s32 @!p0 $0x1C07  }
0xca: {  	[timem:s3], [sflag:s2] =	dma.local @!p0 [hbm:s0], s1  }
0xcb: {  	s0 =	simm.s32 @!p0 $0x7  }
0xcc: {  	_ =	swait.ge @!p0 [sflag:s0], s1  }
0xcd: {  	s1 =	ssub.s32 @!p0 $0x0, s1;
	[sflag:s0] =	ssyncset.done @!p0 $0x0  }
0xce: {  	[sflag:s0] =	ssyncadd.s32 @!p0 s1  }
0xcf: {  	[bflag:$0x3] =	sbarrier.arrive $0xFFFF  }
0xd0: {  	_ =	shalt  }

// kernel: kernel.8.cloned.1.call-start
scs
__scs_entry_jumppad:
0x0: {  	(pc) =	sbr.rel $0x88, $3  }
0x1: {  	(tag) =	ssettag $0x0;
	lr =	simm.s32 $0x1  }
0x2: {  	[smem:$0x3F91] =	sst lr;
	_ =	strace $0xD0000000  }
0x3: {  	_ = 	snop  }
0x4: {  	_ = 	snop  }
0x5: {  	_ = 	snop  }
0x6: {  	_ = 	snop  }
0x7: {  	_ = 	snop  }
__scs_overlays_trampoline_lowered:
0x8: {  	[smem:$0x3FA0] =	sst s0  }
0x9: {  	[smem:$0x3FA1] =	sst s1  }
0xa: {  	[smem:$0x3FA2] =	sst s2  }
0xb: {  	[smem:$0x3FA3] =	sst s3  }
0xc: {  	[smem:$0x3FA4] =	sst s4  }
0xd: {  	[smem:$0x3FA5] =	sst s5  }
0xe: {  	[smem:$0x3FA6] =	sst s6  }
0xf: {  	[smem:$0x3FA7] =	sst s7  }
0x10: {  	[smem:$0x3FA8] =	sst s8  }
0x11: {  	[smem:$0x3FA9] =	sst s9;
	s0 =	simm.s32 @!p0 $0x0  }
0x12: {  	s1 =	sld [smem:$0x3F8F];
	s0 =	simm.s32 @p0 $0x1  }
0x13: {  	[smem:$0x3FAA] =	sst s0;
	s0 =	simm.s32 @!p1 $0x0  }
0x14: {  	s2 =	sld [smem:$0x3F8E];
	s0 =	simm.s32 @p1 $0x1  }
0x15: {  	[smem:$0x3FAB] =	sst s0;
	s0 =	simm.s32 @!p2 $0x0  }
0x16: {  	s3 =	sld [smem:$0x3FDB];
	s0 =	simm.s32 @p2 $0x1  }
0x17: {  	s4 =	simm.s32 $0x1BF5;
	[smem:$0x3FAD] =	sst s0  }
0x18: {  	s0 =	sld [smem:$0x3F90];
	_ =	swait.ge [sflag:s4], $0x0  }
0x19: {  	s7 =	sld [smem:$0x3F91]  }
0x1a: {  	s8 =	sadd.s32 $0xFFFFE003, lr  }
0x1b: {  	s9 =	sadd.s32 $0xFFFFFEF7, lr;
	s5 =	simm.s32 $0xFFFFFFFF;
	p2 =	slt.u32 s8, $0xFFFFF086  }
0x1c: {  	p1 =	slt.u32 s9, $0xF7A;
	s5 =	simm.s32 @!p2 $0x0  }
0x1d: {  	s5 =	simm.s32 @p1 $0x1;
	p0 =	seq.s32 s7, s2  }
0x1e: {  	s7 =	smul.u32 @!p0 $0xF7A, s2;
	p2 =	seq.s32 @!p0 s5, $0x0  }
0x1f: {  	s9 =	smul.u32 $0xF7A, s1;
	s8 =	simm.s32 @!p0 $0x1BF5;
	p2 =	por !p2, p0  }
0x20: {  	[sflag:s8] =	ssyncset.s32 @!p0 $0xFFFFF086;
	s6 =	sadd.s32 @!p0 s3, s7;
	s7 =	simm.s32 @!p0 $0x108  }
0x21: {  	s3 =	sadd.s32 s3, s9;
	s6 =	sadd.s32 @!p0 $0x88, s6;
	s7 =	simm.s32 @p2 $0x1082  }
0x22: {  	[simem:s7], [sflag:s8] =	dma.local @!p0 [hbm:s6], $0xF7A  }
0x23: {  	s9 =	sor.u32 $0xD0000000, s2;
	s6 =	simm.s32 $0x108;
	_ =	swait.ge @!p0 [sflag:s8], $0x0  }
0x24: {  	s3 =	sadd.s32 $0x88, s3;
	s6 =	simm.s32 @!p1 $0x1082;
	[sflag:s4] =	ssyncset.s32 $0xFFFFF086  }
0x25: {  	[simem:s6], [sflag:s4] =	dma.local [hbm:s3], $0xF7A  }
0x26: {  	[smem:$0x3F91] =	sst s1;
	(tag) =	ssettag s2;
	_ =	strace s9  }
0x27: {  	s1 =	sld [smem:$0x3FA1]  }
0x28: {  	s2 =	sld [smem:$0x3FA2]  }
0x29: {  	s4 =	sld [smem:$0x3FA4]  }
0x2a: {  	p0 =	seq.s32 s5, $0x0;
	s5 =	sld [smem:$0x3FA5]  }
0x2b: {  	s6 =	sld [smem:$0x3FA6]  }
0x2c: {  	s7 =	sld [smem:$0x3FA7]  }
0x2d: {  	s3 =	simm.s32 $0x108;
	s8 =	sld [smem:$0x3FA8]  }
0x2e: {  	s3 =	simm.s32 @!p0 $0x1082;
	s9 =	sld [smem:$0x3FA9]  }
0x2f: {  	lr =	sadd.s32 s0, s3;
	s0 =	sld [smem:$0x3FA0]  }
0x30: {  	s3 =	sld [smem:$0x3FA3]  }
0x31: {  	[smem:$0x3FAC] =	sst s10  }
0x32: {  	s10 =	sld [smem:$0x3FAA];
	_ =	sdelay $0x3  }
0x33: {  	p0 =	seq.s32 s10, $0x1;
	s10 =	sld [smem:$0x3FAC];
	_ =	sdelay $0x3  }
0x34: {  	[smem:$0x3FAC] =	sst s10  }
0x35: {  	s10 =	sld [smem:$0x3FAB];
	_ =	sdelay $0x3  }
0x36: {  	p1 =	seq.s32 s10, $0x1;
	s10 =	sld [smem:$0x3FAC];
	_ =	sdelay $0x3  }
0x37: {  	[smem:$0x3FAC] =	sst s10  }
0x38: {  	s10 =	sld [smem:$0x3FAD]  }
0x39: {  	_ = 	snop;
	(pc) =	sbr.ind lr, $3  }
0x3a: {  	_ = 	snop  }
0x3b: {  	_ = 	snop  }
0x3c: {  	p2 =	seq.s32 s10, $0x1;
	s10 =	sld [smem:$0x3FAC]  }
0x3d: {  	_ =	shalt  }
0x3e: {  	_ =	shalt  }
0x3f: {  	_ =	shalt  }
0x40: {  	_ =	shalt  }
0x41: {  	_ =	shalt  }
0x42: {  	_ =	shalt  }
0x43: {  	_ =	shalt  }
0x44: {  	_ =	shalt  }
0x45: {  	_ =	shalt  }
0x46: {  	_ =	shalt  }
0x47: {  	_ =	shalt  }
0x48: {  	_ =	shalt  }
0x49: {  	_ =	shalt  }
0x4a: {  	_ =	shalt  }
0x4b: {  	_ =	shalt  }
0x4c: {  	_ =	shalt  }
0x4d: {  	_ =	shalt  }
0x4e: {  	_ =	shalt  }
0x4f: {  	_ =	shalt  }
0x50: {  	_ =	shalt  }
0x51: {  	_ =	shalt  }
0x52: {  	_ =	shalt  }
0x53: {  	_ =	shalt  }
0x54: {  	_ =	shalt  }
0x55: {  	_ =	shalt  }
0x56: {  	_ =	shalt  }
0x57: {  	_ =	shalt  }
0x58: {  	_ =	shalt  }
0x59: {  	_ =	shalt  }
0x5a: {  	_ =	shalt  }
0x5b: {  	_ =	shalt  }
0x5c: {  	_ =	shalt  }
0x5d: {  	_ =	shalt  }
0x5e: {  	_ =	shalt  }
0x5f: {  	_ =	shalt  }
0x60: {  	_ =	shalt  }
0x61: {  	_ =	shalt  }
0x62: {  	_ =	shalt  }
0x63: {  	_ =	shalt  }
0x64: {  	_ =	shalt  }
0x65: {  	_ =	shalt  }
0x66: {  	_ =	shalt  }
0x67: {  	_ =	shalt  }
0x68: {  	_ =	shalt  }
0x69: {  	_ =	shalt  }
0x6a: {  	_ =	shalt  }
0x6b: {  	_ =	shalt  }
0x6c: {  	_ =	shalt  }
0x6d: {  	_ =	shalt  }
0x6e: {  	_ =	shalt  }
0x6f: {  	_ =	shalt  }
0x70: {  	_ =	shalt  }
0x71: {  	_ =	shalt  }
0x72: {  	_ =	shalt  }
0x73: {  	_ =	shalt  }
0x74: {  	_ =	shalt  }
0x75: {  	_ =	shalt  }
0x76: {  	_ =	shalt  }
0x77: {  	_ =	shalt  }
0x78: {  	_ =	shalt  }
0x79: {  	_ =	shalt  }
0x7a: {  	_ =	shalt  }
0x7b: {  	_ =	shalt  }
0x7c: {  	_ =	shalt  }
0x7d: {  	_ =	shalt  }
0x7e: {  	_ =	shalt  }
0x7f: {  	_ =	shalt  }
0x80: {  	_ =	shalt  }
0x81: {  	_ =	shalt  }
0x82: {  	_ =	shalt  }
0x83: {  	_ =	shalt  }
0x84: {  	_ =	shalt  }
0x85: {  	_ =	shalt  }
0x86: {  	_ =	shalt  }
0x87: {  	_ =	shalt  }
.Lfunc_end0:
.L_simem_size_0:
called_computation_lowered:
.L_overlay_start_0:
0x88: {  	s2 =	sld [smem:$0x3FD9]  }
0x89: {  	s3 =	sld [smem:$0x3FFE];
	_ =	sdelay $0x1  }
0x8a: {  	s1 =	srdreg.scid  }
0x8b: {  	s0 =	sand.u32 $0x1, s1  }
0x8c: {  	s16 =	sshll.u32 s0, $0xA;
	s2 =	sadd.s32 s3, s2  }
0x8d: {  	s2 =	sadd.s32 s2, s16  }
0x8e: {  	[smem:$0x3FB8] =	sst s2  }
0x8f: {  	_ = 	snop  }
0x90: {  	(tm) =	ssettm $0x1  }
0x91: {  	s17 =	sld [smem:$0x3FFB];
	_ =	sdelay $0x3  }
0x92: {  	_ =	strace s17  }
0x93: {  	s2 =	sld [smem:$0x3FFC];
	_ =	sdelay $0x3  }
0x94: {  	_ =	strace s2  }
0x95: {  	s2 =	sld [smem:$0x3FFD];
	_ =	sdelay $0x3  }
0x96: {  	_ =	strace s2  }
0x97: {  	_ =	strace $0x8FFFFFFF  }
0x98: {  	s18 =	sld [smem:$0x3FDB];
	_ =	sdelay $0x1  }
0x99: {  	s19 =	simm.s32 $_scs_section_size  }
0x9a: {  	s4 =	simm.s32 $_size__tile_overlayer_lowered;
	s5 =	simm.s32 $_tile_overlayer_lowered  }
0x9b: {  	s22 =	simm.s32 $0x1BFF;
	s21 =	sshll.u32 s5, $0x1;
	s2 =	sadd.s32 s19, s18  }
0x9c: {  	s6 =	simm.s32 $0x0;
	s20 =	sshll.u32 s4, $0x1;
	s4 =	sadd.s32 s21, s2  }
0x9d: {  	[timem:s6], [sflag:s22] =	dma.local [hbm:s4], s20  }
0x9e: {  	_ =	swait.ge [sflag:s22], s20  }
0x9f: {  	s3 =	ssub.s32 $0x0, s20;
	[sflag:s22] =	ssyncset.done $0x0  }
0xa0: {  	[sflag:s22] =	ssyncadd.s32 s3;
	_ =	sdelay $0x1  }
0xa1: {  	s23 =	simm.s32 $0x1B8B  }
0xa2: {  	_ =	swait.ge [sflag:s23], $0x1  }
0xa3: {  	[sflag:s23] =	ssyncset.done $0x0  }
0xa4: {  	s25 =	simm.s32 $0x1B8E;
	s24 =	sld [smem:$0x3FFE];
	[sflag:s23] =	ssyncadd.s32 $0xFFFFFFFF  }
0xa5: {  	s26 =	simm.s32 $execute0_lowered;
	[smem:$0x3FD2] =	sst s25  }
0xa6: {  	s4 =	sshll.u32 s26, $0x1;
	_ =	strace $0x80000046;
	[dreg:$0x1] =	wrdreg $0xFFFFFFFF  }
0xa7: {  	s28 =	simm.s32 $_size_execute0_lowered;
	s2 =	sadd.s32 s2, s4;
	[dreg:$0x0] =	wrdreg $0x0  }
0xa8: {  	s4 =	sshll.u32 s28, $0x1;
	[dreg:$0x2] =	wrdreg s2  }
0xa9: {  	[dreg:$0x3] =	wrdreg s4  }
0xaa: {  	[dreg:$0x4] =	wrdreg $0xC0  }
0xab: {  	_ =	task [dreg:s6], $0x5FFFF  }
0xac: {  	[dreg:$0x1] =	wrdreg $0xFFFFFFFF  }
0xad: {  	[dreg:$0x0] =	wrdreg $0x60  }
0xae: {  	[dreg:$0x2] =	wrdreg s24  }
0xaf: {  	[dreg:$0x3] =	wrdreg $0x0  }
0xb0: {  	[dreg:$0x4] =	wrdreg $0x9  }
0xb1: {  	_ =	task.clear_ibuf [dreg:s6], $0x5FFFF;
	_ =	strace $0x90000046  }
0xb2: {  	s29 =	simm.s32 $0x9;
	_ =	strace $0x80000048  }
0xb3: {  	_ =	swait.ge [sflag:s29], $0x1  }
0xb4: {  	[sflag:s29] =	ssyncadd.s32 $0xFFFFFFFF  }
0xb5: {  	_ =	strace $0x90000048  }
0xb6: {  	_ =	sfence  }
0xb7: {  	s30 =	sld [smem:$0x0];
	_ =	sdelay $0x2  }
0xb8: {  	s31 =	sshll.u32 s1, $0xD;
	s1 =	sshrl.u32 s1, $0x2  }
0xb9: {  	s3 =	sand.u32 $0x4000, s31;
	s1 =	sadd.s32 s1, s30  }
0xba: {  	s0 =	sor.u32 s3, s0;
	s1 =	sshll.u32 s1, $0x11  }
0xbb: {  	s0 =	sor.u32 s1, s0  }
0xbc: {  	s0 =	sadd.s32 $0x8F2B, s0  }
0xbd: {  	[sflag:s0] =	ssyncadd.remote.s32 $0x1  }
0xbe: {  	_ =	sfence.sel $0xFFFF  }
0xbf: {  	[dreg:$0x0] =	wrdreg $0xFFFFFFFF;
	(pc) =	sbr.abs _section_cstart, $3  }
0xc0: {  	[dreg:$0x1] =	wrdreg $0xFFFFFFFF  }
0xc1: {  	_ =	task.clear_ibuf [dreg:s6], $0x2FFFF;
	_ =	strace $0x9FFFFFFF  }
0xc2: {  	(tm) =	ssettm $0x7FFFFFFF  }
0xc3: {  	_ =	shalt  }
tec
execute0_lowered:
.L_overlay_start_1:
0x0: {  	(tag) =	ssettag $0x1  }
0x1: {  	s4 =	rddreg [dreg:$0x0];
	s0 =	srdreg.scid  }
0x2: {  	s2 =	rddreg [dreg:$0x1];
	s1 =	stileid.u32  }
0x3: {  	s3 =	simm.s32 $0x0;
	s10 =	simm.s32 $0x280;
	s11 =	simm.s32 $0x80  }
0x4: {  	s12 =	simm.s32 $0x2A00;
	s13 =	simm.s32 $0x2B80;
	s14 =	simm.s32 $0x1  }
0x5: {  	s15 =	simm.s32 $0x2A80;
	s16 =	simm.s32 $0x2;
	s17 =	simm.s32 $0x10  }
0x6: {  	s18 =	simm.s32 $0x2B00;
	s5 =	sand.u32 $0x1, s0;
	s0 =	rddreg [dreg:$0x2]  }
0x7: {  	s21 =	simm.s32 $0x0;
	s7 =	smul.u32 $0x280, s1;
	[smem:$0x7FF] =	sst s3  }
0x8: {  	s19 =	sshll.u32 s1, $0x6;
	s6 =	sshll.u32 s5, $0x4;
	s8 =	smul.u32 $0x2800, s5  }
0x9: {  	_ =	strace $0x80000047;
	s5 =	ssub.s32 $0x2, s5;
	s6 =	sor.u32 s1, s6  }
0xa: {  	s9 =	sshrl.u32 s5, $0x1;
	s6 =	smul.u32 $0x4E2, s6;
	s8 =	sadd.s32 s7, s8  }
0xb: {  	s19 =	sor.u32 $0x1C03, s19;
	s9 =	ssub.s32 s5, s9;
	s8 =	sshrl.u32 s8, $0x3  }
0xc: {  	s6 =	sadd.s32 s6, s4;
	s8 =	sadd.s32 s8, s4;
	s4 =	sadd.s32 s7, s2  }
0xd: {  	s7 =	smax.u32 s9, $0x1;
	s9 =	simm.s32 $0x3;
	s5 =	sadd.s32 $0x3200, s6  }
0xe: {  	v0 =	vimm.f32 $0.0e+00;
	v1 =	vimm.f32 $1.000000000e+00;
	s6 =	sadd.s32 $0xD000, s8;
	s8 =	simm.s32 $0x2C00;
	s20 =	sshrl.u32 s4, $0x3  }
.LBB2_1:
0xf: {  	[tilespmem:$0x2C00] =	vst v0  }
0x10: {  	[tilespmem:$0x2C10] =	vst v0  }
0x11: {  	[tilespmem:$0x2C20] =	vst v0  }
0x12: {  	[tilespmem:$0x2C30] =	vst v0  }
0x13: {  	[tilespmem:$0x2C40] =	vst v0  }
0x14: {  	[tilespmem:$0x2C50] =	vst v0  }
0x15: {  	[tilespmem:$0x2C60] =	vst v0  }
0x16: {  	[tilespmem:$0x2C70] =	vst v0  }
0x17: {  	[tilespmem:$0x2C80] =	vst v0  }
0x18: {  	[tilespmem:$0x2C90] =	vst v0  }
0x19: {  	[tilespmem:$0x2CA0] =	vst v0  }
0x1a: {  	[tilespmem:$0x2CB0] =	vst v0  }
0x1b: {  	[tilespmem:$0x2CC0] =	vst v0  }
0x1c: {  	[tilespmem:$0x2CD0] =	vst v0  }
0x1d: {  	[tilespmem:$0x2CE0] =	vst v0  }
0x1e: {  	[tilespmem:$0x2CF0] =	vst v0  }
0x1f: {  	[tilespmem:$0x2D00] =	vst v0  }
0x20: {  	[tilespmem:$0x2D10] =	vst v0  }
0x21: {  	[tilespmem:$0x2D20] =	vst v0  }
0x22: {  	[tilespmem:$0x2D30] =	vst v0  }
0x23: {  	[tilespmem:$0x2D40] =	vst v0  }
0x24: {  	[tilespmem:$0x2D50] =	vst v0  }
0x25: {  	[tilespmem:$0x2D60] =	vst v0  }
0x26: {  	[tilespmem:$0x2D70] =	vst v0  }
0x27: {  	[tilespmem:$0x2D80] =	vst v0  }
0x28: {  	[tilespmem:$0x2D90] =	vst v0  }
0x29: {  	[tilespmem:$0x2DA0] =	vst v0  }
0x2a: {  	[tilespmem:$0x2DB0] =	vst v0  }
0x2b: {  	[tilespmem:$0x2DC0] =	vst v0  }
0x2c: {  	[tilespmem:$0x2DD0] =	vst v0  }
0x2d: {  	[tilespmem:$0x2DE0] =	vst v0  }
0x2e: {  	[tilespmem:$0x2DF0] =	vst v0  }
0x2f: {  	[tilespmem:$0x2E00] =	vst v0  }
0x30: {  	[tilespmem:$0x2E10] =	vst v0  }
0x31: {  	[tilespmem:$0x2E20] =	vst v0  }
0x32: {  	[tilespmem:$0x2E30] =	vst v0  }
0x33: {  	[tilespmem:$0x2E40] =	vst v0  }
0x34: {  	[tilespmem:$0x2E50] =	vst v0  }
0x35: {  	[tilespmem:$0x2E60] =	vst v0  }
0x36: {  	[tilespmem:$0x2E70] =	vst v0  }
0x37: {  	[tilespmem:$0x2B80] =	vst v1  }
0x38: {  	[tilespmem:$0x2B90] =	vst v1  }
0x39: {  	[tilespmem:$0x2BA0] =	vst v1  }
0x3a: {  	[tilespmem:$0x2BB0] =	vst v1  }
0x3b: {  	[tilespmem:$0x2BC0] =	vst v1  }
0x3c: {  	[tilespmem:$0x2BD0] =	vst v1  }
0x3d: {  	[tilespmem:$0x2BE0] =	vst v1  }
0x3e: {  	[tilespmem:$0x2BF0] =	vst v1  }
0x3f: {  	[spmem:s4] =	stream.linear.scatter [tilespmem:s8], [sflag:$0x3], $0x280, $0x38;
	[tilespmem:$0x2E80] =	vst v63  }
0x40: {  	_ =	swait.ge [sflag:s9], $0x280  }
0x41: {  	[sflag:s9] =	ssyncset.done $0x0  }
0x42: {  	[sflag:s9] =	ssyncadd.s32 $0xFFFFFD80  }
0x43: {  	[tilespmem:s10], [sflag:$0x3] =	stream.linear.gather [hbm4b:s5+s3], $0x2710, $0x38;
	[tilespmem:$0x2E80] =	vst v63  }
0x44: {  	_ =	swait.ge [sflag:s9], $0x2710  }
0x45: {  	[sflag:s9] =	ssyncset.done $0x0  }
0x46: {  	[sflag:s9] =	ssyncadd.s32 $0xFFFFD8F0  }
0x47: {  	[bflag:$0x0] =	sbarrier.arrive $0xFFFF  }
0x48: {  	v2 =	vld [tilespmem:$0x280]  }
0x49: {  	v3 =	vld [tilespmem:$0x290]  }
0x4a: {  	v4 =	vld [tilespmem:$0x2A0]  }
0x4b: {  	v5 =	vld [tilespmem:$0x2B0]  }
0x4c: {  	v6 =	vld [tilespmem:$0x2C0]  }
0x4d: {  	[tilespmem:$0x2A00] =	vst v2;
	v2 =	vld [tilespmem:$0x2D0]  }
0x4e: {  	v58 =	vld [tilespmem:$0x2F0];
	[tilespmem:$0x2A10] =	vst v3  }
0x4f: {  	v59 =	vld [tilespmem:$0x300];
	[tilespmem:$0x2A20] =	vst v4  }
0x50: {  	v60 =	vld [tilespmem:$0x310];
	[tilespmem:$0x2A30] =	vst v5  }
0x51: {  	v3 =	vld [tilespmem:$0x2E0];
	[tilespmem:$0x2A40] =	vst v6  }
0x52: {  	[tilespmem:$0x2A50] =	vst v2;
	v2 =	vld [tilespmem:$0x320]  }
0x53: {  	v61 =	vld [tilespmem:$0x340];
	[tilespmem:$0x2A70] =	vst v58  }
0x54: {  	v62 =	vld [tilespmem:$0x350];
	[tilespmem:$0x2A80] =	vst v59  }
0x55: {  	v63 =	vld [tilespmem:$0x360];
	[tilespmem:$0x2A90] =	vst v60  }
0x56: {  	[tilespmem:$0x2A60] =	vst v3;
	v3 =	vld [tilespmem:$0x330]  }
0x57: {  	[tilespmem:$0x2AA0] =	vst v2;
	v2 =	vld [tilespmem:$0x370]  }
0x58: {  	[tilespmem:$0x2AC0] =	vst v61  }
0x59: {  	[tilespmem:$0x2AD0] =	vst v62  }
0x5a: {  	[tilespmem:$0x2AE0] =	vst v63  }
0x5b: {  	[tilespmem:$0x2AB0] =	vst v3  }
0x5c: {  	[tilespmem:$0x2AF0] =	vst v2  }
0x5d: {  	[spmem:s2] =	stream.indirect.scatter.add.f32 [tilespmem:s13], [sflag:$0x1], $0x1, s12, s11, $0xb8;
	[tilespmem:$0x2E80] =	vst v63  }
0x5e: {  	_ =	swait.ge [sflag:s14], $0x80  }
0x5f: {  	[sflag:s14] =	ssyncset.done $0x0  }
0x60: {  	s23 =	simm.s32 $0x1F0;
	[sflag:s14] =	ssyncadd.s32 $0xFFFFFF80  }
0x61: {  	v2 =	vld [tilespmem:s23+$0x190];
	_ =	sdelay $0x4  }
0x62: {  	[tilespmem:$0x2A00] =	vst v2  }
0x63: {  	v2 =	vld [tilespmem:s23+$0x1A0];
	_ =	sdelay $0x4  }
0x64: {  	[tilespmem:$0x2A10] =	vst v2  }
0x65: {  	v2 =	vld [tilespmem:s23+$0x1B0];
	_ =	sdelay $0x4  }
0x66: {  	[tilespmem:$0x2A20] =	vst v2  }
0x67: {  	v2 =	vld [tilespmem:s23+$0x1C0];
	_ =	sdelay $0x4  }
0x68: {  	[tilespmem:$0x2A30] =	vst v2  }
0x69: {  	v2 =	vld [tilespmem:s23+$0x1D0];
	_ =	sdelay $0x4  }
0x6a: {  	[tilespmem:$0x2A40] =	vst v2  }
0x6b: {  	v2 =	vld [tilespmem:s23+$0x1E0];
	_ =	sdelay $0x4  }
0x6c: {  	[tilespmem:$0x2A50] =	vst v2  }
0x6d: {  	v2 =	vld [tilespmem:s23+$0x1F0];
	_ =	sdelay $0x4  }
0x6e: {  	[tilespmem:$0x2A60] =	vst v2  }
0x6f: {  	v2 =	vld [tilespmem:s23+$0x200];
	_ =	sdelay $0x4  }
0x70: {  	[tilespmem:$0x2A70] =	vst v2  }
0x71: {  	[spmem:s2] =	stream.indirect.scatter.add.f32 [tilespmem:s13], [sflag:$0x2], $0x1, s15, s11, $0xb8;
	[tilespmem:$0x2E80] =	vst v63  }
0x72: {  	_ =	swait.ge [sflag:s16], $0x80  }
0x73: {  	[sflag:s16] =	ssyncset.done $0x0  }
0x74: {  	[sflag:s16] =	ssyncadd.s32 $0xFFFFFF80  }
0x75: {  	v2 =	vld [tilespmem:s23+$0x210];
	_ =	sdelay $0x4  }
0x76: {  	[tilespmem:$0x2A80] =	vst v2  }
0x77: {  	v2 =	vld [tilespmem:s23+$0x220];
	_ =	sdelay $0x4  }
0x78: {  	[tilespmem:$0x2A90] =	vst v2  }
0x79: {  	v2 =	vld [tilespmem:s23+$0x230];
	_ =	sdelay $0x4  }
0x7a: {  	[tilespmem:$0x2AA0] =	vst v2  }
0x7b: {  	v2 =	vld [tilespmem:s23+$0x240];
	_ =	sdelay $0x4  }
0x7c: {  	[tilespmem:$0x2AB0] =	vst v2  }
0x7d: {  	v2 =	vld [tilespmem:s23+$0x250];
	_ =	sdelay $0x4  }
0x7e: {  	[tilespmem:$0x2AC0] =	vst v2  }
0x7f: {  	v2 =	vld [tilespmem:s23+$0x260];
	_ =	sdelay $0x4  }
0x80: {  	[tilespmem:$0x2AD0] =	vst v2  }
0x81: {  	v2 =	vld [tilespmem:s23+$0x270];
	_ =	sdelay $0x4  }
0x82: {  	[tilespmem:$0x2AE0] =	vst v2  }
0x83: {  	s22 =	simm.s32 $0xBC0;
	v2 =	vld [tilespmem:s23+$0x280]  }
.LBB2_2:
0x84: {  	_ =	sdelay $0x3  }
0x85: {  	p0 =	sne.s32 s22, $0x9BC0;
	s23 =	smov.u32 s22;
	s22 =	sadd.s32 $0x400, s22;
	[tilespmem:$0x2AF0] =	vst v2  }
0x86: {  	[spmem:s2] =	stream.indirect.scatter.add.f32 [tilespmem:s13], [sflag:$0x1], $0x1, s12, s11, $0xb8;
	[tilespmem:$0x2E80] =	vst v63  }
0x87: {  	_ =	swait.ge [sflag:s14], $0x80  }
0x88: {  	[sflag:s14] =	ssyncset.done $0x0  }
0x89: {  	s23 =	sshra.s32 s23, $0x2;
	[sflag:s14] =	ssyncadd.s32 $0xFFFFFF80  }
0x8a: {  	v2 =	vld [tilespmem:s23+$0x190];
	_ =	sdelay $0x4  }
0x8b: {  	[tilespmem:$0x2A00] =	vst v2  }
0x8c: {  	v2 =	vld [tilespmem:s23+$0x1A0];
	_ =	sdelay $0x4  }
0x8d: {  	[tilespmem:$0x2A10] =	vst v2  }
0x8e: {  	v2 =	vld [tilespmem:s23+$0x1B0];
	_ =	sdelay $0x4  }
0x8f: {  	[tilespmem:$0x2A20] =	vst v2  }
0x90: {  	v2 =	vld [tilespmem:s23+$0x1C0];
	_ =	sdelay $0x4  }
0x91: {  	[tilespmem:$0x2A30] =	vst v2  }
0x92: {  	v2 =	vld [tilespmem:s23+$0x1D0];
	_ =	sdelay $0x4  }
0x93: {  	[tilespmem:$0x2A40] =	vst v2  }
0x94: {  	v2 =	vld [tilespmem:s23+$0x1E0];
	_ =	sdelay $0x4  }
0x95: {  	[tilespmem:$0x2A50] =	vst v2  }
0x96: {  	v2 =	vld [tilespmem:s23+$0x1F0];
	_ =	sdelay $0x4  }
0x97: {  	[tilespmem:$0x2A60] =	vst v2  }
0x98: {  	v2 =	vld [tilespmem:s23+$0x200];
	_ =	sdelay $0x4  }
0x99: {  	[tilespmem:$0x2A70] =	vst v2  }
0x9a: {  	[spmem:s2] =	stream.indirect.scatter.add.f32 [tilespmem:s13], [sflag:$0x2], $0x1, s15, s11, $0xb8;
	[tilespmem:$0x2E80] =	vst v63  }
0x9b: {  	_ =	swait.ge [sflag:s16], $0x80  }
0x9c: {  	[sflag:s16] =	ssyncset.done $0x0  }
0x9d: {  	[sflag:s16] =	ssyncadd.s32 $0xFFFFFF80  }
0x9e: {  	v2 =	vld [tilespmem:s23+$0x210];
	_ =	sdelay $0x4  }
0x9f: {  	[tilespmem:$0x2A80] =	vst v2  }
0xa0: {  	v2 =	vld [tilespmem:s23+$0x220];
	_ =	sdelay $0x4  }
0xa1: {  	[tilespmem:$0x2A90] =	vst v2  }
0xa2: {  	v2 =	vld [tilespmem:s23+$0x230];
	_ =	sdelay $0x4  }
0xa3: {  	[tilespmem:$0x2AA0] =	vst v2  }
0xa4: {  	v2 =	vld [tilespmem:s23+$0x240];
	_ =	sdelay $0x4  }
0xa5: {  	[tilespmem:$0x2AB0] =	vst v2  }
0xa6: {  	v2 =	vld [tilespmem:s23+$0x250];
	_ =	sdelay $0x4  }
0xa7: {  	[tilespmem:$0x2AC0] =	vst v2  }
0xa8: {  	v2 =	vld [tilespmem:s23+$0x260];
	_ =	sdelay $0x4  }
0xa9: {  	[tilespmem:$0x2AD0] =	vst v2  }
0xaa: {  	v2 =	vld [tilespmem:s23+$0x270];
	_ =	sdelay $0x1  }
.Ltmp0:
0xab: {  	(pc) =	sbr.rel @p0 .LBB2_2-.Ltmp0, $3  }
0xac: {  	_ =	sdelay $0x1  }
0xad: {  	[tilespmem:$0x2AE0] =	vst v2  }
0xae: {  	v2 =	vld [tilespmem:s23+$0x280]  }
0xaf: {  	_ =	sdelay $0x3  }
0xb0: {  	[tilespmem:$0x2AF0] =	vst v2  }
0xb1: {  	[spmem:s2] =	stream.indirect.scatter.add.f32 [tilespmem:s13], [sflag:$0x1], $0x1, s12, s11, $0xb8;
	[tilespmem:$0x2E80] =	vst v63  }
0xb2: {  	_ = 	snop  }
0xb3: {  	[spmem:s2] =	stream.indirect.scatter.add.f32 [tilespmem:s13], [sflag:$0x2], $0x1, s15, s11, $0xb8;
	[tilespmem:$0x2E80] =	vst v63  }
0xb4: {  	_ =	swait.ge [sflag:s14], $0x80  }
0xb5: {  	[sflag:s14] =	ssyncset.done $0x0  }
0xb6: {  	[sflag:s14] =	ssyncadd.s32 $0xFFFFFF80  }
0xb7: {  	_ =	swait.ge [sflag:s16], $0x80  }
0xb8: {  	[sflag:s16] =	ssyncset.done $0x0  }
0xb9: {  	[sflag:s16] =	ssyncadd.s32 $0xFFFFFF80  }
0xba: {  	v2 =	vld [tilespmem:$0x2980];
	_ =	sdelay $0x4  }
0xbb: {  	[tilespmem:$0x2B00] =	vst v2  }
0xbc: {  	[spmem:s2] =	stream.indirect.scatter.add.f32 [tilespmem:s13], [sflag:$0x3], $0x1, s18, s17, $0xb8;
	[tilespmem:$0x2E80] =	vst v63  }
0xbd: {  	_ =	swait.ge [sflag:s9], $0x10  }
0xbe: {  	s21 =	sadd.s32 $0x1, s21;
	[sflag:s9] =	ssyncset.done $0x0  }
0xbf: {  	p0 =	sne.s32 s21, s7;
	[sflag:s9] =	ssyncadd.s32 $0xFFFFFFF0  }
.Ltmp1:
0xc0: {  	[bflag:$0x0] =	sbarrier.arrive $0xFFFF;
	(pc) =	sbr.rel @p0 .LBB2_1-.Ltmp1, $4  }
0xc1: {  	[hbm:s6], [sflag:s19] =	dma.local [spmem:s20], $0x50  }
0xc2: {  	_ =	swait.ge [sflag:s9], $0x50  }
0xc3: {  	[sflag:s9] =	ssyncset.done $0x0  }
0xc4: {  	[sflag:s9] =	ssyncadd.s32 $0xFFFFFFB0  }
0xc5: {  	_ =	sfence.sel $0x180000  }
0xc6: {  	[bflag:$0x0] =	sbarrier.arrive $0xFFFF  }
0xc7: {  	p0 =	sne.s32 s1, $0x0;
	_ =	strace $0x90000047  }
0xc8: {  	s0 =	sadd.s32 @!p0 $0x100000, s0;
	[bflag:$0x2] =	sbarrier.arrive $0xFFFF  }
0xc9: {  	[sflag:s0] =	ssyncadd.tile.s32 @!p0 $0x1;
	_ =	shalt  }
.Lfunc_end2:
_tile_overlayer_lowered:
.L_overlay_start_2:
0xca: {  	(tag) =	ssettag $0x2  }
0xcb: {  	s0 =	rddreg [dreg:$0x0];
	s2 =	stileid.u32  }
0xcc: {  	s1 =	rddreg [dreg:$0x1];
	p0 =	sne.s32 s2, $0x0  }
0xcd: {  	s3 =	rddreg [dreg:$0x2];
	[bflag:$0x3] =	sbarrier.arrive $0xFFFF;
	s2 =	simm.s32 @!p0 $0x1C03  }
0xce: {  	[timem:s3], [sflag:s2] =	dma.local @!p0 [hbm:s0], s1  }
0xcf: {  	s0 =	simm.s32 @!p0 $0x3  }
0xd0: {  	_ =	swait.ge @!p0 [sflag:s0], s1  }
0xd1: {  	s1 =	ssub.s32 @!p0 $0x0, s1;
	[sflag:s0] =	ssyncset.done @!p0 $0x0  }
0xd2: {  	[sflag:s0] =	ssyncadd.s32 @!p0 s1  }
0xd3: {  	[bflag:$0x3] =	sbarrier.arrive $0xFFFF  }
0xd4: {  	_ =	shalt  }

</sc_bundles>
